<compile_context>
chip_gen: v7x
topology: tpu7x:2x2x1
jax: 0.10.2.dev20260603
libtpu: 0.0.44.dev20260713+nightly
codegen_flags: <defaults>
</compile_context>

<pallas_src>
import functools

import jax
import jax.numpy as jnp
from jax import lax
from jax.experimental import pallas as pl
from jax.experimental.pallas import tpu as pltpu
from jax.experimental.pallas import tpu_sc as plsc

N = 10000
NC, NS = 2, 16
NW = NC * NS
NP = 10112
RPS = NP // NS
CHUNK = 80

_MESH = dict(core_axis_name="c", subcore_axis_name="s",
             num_cores=NC, num_subcores=NS)
_SC_PARAMS = pltpu.CompilerParams(needs_layout_passes=False)



DR = 640
DRS = DR // NS


def _deg_body(dst_hbm, zeros_hbm, out_hbm, dstf_v, local_v, ew):
    c = lax.axis_index("c")
    s = lax.axis_index("s")
    wid = c * NS + s
    pltpu.sync_copy(zeros_hbm, local_v)
    pltpu.sync_copy(dst_hbm.at[wid], dstf_v)

    ones = jnp.ones((16,), jnp.float32)

    def hist(i, _):
        idx = dstf_v[pl.ds(i * 16, 16)]
        hi = lax.shift_right_logical(idx, 4)
        lo = jnp.bitwise_and(idx, 15)
        plsc.addupdate_scatter(local_v, [hi, lo], ones)
        return 0

    lax.fori_loop(0, ew // 16, hist, 0)
    pltpu.sync_copy(local_v, out_hbm.at[wid])


def _make_deg_kernel(ew):
    return functools.partial(
        pl.kernel,
        out_type=jax.ShapeDtypeStruct((NW, DR, 16), jnp.float32),
        mesh=plsc.VectorSubcoreMesh(**_MESH),
        compiler_params=_SC_PARAMS,
        scratch_types=[
            pltpu.VMEM((ew,), jnp.int32),
            pltpu.VMEM((DR, 16), jnp.float32),
        ],
    )(functools.partial(_deg_body, ew=ew))


def _edge_body(src_hbm, dst_hbm, g_hbm, zeros_hbm, out_hbm,
               srcb0, srcb1, srcb2, dstv, rows0, rows1, rows2, acc_sh,
               gsem0, gsem1, gsem2, ssem0, ssem1, ssem2,
               csem0, csem1, csem2, *, nch, d):
    c = lax.axis_index("c")
    s = lax.axis_index("s")
    wid = c * NS + s
    rows = (rows0, rows1, rows2)
    srcb = (srcb0, srcb1, srcb2)
    gsems = (gsem0, gsem1, gsem2)
    ssems = (ssem0, ssem1, ssem2)
    csems = (csem0, csem1, csem2)

    pltpu.sync_copy(dst_hbm.at[wid], dstv)
    for k in range(3):
        pltpu.async_copy(src_hbm.at[wid, k], srcb[k], csems[k])
    pltpu.sync_copy(zeros_hbm, acc_sh.at[pl.ds(s * RPS, RPS)])
    plsc.subcore_barrier()

    for k in range(2):
        pltpu.make_async_copy(src_hbm.at[wid, k], srcb[k], csems[k]).wait()
        pltpu.async_copy(g_hbm.at[srcb[k]], rows[k], gsems[k])

    def outer(i0, _):
        for b in range(3):
            i = i0 * 3 + b

            @pl.when(i < nch)
            def _():
                pltpu.make_async_copy(g_hbm.at[srcb[b]], rows[b],
                                      gsems[b]).wait()

                @pl.when(i + 3 < nch)
                def _():
                    pltpu.async_copy(src_hbm.at[wid, i + 3], srcb[b],
                                     csems[b])

                pltpu.async_copy(rows[b], acc_sh.at[dstv.at[i]], ssems[b],
                                 add=True)

                jb = (b + 2) % 3

                @pl.when(i + 2 < nch)
                def _():
                    @pl.when(i >= 1)
                    def _():
                        pltpu.make_async_copy(
                            rows[jb], acc_sh.at[dstv.at[i - 1]],
                            ssems[jb]).wait()

                    pltpu.make_async_copy(src_hbm.at[wid, i + 2], srcb[jb],
                                          csems[jb]).wait()
                    pltpu.async_copy(g_hbm.at[srcb[jb]], rows[jb], gsems[jb])
        return 0

    lax.fori_loop(0, (nch + 2) // 3, outer, 0)
    for k in (nch - 3, nch - 2, nch - 1):
        pltpu.make_async_copy(rows[k % 3], acc_sh.at[dstv.at[k]],
                              ssems[k % 3]).wait()
    plsc.subcore_barrier()
    pltpu.sync_copy(acc_sh.at[pl.ds(s * RPS, RPS)],
                    out_hbm.at[c, pl.ds(s * RPS, RPS)])


def _make_edge_kernel(nch, d):
    return functools.partial(
        pl.kernel,
        out_type=jax.ShapeDtypeStruct((NC, NP, d), jnp.float32),
        mesh=plsc.VectorSubcoreMesh(**_MESH),
        compiler_params=_SC_PARAMS,
        scratch_types=[
            pltpu.VMEM((CHUNK,), jnp.int32),
            pltpu.VMEM((CHUNK,), jnp.int32),
            pltpu.VMEM((CHUNK,), jnp.int32),
            pltpu.VMEM((nch, CHUNK), jnp.int32),
            pltpu.VMEM((CHUNK, d), jnp.float32),
            pltpu.VMEM((CHUNK, d), jnp.float32),
            pltpu.VMEM((CHUNK, d), jnp.float32),
            pltpu.VMEM_SHARED((NP, d), jnp.float32),
            pltpu.SemaphoreType.DMA,
            pltpu.SemaphoreType.DMA,
            pltpu.SemaphoreType.DMA,
            pltpu.SemaphoreType.DMA,
            pltpu.SemaphoreType.DMA,
            pltpu.SemaphoreType.DMA,
            pltpu.SemaphoreType.DMA,
            pltpu.SemaphoreType.DMA,
            pltpu.SemaphoreType.DMA,
        ],
    )(functools.partial(_edge_body, nch=nch, d=d))



BLK = 1000


def _dis(dis_ref):
    return dis_ref[...]


def _dis_body(deg_ref, o_ref):
    o_ref[...] = lax.rsqrt(jnp.sum(deg_ref[...], axis=0) + 1.0)


def _dis_kernel(degp):
    return pl.pallas_call(
        _dis_body,
        out_shape=jax.ShapeDtypeStruct((DR * 16 // 128, 128), jnp.float32),
    )(degp)


def _mm_first_body(deg_ref, x_ref, w_ref, o_ref):
    o_ref[...] = _dis(deg_ref) * jnp.dot(
        x_ref[...], w_ref[...], preferred_element_type=jnp.float32)


def _mm_mid_body(deg_ref, acc_ref, g_ref, b_ref, w_ref, o_ref):
    dis = _dis(deg_ref)
    pre = dis * (acc_ref[0] + acc_ref[1] + g_ref[...]) + b_ref[...]
    act = jnp.maximum(pre, 0.0)
    o_ref[...] = dis * jnp.dot(act, w_ref[...],
                               preferred_element_type=jnp.float32)


def _mm_final_body(deg_ref, acc_ref, g_ref, b_ref, o_ref):
    dis = _dis(deg_ref)
    res = dis * (acc_ref[0] + acc_ref[1] + g_ref[...])
    o_ref[...] = res[:, :b_ref.shape[1]] + b_ref[...]


def _deg_spec():
    return pl.BlockSpec((BLK, 1), lambda i: (i, 0))


def _acc_spec(d):
    return pl.BlockSpec((NC, BLK, d), lambda i: (0, i, 0))


def _row_spec(d):
    return pl.BlockSpec((BLK, d), lambda i: (i, 0))


def _full_spec(r, c):
    return pl.BlockSpec((r, c), lambda i: (0, 0))


def _mm_first(degp, x, w):
    return pl.pallas_call(
        _mm_first_body,
        grid=(N // BLK,),
        in_specs=[_deg_spec(), _row_spec(x.shape[1]), _full_spec(*w.shape)],
        out_specs=_row_spec(w.shape[1]),
        out_shape=jax.ShapeDtypeStruct((N, w.shape[1]), jnp.float32),
    )(degp, x, w)


def _mm_mid(degp, acc, g, b, w):
    d_in, d_out = w.shape
    return pl.pallas_call(
        _mm_mid_body,
        grid=(N // BLK,),
        in_specs=[_deg_spec(), _acc_spec(d_in), _row_spec(d_in),
                  _full_spec(1, d_in), _full_spec(d_in, d_out)],
        out_specs=_row_spec(d_out),
        out_shape=jax.ShapeDtypeStruct((N, d_out), jnp.float32),
    )(degp, acc, g, b, w)


def _mm_final(degp, acc, g, b):
    d = g.shape[1]
    d_out = b.shape[1]
    return pl.pallas_call(
        _mm_final_body,
        grid=(N // BLK,),
        in_specs=[_deg_spec(), _acc_spec(d), _row_spec(d),
                  _full_spec(1, d_out)],
        out_specs=_row_spec(d_out),
        out_shape=jax.ShapeDtypeStruct((N, d_out), jnp.float32),
    )(degp, acc, g, b)



def kernel(x, edge_index, W1, b1, W2, b2, W3, b3):
    assert x.shape[0] == N
    e = edge_index.shape[1]
    ew = e // NW
    assert e == ew * NW and ew % 16 == 0
    nch = -(-ew // CHUNK)
    ewp = nch * CHUNK

    ei = edge_index.astype(jnp.int32)
    src_w = ei[0].reshape(NW, ew)
    dst_w = ei[1].reshape(NW, ew)
    src = jnp.pad(src_w, ((0, 0), (0, ewp - ew))).reshape(NW, nch, CHUNK)
    junk = N + (jnp.arange(NW * (ewp - ew), dtype=jnp.int32) % (NP - N))
    dst = jnp.concatenate(
        [dst_w, junk.reshape(NW, ewp - ew)], axis=1).reshape(NW, nch, CHUNK)
    dstf = dst_w

    z16 = jnp.zeros((DR, 16), jnp.float32)
    z128 = jnp.zeros((RPS, 128), jnp.float32)

    deg_k = _make_deg_kernel(ew)
    edge128 = _make_edge_kernel(nch, 128)

    degp = deg_k(dstf, z16).reshape(NW, DR * 16 // 128, 128)
    disv = _dis_kernel(degp).reshape(DR * 16, 1)

    g1 = _mm_first(disv, x, W1)
    acc1 = edge128(src, dst, g1, z128)
    g2 = _mm_mid(disv, acc1, g1, b1.reshape(1, 128), W2)
    acc2 = edge128(src, dst, g2, z128)
    w3p = jnp.zeros((128, 128), jnp.float32).at[:, :40].set(W3)
    g3 = _mm_mid(disv, acc2, g2, b2.reshape(1, 128), w3p)
    acc3 = edge128(src, dst, g3, z128)
    return _mm_final(disv, acc3, g3, b3.reshape(1, 40))

# --- scband reference (transcript-rebuilt; emitter-appended) ---
"""Pipeline reference for scband-gcn-15479062135291 (READ-ONLY COPY).

The authoritative reference and input builder live on the scoring server;
editing this copy changes nothing except your own understanding.
"""

import jax, jax.numpy as jnp
import numpy as np

N_NODES = 10000


def gcn_conv(x, edge_index, W, b):
    # Faithful PyG GCNConv: add self-loops, symmetric normalization, linear, scatter-add, bias.
    n = x.shape[0]
    loop = jnp.arange(n, dtype=edge_index.dtype)
    src = jnp.concatenate([edge_index[0], loop])
    dst = jnp.concatenate([edge_index[1], loop])
    h = x @ W  # linear transform (no bias inside lin; bias added after aggregation)
    deg = jnp.zeros((n,), dtype=h.dtype).at[dst].add(1.0)
    deg_inv_sqrt = jnp.where(deg > 0, deg ** -0.5, 0.0)
    norm = deg_inv_sqrt[src] * deg_inv_sqrt[dst]
    msg = h[src] * norm[:, None]
    out = jnp.zeros((n, h.shape[1]), dtype=h.dtype).at[dst].add(msg)
    return out + b


def setup_inputs(seed: int = 0) -> dict:
    key = jax.random.key(seed)
    ks = jax.random.split(key, 8)
    x = jax.random.normal(ks[0], (N_NODES, 128), dtype=jnp.float32)
    edge_index = jax.random.randint(ks[1], (2, 320000), 0, N_NODES, dtype=jnp.int64 if jax.config.jax_enable_x64 else jnp.int32)
    s1 = 1.0 / np.sqrt(128.0)
    W1 = jax.random.uniform(ks[2], (128, 128), dtype=jnp.float32, minval=-s1, maxval=s1)
    b1 = jnp.zeros((128,), dtype=jnp.float32)
    W2 = jax.random.uniform(ks[3], (128, 128), dtype=jnp.float32, minval=-s1, maxval=s1)
    b2 = jnp.zeros((128,), dtype=jnp.float32)
    W3 = jax.random.uniform(ks[4], (128, 40), dtype=jnp.float32, minval=-s1, maxval=s1)
    b3 = jnp.zeros((40,), dtype=jnp.float32)
    return {"x": x, "edge_index": edge_index, "W1": W1, "b1": b1, "W2": W2, "b2": b2, "W3": W3, "b3": b3}


def reference(x, edge_index, W1, b1, W2, b2, W3, b3):
    # GCN.forward in eval mode (dropout is identity when not training), norm=0 so no BatchNorm.
    h = gcn_conv(x, edge_index, W1, b1)
    h = jax.nn.relu(h)
    h = gcn_conv(h, edge_index, W2, b2)
    h = jax.nn.relu(h)
    out = gcn_conv(h, edge_index, W3, b3)
    return out

if __name__ == "__main__":
    import jax
    _d = setup_inputs()
    print(jax.jit(kernel)(*tuple(_d.values())))

</pallas_src>

<mosaic_0001>
#map = affine_map<(d0, d1) -> (0, 0)>
#map1 = affine_map<(d0, d1) -> (0, 0, 0)>
module attributes {stable_mosaic.version = 14 : i64} {
  func.func @_deg_body(%arg0: i32, %arg1: i32, %arg2: memref<32x10000xi32, #tpu.memory_space<hbm>>, %arg3: memref<640x16xf32, #tpu.memory_space<hbm>>, %arg4: memref<32x640x16xf32, #tpu.memory_space<hbm>>, %arg5: memref<10000xi32, #tpu.memory_space<vmem>>, %arg6: memref<640x16xf32, #tpu.memory_space<vmem>>) attributes {dimension_semantics = [#tpu.dimension_semantics<core_parallel>, #tpu.dimension_semantics<subcore_parallel>], iteration_bounds = array<i64: 2, 16>, scalar_prefetch = 0 : i64, scratch_operands = 2 : i64, tpu.core_type = #tpu.core_type<sc_vector_subcore>, window_params = [{transform_indices = #map}, {transform_indices = #map}, {transform_indices = #map1}]} {
    %mul3A = arith.constant 16 : i32
    %mul3A_0 = arith.muli %arg0, %mul3A : i32
    %add3A = arith.addi %mul3A_0, %arg1 : i32
    "tpu.region"() ({
      %run_scoped3A = tpu.sem_alloc : memref<!tpu.dma_semaphore, #tpu.memory_space<semaphore_mem>>
      tpu.enqueue_dma source(%arg3 : memref<640x16xf32, #tpu.memory_space<hbm>>) target(%arg6 : memref<640x16xf32, #tpu.memory_space<vmem>>) target_semaphore(%run_scoped3A : memref<!tpu.dma_semaphore, #tpu.memory_space<semaphore_mem>>)
      tpu.wait_dma2 semaphore(%run_scoped3A : memref<!tpu.dma_semaphore, #tpu.memory_space<semaphore_mem>>) src(%arg3 : memref<640x16xf32, #tpu.memory_space<hbm>>) dst(%arg6 : memref<640x16xf32, #tpu.memory_space<vmem>>)
      tpu.yield
    }) : () -> ()
    "tpu.region"() ({
      %run_scoped3A = tpu.sem_alloc : memref<!tpu.dma_semaphore, #tpu.memory_space<semaphore_mem>>
      %dma_start3A = arith.constant 0 : i32
      %dma_start3A_8 = tpu.memref_slice %arg2[%add3A, %dma_start3A] : memref<32x10000xi32, #tpu.memory_space<hbm>> -> memref<1x10000xi32, #tpu.memory_space<hbm>>
      %dma_start3A_9 = tpu.memref_squeeze %dma_start3A_8 : memref<1x10000xi32, #tpu.memory_space<hbm>> -> memref<10000xi32, #tpu.memory_space<hbm>>
      %dma_start3A_10 = arith.constant 0 : i32
      %dma_start3A_11 = tpu.memref_slice %arg2[%add3A, %dma_start3A_10] : memref<32x10000xi32, #tpu.memory_space<hbm>> -> memref<1x10000xi32, #tpu.memory_space<hbm>>
      %dma_start3A_12 = tpu.memref_squeeze %dma_start3A_11 : memref<1x10000xi32, #tpu.memory_space<hbm>> -> memref<10000xi32, #tpu.memory_space<hbm>>
      tpu.enqueue_dma source(%dma_start3A_12 : memref<10000xi32, #tpu.memory_space<hbm>>) target(%arg5 : memref<10000xi32, #tpu.memory_space<vmem>>) target_semaphore(%run_scoped3A : memref<!tpu.dma_semaphore, #tpu.memory_space<semaphore_mem>>)
      %dma_wait3A = arith.constant 0 : i32
      %dma_wait3A_13 = tpu.memref_slice %arg2[%add3A, %dma_wait3A] : memref<32x10000xi32, #tpu.memory_space<hbm>> -> memref<1x10000xi32, #tpu.memory_space<hbm>>
      %dma_wait3A_14 = tpu.memref_squeeze %dma_wait3A_13 : memref<1x10000xi32, #tpu.memory_space<hbm>> -> memref<10000xi32, #tpu.memory_space<hbm>>
      %dma_wait3A_15 = arith.constant 0 : i32
      %dma_wait3A_16 = tpu.memref_slice %arg2[%add3A, %dma_wait3A_15] : memref<32x10000xi32, #tpu.memory_space<hbm>> -> memref<1x10000xi32, #tpu.memory_space<hbm>>
      %dma_wait3A_17 = tpu.memref_squeeze %dma_wait3A_16 : memref<1x10000xi32, #tpu.memory_space<hbm>> -> memref<10000xi32, #tpu.memory_space<hbm>>
      tpu.wait_dma2 semaphore(%run_scoped3A : memref<!tpu.dma_semaphore, #tpu.memory_space<semaphore_mem>>) src(%dma_wait3A_17 : memref<10000xi32, #tpu.memory_space<hbm>>) dst(%arg5 : memref<10000xi32, #tpu.memory_space<vmem>>)
      tpu.yield
    }) : () -> ()
    %broadcast_in_dim3A = arith.constant 1.000000e+00 : f32
    %broadcast_in_dim3A_1 = vector.broadcast %broadcast_in_dim3A : f32 to vector<16xf32>
    %scan3A = arith.constant 0 : i32
    %scan3A_2 = arith.constant 0 : i32
    %scan3A_3 = arith.constant 625 : i32
    %scan3A_4 = arith.addi %scan3A_2, %scan3A_3 : i32
    %scan3A_5 = arith.constant 1 : i32
    %scan3A_6 = scf.for %scan3A_8 = %scan3A_2 to %scan3A_4 step %scan3A_5 iter_args(%scan3A_9 = %scan3A) -> (i32)  : i32 {
      %mul3A_10 = arith.constant 16 : i32
      %mul3A_11 = arith.muli %scan3A_8, %mul3A_10 : i32
      %get3A = arith.index_cast %mul3A_11 : i32 to index
      %get3A_12 = tpu.vector_load %arg5[%get3A] {strides = array<i32>} : memref<10000xi32, #tpu.memory_space<vmem>>, vector<16xi32>,
      %shift_right_logical3A = arith.constant 4 : i32
      %shift_right_logical3A_13 = vector.broadcast %shift_right_logical3A : i32 to vector<16xi32>
      %shift_right_logical3A_14 = arith.shrui %get3A_12, %shift_right_logical3A_13 : vector<16xi32>
      %and3A = arith.constant 15 : i32
      %and3A_15 = vector.broadcast %and3A : i32 to vector<16xi32>
      %and3A_16 = arith.andi %get3A_12, %and3A_15 : vector<16xi32>
      tpu.vector_store_idx %arg6[%shift_right_logical3A_14, %and3A_16], %broadcast_in_dim3A_1 {add = true} : memref<640x16xf32, #tpu.memory_space<vmem>>[vector<16xi32>, vector<16xi32>], vector<16xf32>,
      %scan3A_17 = arith.constant 0 : i32
      scf.yield %scan3A_17 : i32
    }
    %scan3A_7 = arith.constant 625 : i32
    "tpu.region"() ({
      %run_scoped3A = tpu.sem_alloc : memref<!tpu.dma_semaphore, #tpu.memory_space<semaphore_mem>>
      %dma_start3A = arith.constant 0 : i32
      %dma_start3A_8 = arith.constant 0 : i32
      %dma_start3A_9 = tpu.memref_slice %arg4[%add3A, %dma_start3A, %dma_start3A_8] : memref<32x640x16xf32, #tpu.memory_space<hbm>> -> memref<1x640x16xf32, #tpu.memory_space<hbm>>
      %dma_start3A_10 = tpu.memref_squeeze %dma_start3A_9 : memref<1x640x16xf32, #tpu.memory_space<hbm>> -> memref<640x16xf32, #tpu.memory_space<hbm>>
      %dma_start3A_11 = arith.constant 0 : i32
      %dma_start3A_12 = arith.constant 0 : i32
      %dma_start3A_13 = tpu.memref_slice %arg4[%add3A, %dma_start3A_11, %dma_start3A_12] : memref<32x640x16xf32, #tpu.memory_space<hbm>> -> memref<1x640x16xf32, #tpu.memory_space<hbm>>
      %dma_start3A_14 = tpu.memref_squeeze %dma_start3A_13 : memref<1x640x16xf32, #tpu.memory_space<hbm>> -> memref<640x16xf32, #tpu.memory_space<hbm>>
      tpu.enqueue_dma source(%arg6 : memref<640x16xf32, #tpu.memory_space<vmem>>) target(%dma_start3A_14 : memref<640x16xf32, #tpu.memory_space<hbm>>) target_semaphore(%run_scoped3A : memref<!tpu.dma_semaphore, #tpu.memory_space<semaphore_mem>>)
      %dma_wait3A = arith.constant 0 : i32
      %dma_wait3A_15 = arith.constant 0 : i32
      %dma_wait3A_16 = tpu.memref_slice %arg4[%add3A, %dma_wait3A, %dma_wait3A_15] : memref<32x640x16xf32, #tpu.memory_space<hbm>> -> memref<1x640x16xf32, #tpu.memory_space<hbm>>
      %dma_wait3A_17 = tpu.memref_squeeze %dma_wait3A_16 : memref<1x640x16xf32, #tpu.memory_space<hbm>> -> memref<640x16xf32, #tpu.memory_space<hbm>>
      %dma_wait3A_18 = arith.constant 0 : i32
      %dma_wait3A_19 = arith.constant 0 : i32
      %dma_wait3A_20 = tpu.memref_slice %arg4[%add3A, %dma_wait3A_18, %dma_wait3A_19] : memref<32x640x16xf32, #tpu.memory_space<hbm>> -> memref<1x640x16xf32, #tpu.memory_space<hbm>>
      %dma_wait3A_21 = tpu.memref_squeeze %dma_wait3A_20 : memref<1x640x16xf32, #tpu.memory_space<hbm>> -> memref<640x16xf32, #tpu.memory_space<hbm>>
      tpu.wait_dma2 semaphore(%run_scoped3A : memref<!tpu.dma_semaphore, #tpu.memory_space<semaphore_mem>>) src(%arg6 : memref<640x16xf32, #tpu.memory_space<vmem>>) dst(%dma_wait3A_21 : memref<640x16xf32, #tpu.memory_space<hbm>>)
      tpu.yield
    }) : () -> ()
    return
  }
}

#map = affine_map<(d0, d1) -> (0, 0, 0)>
#map1 = affine_map<(d0, d1) -> (0, 0)>
module attributes {stable_mosaic.version = 14 : i64} {
  func.func @_edge_body(%arg0: i32, %arg1: i32, %arg2: memref<32x125x80xi32, #tpu.memory_space<hbm>>, %arg3: memref<32x125x80xi32, #tpu.memory_space<hbm>>, %arg4: memref<10000x128xf32, #tpu.memory_space<hbm>>, %arg5: memref<632x128xf32, #tpu.memory_space<hbm>>, %arg6: memref<2x10112x128xf32, #tpu.memory_space<hbm>>, %arg7: memref<80xi32, #tpu.memory_space<vmem>>, %arg8: memref<80xi32, #tpu.memory_space<vmem>>, %arg9: memref<80xi32, #tpu.memory_space<vmem>>, %arg10: memref<125x80xi32, #tpu.memory_space<vmem>>, %arg11: memref<80x128xf32, #tpu.memory_space<vmem>>, %arg12: memref<80x128xf32, #tpu.memory_space<vmem>>, %arg13: memref<80x128xf32, #tpu.memory_space<vmem>>, %arg14: memref<10112x128xf32, #tpu.memory_space<vmem_shared>>, %arg15: memref<!tpu.dma_semaphore, #tpu.memory_space<semaphore_mem>>, %arg16: memref<!tpu.dma_semaphore, #tpu.memory_space<semaphore_mem>>, %arg17: memref<!tpu.dma_semaphore, #tpu.memory_space<semaphore_mem>>, %arg18: memref<!tpu.dma_semaphore, #tpu.memory_space<semaphore_mem>>, %arg19: memref<!tpu.dma_semaphore, #tpu.memory_space<semaphore_mem>>, %arg20: memref<!tpu.dma_semaphore, #tpu.memory_space<semaphore_mem>>, %arg21: memref<!tpu.dma_semaphore, #tpu.memory_space<semaphore_mem>>, %arg22: memref<!tpu.dma_semaphore, #tpu.memory_space<semaphore_mem>>, %arg23: memref<!tpu.dma_semaphore, #tpu.memory_space<semaphore_mem>>) attributes {dimension_semantics = [#tpu.dimension_semantics<core_parallel>, #tpu.dimension_semantics<subcore_parallel>], iteration_bounds = array<i64: 2, 16>, scalar_prefetch = 0 : i64, scratch_operands = 17 : i64, tpu.core_type = #tpu.core_type<sc_vector_subcore>, window_params = [{transform_indices = #map}, {transform_indices = #map}, {transform_indices = #map1}, {transform_indices = #map1}, {transform_indices = #map}]} {
    %mul3A = arith.constant 16 : i32
    %mul3A_0 = arith.muli %arg0, %mul3A : i32
    %add3A = arith.addi %mul3A_0, %arg1 : i32
    "tpu.region"() ({
      %run_scoped3A = tpu.sem_alloc : memref<!tpu.dma_semaphore, #tpu.memory_space<semaphore_mem>>
      %dma_start3A_74 = arith.constant 0 : i32
      %dma_start3A_75 = arith.constant 0 : i32
      %dma_start3A_76 = tpu.memref_slice %arg3[%add3A, %dma_start3A_74, %dma_start3A_75] : memref<32x125x80xi32, #tpu.memory_space<hbm>> -> memref<1x125x80xi32, #tpu.memory_space<hbm>>
      %dma_start3A_77 = tpu.memref_squeeze %dma_start3A_76 : memref<1x125x80xi32, #tpu.memory_space<hbm>> -> memref<125x80xi32, #tpu.memory_space<hbm>>
      %dma_start3A_78 = arith.constant 0 : i32
      %dma_start3A_79 = arith.constant 0 : i32
      %dma_start3A_80 = tpu.memref_slice %arg3[%add3A, %dma_start3A_78, %dma_start3A_79] : memref<32x125x80xi32, #tpu.memory_space<hbm>> -> memref<1x125x80xi32, #tpu.memory_space<hbm>>
      %dma_start3A_81 = tpu.memref_squeeze %dma_start3A_80 : memref<1x125x80xi32, #tpu.memory_space<hbm>> -> memref<125x80xi32, #tpu.memory_space<hbm>>
      tpu.enqueue_dma source(%dma_start3A_81 : memref<125x80xi32, #tpu.memory_space<hbm>>) target(%arg10 : memref<125x80xi32, #tpu.memory_space<vmem>>) target_semaphore(%run_scoped3A : memref<!tpu.dma_semaphore, #tpu.memory_space<semaphore_mem>>)
      %dma_wait3A_82 = arith.constant 0 : i32
      %dma_wait3A_83 = arith.constant 0 : i32
      %dma_wait3A_84 = tpu.memref_slice %arg3[%add3A, %dma_wait3A_82, %dma_wait3A_83] : memref<32x125x80xi32, #tpu.memory_space<hbm>> -> memref<1x125x80xi32, #tpu.memory_space<hbm>>
      %dma_wait3A_85 = tpu.memref_squeeze %dma_wait3A_84 : memref<1x125x80xi32, #tpu.memory_space<hbm>> -> memref<125x80xi32, #tpu.memory_space<hbm>>
      %dma_wait3A_86 = arith.constant 0 : i32
      %dma_wait3A_87 = arith.constant 0 : i32
      %dma_wait3A_88 = tpu.memref_slice %arg3[%add3A, %dma_wait3A_86, %dma_wait3A_87] : memref<32x125x80xi32, #tpu.memory_space<hbm>> -> memref<1x125x80xi32, #tpu.memory_space<hbm>>
      %dma_wait3A_89 = tpu.memref_squeeze %dma_wait3A_88 : memref<1x125x80xi32, #tpu.memory_space<hbm>> -> memref<125x80xi32, #tpu.memory_space<hbm>>
      tpu.wait_dma2 semaphore(%run_scoped3A : memref<!tpu.dma_semaphore, #tpu.memory_space<semaphore_mem>>) src(%dma_wait3A_89 : memref<125x80xi32, #tpu.memory_space<hbm>>) dst(%arg10 : memref<125x80xi32, #tpu.memory_space<vmem>>)
      tpu.yield
    }) : () -> ()
    %dma_start3A = arith.constant 0 : i32
    %dma_start3A_1 = arith.constant 0 : i32
    %dma_start3A_2 = tpu.memref_slice %arg2[%add3A, %dma_start3A, %dma_start3A_1] : memref<32x125x80xi32, #tpu.memory_space<hbm>> -> memref<1x1x80xi32, #tpu.memory_space<hbm>>
    %dma_start3A_3 = tpu.memref_squeeze %dma_start3A_2 : memref<1x1x80xi32, #tpu.memory_space<hbm>> -> memref<80xi32, #tpu.memory_space<hbm>>
    %dma_start3A_4 = arith.constant 0 : i32
    %dma_start3A_5 = tpu.memref_slice %arg2[%add3A, %dma_start3A, %dma_start3A_4] : memref<32x125x80xi32, #tpu.memory_space<hbm>> -> memref<1x1x80xi32, #tpu.memory_space<hbm>>
    %dma_start3A_6 = tpu.memref_squeeze %dma_start3A_5 : memref<1x1x80xi32, #tpu.memory_space<hbm>> -> memref<80xi32, #tpu.memory_space<hbm>>
    tpu.enqueue_dma source(%dma_start3A_6 : memref<80xi32, #tpu.memory_space<hbm>>) target(%arg7 : memref<80xi32, #tpu.memory_space<vmem>>) target_semaphore(%arg21 : memref<!tpu.dma_semaphore, #tpu.memory_space<semaphore_mem>>)
    %dma_start3A_7 = arith.constant 1 : i32
    %dma_start3A_8 = arith.constant 0 : i32
    %dma_start3A_9 = tpu.memref_slice %arg2[%add3A, %dma_start3A_7, %dma_start3A_8] : memref<32x125x80xi32, #tpu.memory_space<hbm>> -> memref<1x1x80xi32, #tpu.memory_space<hbm>>
    %dma_start3A_10 = tpu.memref_squeeze %dma_start3A_9 : memref<1x1x80xi32, #tpu.memory_space<hbm>> -> memref<80xi32, #tpu.memory_space<hbm>>
    %dma_start3A_11 = arith.constant 0 : i32
    %dma_start3A_12 = tpu.memref_slice %arg2[%add3A, %dma_start3A_7, %dma_start3A_11] : memref<32x125x80xi32, #tpu.memory_space<hbm>> -> memref<1x1x80xi32, #tpu.memory_space<hbm>>
    %dma_start3A_13 = tpu.memref_squeeze %dma_start3A_12 : memref<1x1x80xi32, #tpu.memory_space<hbm>> -> memref<80xi32, #tpu.memory_space<hbm>>
    tpu.enqueue_dma source(%dma_start3A_13 : memref<80xi32, #tpu.memory_space<hbm>>) target(%arg8 : memref<80xi32, #tpu.memory_space<vmem>>) target_semaphore(%arg22 : memref<!tpu.dma_semaphore, #tpu.memory_space<semaphore_mem>>)
    %dma_start3A_14 = arith.constant 2 : i32
    %dma_start3A_15 = arith.constant 0 : i32
    %dma_start3A_16 = tpu.memref_slice %arg2[%add3A, %dma_start3A_14, %dma_start3A_15] : memref<32x125x80xi32, #tpu.memory_space<hbm>> -> memref<1x1x80xi32, #tpu.memory_space<hbm>>
    %dma_start3A_17 = tpu.memref_squeeze %dma_start3A_16 : memref<1x1x80xi32, #tpu.memory_space<hbm>> -> memref<80xi32, #tpu.memory_space<hbm>>
    %dma_start3A_18 = arith.constant 0 : i32
    %dma_start3A_19 = tpu.memref_slice %arg2[%add3A, %dma_start3A_14, %dma_start3A_18] : memref<32x125x80xi32, #tpu.memory_space<hbm>> -> memref<1x1x80xi32, #tpu.memory_space<hbm>>
    %dma_start3A_20 = tpu.memref_squeeze %dma_start3A_19 : memref<1x1x80xi32, #tpu.memory_space<hbm>> -> memref<80xi32, #tpu.memory_space<hbm>>
    tpu.enqueue_dma source(%dma_start3A_20 : memref<80xi32, #tpu.memory_space<hbm>>) target(%arg9 : memref<80xi32, #tpu.memory_space<vmem>>) target_semaphore(%arg23 : memref<!tpu.dma_semaphore, #tpu.memory_space<semaphore_mem>>)
    %mul3A_21 = arith.constant 632 : i32
    %mul3A_22 = arith.muli %arg1, %mul3A_21 : i32
    "tpu.region"() ({
      %run_scoped3A = tpu.sem_alloc : memref<!tpu.dma_semaphore, #tpu.memory_space<semaphore_mem>>
      %dma_start3A_74 = arith.constant 0 : i32
      %dma_start3A_75 = tpu.memref_slice %arg14[%mul3A_22, %dma_start3A_74] : memref<10112x128xf32, #tpu.memory_space<vmem_shared>> -> memref<632x128xf32, #tpu.memory_space<vmem_shared>>
      tpu.enqueue_dma source(%arg5 : memref<632x128xf32, #tpu.memory_space<hbm>>) target(%dma_start3A_75 : memref<632x128xf32, #tpu.memory_space<vmem_shared>>) target_semaphore(%run_scoped3A : memref<!tpu.dma_semaphore, #tpu.memory_space<semaphore_mem>>)
      %dma_wait3A_76 = arith.constant 0 : i32
      %dma_wait3A_77 = tpu.memref_slice %arg14[%mul3A_22, %dma_wait3A_76] : memref<10112x128xf32, #tpu.memory_space<vmem_shared>> -> memref<632x128xf32, #tpu.memory_space<vmem_shared>>
      tpu.wait_dma2 semaphore(%run_scoped3A : memref<!tpu.dma_semaphore, #tpu.memory_space<semaphore_mem>>) src(%arg5 : memref<632x128xf32, #tpu.memory_space<hbm>>) dst(%dma_wait3A_77 : memref<632x128xf32, #tpu.memory_space<vmem_shared>>)
      tpu.yield
    }) : () -> ()
    %barrier3A = arith.constant 0 : index
    tpu.barrier barrier_id(%barrier3A)
    %dma_wait3A = arith.constant 0 : i32
    %dma_wait3A_23 = arith.constant 0 : i32
    %dma_wait3A_24 = tpu.memref_slice %arg2[%add3A, %dma_wait3A, %dma_wait3A_23] : memref<32x125x80xi32, #tpu.memory_space<hbm>> -> memref<1x1x80xi32, #tpu.memory_space<hbm>>
    %dma_wait3A_25 = tpu.memref_squeeze %dma_wait3A_24 : memref<1x1x80xi32, #tpu.memory_space<hbm>> -> memref<80xi32, #tpu.memory_space<hbm>>
    %dma_wait3A_26 = arith.constant 0 : i32
    %dma_wait3A_27 = tpu.memref_slice %arg2[%add3A, %dma_wait3A, %dma_wait3A_26] : memref<32x125x80xi32, #tpu.memory_space<hbm>> -> memref<1x1x80xi32, #tpu.memory_space<hbm>>
    %dma_wait3A_28 = tpu.memref_squeeze %dma_wait3A_27 : memref<1x1x80xi32, #tpu.memory_space<hbm>> -> memref<80xi32, #tpu.memory_space<hbm>>
    tpu.wait_dma2 semaphore(%arg21 : memref<!tpu.dma_semaphore, #tpu.memory_space<semaphore_mem>>) src(%dma_wait3A_28 : memref<80xi32, #tpu.memory_space<hbm>>) dst(%arg7 : memref<80xi32, #tpu.memory_space<vmem>>)
    %dma_start3A_29 = arith.constant 0 : i32
    %dma_start3A_30 = arith.constant 0 : i32
    %dma_start3A_31 = tpu.memref_slice %arg4[%dma_start3A_29, %dma_start3A_30] : memref<10000x128xf32, #tpu.memory_space<hbm>> -> memref<10000x128xf32, #tpu.memory_space<hbm>>
    tpu.enqueue_indirect_dma source(%dma_start3A_31 : memref<10000x128xf32, #tpu.memory_space<hbm>>) target(%arg11 : memref<80x128xf32, #tpu.memory_space<vmem>>) offsets(%arg7 : memref<80xi32, #tpu.memory_space<vmem>>) semaphore(%arg15 : memref<!tpu.dma_semaphore, #tpu.memory_space<semaphore_mem>>)
    %dma_wait3A_32 = arith.constant 1 : i32
    %dma_wait3A_33 = arith.constant 0 : i32
    %dma_wait3A_34 = tpu.memref_slice %arg2[%add3A, %dma_wait3A_32, %dma_wait3A_33] : memref<32x125x80xi32, #tpu.memory_space<hbm>> -> memref<1x1x80xi32, #tpu.memory_space<hbm>>
    %dma_wait3A_35 = tpu.memref_squeeze %dma_wait3A_34 : memref<1x1x80xi32, #tpu.memory_space<hbm>> -> memref<80xi32, #tpu.memory_space<hbm>>
    %dma_wait3A_36 = arith.constant 0 : i32
    %dma_wait3A_37 = tpu.memref_slice %arg2[%add3A, %dma_wait3A_32, %dma_wait3A_36] : memref<32x125x80xi32, #tpu.memory_space<hbm>> -> memref<1x1x80xi32, #tpu.memory_space<hbm>>
    %dma_wait3A_38 = tpu.memref_squeeze %dma_wait3A_37 : memref<1x1x80xi32, #tpu.memory_space<hbm>> -> memref<80xi32, #tpu.memory_space<hbm>>
    tpu.wait_dma2 semaphore(%arg22 : memref<!tpu.dma_semaphore, #tpu.memory_space<semaphore_mem>>) src(%dma_wait3A_38 : memref<80xi32, #tpu.memory_space<hbm>>) dst(%arg8 : memref<80xi32, #tpu.memory_space<vmem>>)
    %dma_start3A_39 = arith.constant 0 : i32
    %dma_start3A_40 = arith.constant 0 : i32
    %dma_start3A_41 = tpu.memref_slice %arg4[%dma_start3A_39, %dma_start3A_40] : memref<10000x128xf32, #tpu.memory_space<hbm>> -> memref<10000x128xf32, #tpu.memory_space<hbm>>
    tpu.enqueue_indirect_dma source(%dma_start3A_41 : memref<10000x128xf32, #tpu.memory_space<hbm>>) target(%arg12 : memref<80x128xf32, #tpu.memory_space<vmem>>) offsets(%arg8 : memref<80xi32, #tpu.memory_space<vmem>>) semaphore(%arg16 : memref<!tpu.dma_semaphore, #tpu.memory_space<semaphore_mem>>)
    %scan3A = arith.constant 0 : i32
    %scan3A_42 = arith.constant 0 : i32
    %scan3A_43 = arith.constant 42 : i32
    %scan3A_44 = arith.addi %scan3A_42, %scan3A_43 : i32
    %scan3A_45 = arith.constant 1 : i32
    %scan3A_46 = scf.for %scan3A_74 = %scan3A_42 to %scan3A_44 step %scan3A_45 iter_args(%scan3A_75 = %scan3A) -> (i32)  : i32 {
      %mul3A_76 = arith.constant 3 : i32
      %mul3A_77 = arith.muli %scan3A_74, %mul3A_76 : i32
      %add3A_78 = arith.constant 0 : i32
      %add3A_79 = arith.addi %mul3A_77, %add3A_78 : i32
      %lt3A = arith.constant 125 : i32
      %lt3A_80 = arith.cmpi slt, %add3A_79, %lt3A : i32
      %convert_element_type3A = arith.extui %lt3A_80 : i1 to i32
      %cond3A = arith.constant 0 : i32
      %cond3A_81 = arith.cmpi ne, %convert_element_type3A, %cond3A : i32
      scf.if %cond3A_81 {
        %dma_wait3A_101 = arith.constant 0 : i32
        %dma_wait3A_102 = arith.constant 0 : i32
        %dma_wait3A_103 = tpu.memref_slice %arg4[%dma_wait3A_101, %dma_wait3A_102] : memref<10000x128xf32, #tpu.memory_space<hbm>> -> memref<10000x128xf32, #tpu.memory_space<hbm>>
        tpu.wait_indirect_dma semaphore(%arg15 : memref<!tpu.dma_semaphore, #tpu.memory_space<semaphore_mem>>) src(%dma_wait3A_103 : memref<10000x128xf32, #tpu.memory_space<hbm>>) dst(%arg11 : memref<80x128xf32, #tpu.memory_space<vmem>>)
        %add3A_104 = arith.constant 3 : i32
        %add3A_105 = arith.addi %add3A_79, %add3A_104 : i32
        %lt3A_106 = arith.constant 125 : i32
        %lt3A_107 = arith.cmpi slt, %add3A_105, %lt3A_106 : i32
        %convert_element_type3A_108 = arith.extui %lt3A_107 : i1 to i32
        %cond3A_109 = arith.constant 0 : i32
        %cond3A_110 = arith.cmpi ne, %convert_element_type3A_108, %cond3A_109 : i32
        scf.if %cond3A_110 {
          %add3A_124 = arith.constant 3 : i32
          %add3A_125 = arith.addi %add3A_79, %add3A_124 : i32
          %dma_start3A_126 = arith.constant 0 : i32
          %dma_start3A_127 = tpu.memref_slice %arg2[%add3A, %add3A_125, %dma_start3A_126] : memref<32x125x80xi32, #tpu.memory_space<hbm>> -> memref<1x1x80xi32, #tpu.memory_space<hbm>>
          %dma_start3A_128 = tpu.memref_squeeze %dma_start3A_127 : memref<1x1x80xi32, #tpu.memory_space<hbm>> -> memref<80xi32, #tpu.memory_space<hbm>>
          %dma_start3A_129 = arith.constant 0 : i32
          %dma_start3A_130 = tpu.memref_slice %arg2[%add3A, %add3A_125, %dma_start3A_129] : memref<32x125x80xi32, #tpu.memory_space<hbm>> -> memref<1x1x80xi32, #tpu.memory_space<hbm>>
          %dma_start3A_131 = tpu.memref_squeeze %dma_start3A_130 : memref<1x1x80xi32, #tpu.memory_space<hbm>> -> memref<80xi32, #tpu.memory_space<hbm>>
          tpu.enqueue_dma source(%dma_start3A_131 : memref<80xi32, #tpu.memory_space<hbm>>) target(%arg7 : memref<80xi32, #tpu.memory_space<vmem>>) target_semaphore(%arg21 : memref<!tpu.dma_semaphore, #tpu.memory_space<semaphore_mem>>)
        } else {
        }
        %dma_start3A_111 = arith.constant 0 : i32
        %dma_start3A_112 = tpu.memref_slice %arg10[%add3A_79, %dma_start3A_111] : memref<125x80xi32, #tpu.memory_space<vmem>> -> memref<1x80xi32, #tpu.memory_space<vmem>>
        %dma_start3A_113 = tpu.memref_squeeze %dma_start3A_112 : memref<1x80xi32, #tpu.memory_space<vmem>> -> memref<80xi32, #tpu.memory_space<vmem>>
        %dma_start3A_114 = arith.constant 0 : i32
        %dma_start3A_115 = arith.constant 0 : i32
        %dma_start3A_116 = tpu.memref_slice %arg14[%dma_start3A_114, %dma_start3A_115] : memref<10112x128xf32, #tpu.memory_space<vmem_shared>> -> memref<10112x128xf32, #tpu.memory_space<vmem_shared>>
        tpu.enqueue_indirect_dma source(%arg11 : memref<80x128xf32, #tpu.memory_space<vmem>>) target(%dma_start3A_116 : memref<10112x128xf32, #tpu.memory_space<vmem_shared>>) offsets(%dma_start3A_113 : memref<80xi32, #tpu.memory_space<vmem>>) semaphore(%arg18 : memref<!tpu.dma_semaphore, #tpu.memory_space<semaphore_mem>>) {add = true}
        %add3A_117 = arith.constant 2 : i32
        %add3A_118 = arith.addi %add3A_79, %add3A_117 : i32
        %lt3A_119 = arith.constant 125 : i32
        %lt3A_120 = arith.cmpi slt, %add3A_118, %lt3A_119 : i32
        %convert_element_type3A_121 = arith.extui %lt3A_120 : i1 to i32
        %cond3A_122 = arith.constant 0 : i32
        %cond3A_123 = arith.cmpi ne, %convert_element_type3A_121, %cond3A_122 : i32
        scf.if %cond3A_123 {
          %ge3A = arith.constant 1 : i32
          %ge3A_124 = arith.cmpi sge, %add3A_79, %ge3A : i32
          %convert_element_type3A_125 = arith.extui %ge3A_124 : i1 to i32
          %cond3A_126 = arith.constant 0 : i32
          %cond3A_127 = arith.cmpi ne, %convert_element_type3A_125, %cond3A_126 : i32
          scf.if %cond3A_127 {
            %sub3A = arith.constant 1 : i32
            %sub3A_139 = arith.subi %add3A_79, %sub3A : i32
            %dma_wait3A_140 = arith.constant 0 : i32
            %dma_wait3A_141 = tpu.memref_slice %arg10[%sub3A_139, %dma_wait3A_140] : memref<125x80xi32, #tpu.memory_space<vmem>> -> memref<1x80xi32, #tpu.memory_space<vmem>>
            %dma_wait3A_142 = tpu.memref_squeeze %dma_wait3A_141 : memref<1x80xi32, #tpu.memory_space<vmem>> -> memref<80xi32, #tpu.memory_space<vmem>>
            %dma_wait3A_143 = arith.constant 0 : i32
            %dma_wait3A_144 = arith.constant 0 : i32
            %dma_wait3A_145 = tpu.memref_slice %arg14[%dma_wait3A_143, %dma_wait3A_144] : memref<10112x128xf32, #tpu.memory_space<vmem_shared>> -> memref<10112x128xf32, #tpu.memory_space<vmem_shared>>
            tpu.wait_indirect_dma semaphore(%arg20 : memref<!tpu.dma_semaphore, #tpu.memory_space<semaphore_mem>>) src(%arg13 : memref<80x128xf32, #tpu.memory_space<vmem>>) dst(%dma_wait3A_145 : memref<10112x128xf32, #tpu.memory_space<vmem_shared>>)
          } else {
          }
          %add3A_128 = arith.constant 2 : i32
          %add3A_129 = arith.addi %add3A_79, %add3A_128 : i32
          %dma_wait3A_130 = arith.constant 0 : i32
          %dma_wait3A_131 = tpu.memref_slice %arg2[%add3A, %add3A_129, %dma_wait3A_130] : memref<32x125x80xi32, #tpu.memory_space<hbm>> -> memref<1x1x80xi32, #tpu.memory_space<hbm>>
          %dma_wait3A_132 = tpu.memref_squeeze %dma_wait3A_131 : memref<1x1x80xi32, #tpu.memory_space<hbm>> -> memref<80xi32, #tpu.memory_space<hbm>>
          %dma_wait3A_133 = arith.constant 0 : i32
          %dma_wait3A_134 = tpu.memref_slice %arg2[%add3A, %add3A_129, %dma_wait3A_133] : memref<32x125x80xi32, #tpu.memory_space<hbm>> -> memref<1x1x80xi32, #tpu.memory_space<hbm>>
          %dma_wait3A_135 = tpu.memref_squeeze %dma_wait3A_134 : memref<1x1x80xi32, #tpu.memory_space<hbm>> -> memref<80xi32, #tpu.memory_space<hbm>>
          tpu.wait_dma2 semaphore(%arg23 : memref<!tpu.dma_semaphore, #tpu.memory_space<semaphore_mem>>) src(%dma_wait3A_135 : memref<80xi32, #tpu.memory_space<hbm>>) dst(%arg9 : memref<80xi32, #tpu.memory_space<vmem>>)
          %dma_start3A_136 = arith.constant 0 : i32
          %dma_start3A_137 = arith.constant 0 : i32
          %dma_start3A_138 = tpu.memref_slice %arg4[%dma_start3A_136, %dma_start3A_137] : memref<10000x128xf32, #tpu.memory_space<hbm>> -> memref<10000x128xf32, #tpu.memory_space<hbm>>
          tpu.enqueue_indirect_dma source(%dma_start3A_138 : memref<10000x128xf32, #tpu.memory_space<hbm>>) target(%arg13 : memref<80x128xf32, #tpu.memory_space<vmem>>) offsets(%arg9 : memref<80xi32, #tpu.memory_space<vmem>>) semaphore(%arg17 : memref<!tpu.dma_semaphore, #tpu.memory_space<semaphore_mem>>)
        } else {
        }
      } else {
      }
      %mul3A_82 = arith.constant 3 : i32
      %mul3A_83 = arith.muli %scan3A_74, %mul3A_82 : i32
      %add3A_84 = arith.constant 1 : i32
      %add3A_85 = arith.addi %mul3A_83, %add3A_84 : i32
      %lt3A_86 = arith.constant 125 : i32
      %lt3A_87 = arith.cmpi slt, %add3A_85, %lt3A_86 : i32
      %convert_element_type3A_88 = arith.extui %lt3A_87 : i1 to i32
      %cond3A_89 = arith.constant 0 : i32
      %cond3A_90 = arith.cmpi ne, %convert_element_type3A_88, %cond3A_89 : i32
      scf.if %cond3A_90 {
        %dma_wait3A_101 = arith.constant 0 : i32
        %dma_wait3A_102 = arith.constant 0 : i32
        %dma_wait3A_103 = tpu.memref_slice %arg4[%dma_wait3A_101, %dma_wait3A_102] : memref<10000x128xf32, #tpu.memory_space<hbm>> -> memref<10000x128xf32, #tpu.memory_space<hbm>>
        tpu.wait_indirect_dma semaphore(%arg16 : memref<!tpu.dma_semaphore, #tpu.memory_space<semaphore_mem>>) src(%dma_wait3A_103 : memref<10000x128xf32, #tpu.memory_space<hbm>>) dst(%arg12 : memref<80x128xf32, #tpu.memory_space<vmem>>)
        %add3A_104 = arith.constant 3 : i32
        %add3A_105 = arith.addi %add3A_85, %add3A_104 : i32
        %lt3A_106 = arith.constant 125 : i32
        %lt3A_107 = arith.cmpi slt, %add3A_105, %lt3A_106 : i32
        %convert_element_type3A_108 = arith.extui %lt3A_107 : i1 to i32
        %cond3A_109 = arith.constant 0 : i32
        %cond3A_110 = arith.cmpi ne, %convert_element_type3A_108, %cond3A_109 : i32
        scf.if %cond3A_110 {
          %add3A_124 = arith.constant 3 : i32
          %add3A_125 = arith.addi %add3A_85, %add3A_124 : i32
          %dma_start3A_126 = arith.constant 0 : i32
          %dma_start3A_127 = tpu.memref_slice %arg2[%add3A, %add3A_125, %dma_start3A_126] : memref<32x125x80xi32, #tpu.memory_space<hbm>> -> memref<1x1x80xi32, #tpu.memory_space<hbm>>
          %dma_start3A_128 = tpu.memref_squeeze %dma_start3A_127 : memref<1x1x80xi32, #tpu.memory_space<hbm>> -> memref<80xi32, #tpu.memory_space<hbm>>
          %dma_start3A_129 = arith.constant 0 : i32
          %dma_start3A_130 = tpu.memref_slice %arg2[%add3A, %add3A_125, %dma_start3A_129] : memref<32x125x80xi32, #tpu.memory_space<hbm>> -> memref<1x1x80xi32, #tpu.memory_space<hbm>>
          %dma_start3A_131 = tpu.memref_squeeze %dma_start3A_130 : memref<1x1x80xi32, #tpu.memory_space<hbm>> -> memref<80xi32, #tpu.memory_space<hbm>>
          tpu.enqueue_dma source(%dma_start3A_131 : memref<80xi32, #tpu.memory_space<hbm>>) target(%arg8 : memref<80xi32, #tpu.memory_space<vmem>>) target_semaphore(%arg22 : memref<!tpu.dma_semaphore, #tpu.memory_space<semaphore_mem>>)
        } else {
        }
        %dma_start3A_111 = arith.constant 0 : i32
        %dma_start3A_112 = tpu.memref_slice %arg10[%add3A_85, %dma_start3A_111] : memref<125x80xi32, #tpu.memory_space<vmem>> -> memref<1x80xi32, #tpu.memory_space<vmem>>
        %dma_start3A_113 = tpu.memref_squeeze %dma_start3A_112 : memref<1x80xi32, #tpu.memory_space<vmem>> -> memref<80xi32, #tpu.memory_space<vmem>>
        %dma_start3A_114 = arith.constant 0 : i32
        %dma_start3A_115 = arith.constant 0 : i32
        %dma_start3A_116 = tpu.memref_slice %arg14[%dma_start3A_114, %dma_start3A_115] : memref<10112x128xf32, #tpu.memory_space<vmem_shared>> -> memref<10112x128xf32, #tpu.memory_space<vmem_shared>>
        tpu.enqueue_indirect_dma source(%arg12 : memref<80x128xf32, #tpu.memory_space<vmem>>) target(%dma_start3A_116 : memref<10112x128xf32, #tpu.memory_space<vmem_shared>>) offsets(%dma_start3A_113 : memref<80xi32, #tpu.memory_space<vmem>>) semaphore(%arg19 : memref<!tpu.dma_semaphore, #tpu.memory_space<semaphore_mem>>) {add = true}
        %add3A_117 = arith.constant 2 : i32
        %add3A_118 = arith.addi %add3A_85, %add3A_117 : i32
        %lt3A_119 = arith.constant 125 : i32
        %lt3A_120 = arith.cmpi slt, %add3A_118, %lt3A_119 : i32
        %convert_element_type3A_121 = arith.extui %lt3A_120 : i1 to i32
        %cond3A_122 = arith.constant 0 : i32
        %cond3A_123 = arith.cmpi ne, %convert_element_type3A_121, %cond3A_122 : i32
        scf.if %cond3A_123 {
          %ge3A = arith.constant 1 : i32
          %ge3A_124 = arith.cmpi sge, %add3A_85, %ge3A : i32
          %convert_element_type3A_125 = arith.extui %ge3A_124 : i1 to i32
          %cond3A_126 = arith.constant 0 : i32
          %cond3A_127 = arith.cmpi ne, %convert_element_type3A_125, %cond3A_126 : i32
          scf.if %cond3A_127 {
            %sub3A = arith.constant 1 : i32
            %sub3A_139 = arith.subi %add3A_85, %sub3A : i32
            %dma_wait3A_140 = arith.constant 0 : i32
            %dma_wait3A_141 = tpu.memref_slice %arg10[%sub3A_139, %dma_wait3A_140] : memref<125x80xi32, #tpu.memory_space<vmem>> -> memref<1x80xi32, #tpu.memory_space<vmem>>
            %dma_wait3A_142 = tpu.memref_squeeze %dma_wait3A_141 : memref<1x80xi32, #tpu.memory_space<vmem>> -> memref<80xi32, #tpu.memory_space<vmem>>
            %dma_wait3A_143 = arith.constant 0 : i32
            %dma_wait3A_144 = arith.constant 0 : i32
            %dma_wait3A_145 = tpu.memref_slice %arg14[%dma_wait3A_143, %dma_wait3A_144] : memref<10112x128xf32, #tpu.memory_space<vmem_shared>> -> memref<10112x128xf32, #tpu.memory_space<vmem_shared>>
            tpu.wait_indirect_dma semaphore(%arg18 : memref<!tpu.dma_semaphore, #tpu.memory_space<semaphore_mem>>) src(%arg11 : memref<80x128xf32, #tpu.memory_space<vmem>>) dst(%dma_wait3A_145 : memref<10112x128xf32, #tpu.memory_space<vmem_shared>>)
          } else {
          }
          %add3A_128 = arith.constant 2 : i32
          %add3A_129 = arith.addi %add3A_85, %add3A_128 : i32
          %dma_wait3A_130 = arith.constant 0 : i32
          %dma_wait3A_131 = tpu.memref_slice %arg2[%add3A, %add3A_129, %dma_wait3A_130] : memref<32x125x80xi32, #tpu.memory_space<hbm>> -> memref<1x1x80xi32, #tpu.memory_space<hbm>>
          %dma_wait3A_132 = tpu.memref_squeeze %dma_wait3A_131 : memref<1x1x80xi32, #tpu.memory_space<hbm>> -> memref<80xi32, #tpu.memory_space<hbm>>
          %dma_wait3A_133 = arith.constant 0 : i32
          %dma_wait3A_134 = tpu.memref_slice %arg2[%add3A, %add3A_129, %dma_wait3A_133] : memref<32x125x80xi32, #tpu.memory_space<hbm>> -> memref<1x1x80xi32, #tpu.memory_space<hbm>>
          %dma_wait3A_135 = tpu.memref_squeeze %dma_wait3A_134 : memref<1x1x80xi32, #tpu.memory_space<hbm>> -> memref<80xi32, #tpu.memory_space<hbm>>
          tpu.wait_dma2 semaphore(%arg21 : memref<!tpu.dma_semaphore, #tpu.memory_space<semaphore_mem>>) src(%dma_wait3A_135 : memref<80xi32, #tpu.memory_space<hbm>>) dst(%arg7 : memref<80xi32, #tpu.memory_space<vmem>>)
          %dma_start3A_136 = arith.constant 0 : i32
          %dma_start3A_137 = arith.constant 0 : i32
          %dma_start3A_138 = tpu.memref_slice %arg4[%dma_start3A_136, %dma_start3A_137] : memref<10000x128xf32, #tpu.memory_space<hbm>> -> memref<10000x128xf32, #tpu.memory_space<hbm>>
          tpu.enqueue_indirect_dma source(%dma_start3A_138 : memref<10000x128xf32, #tpu.memory_space<hbm>>) target(%arg11 : memref<80x128xf32, #tpu.memory_space<vmem>>) offsets(%arg7 : memref<80xi32, #tpu.memory_space<vmem>>) semaphore(%arg15 : memref<!tpu.dma_semaphore, #tpu.memory_space<semaphore_mem>>)
        } else {
        }
      } else {
      }
      %mul3A_91 = arith.constant 3 : i32
      %mul3A_92 = arith.muli %scan3A_74, %mul3A_91 : i32
      %add3A_93 = arith.constant 2 : i32
      %add3A_94 = arith.addi %mul3A_92, %add3A_93 : i32
      %lt3A_95 = arith.constant 125 : i32
      %lt3A_96 = arith.cmpi slt, %add3A_94, %lt3A_95 : i32
      %convert_element_type3A_97 = arith.extui %lt3A_96 : i1 to i32
      %cond3A_98 = arith.constant 0 : i32
      %cond3A_99 = arith.cmpi ne, %convert_element_type3A_97, %cond3A_98 : i32
      scf.if %cond3A_99 {
        %dma_wait3A_101 = arith.constant 0 : i32
        %dma_wait3A_102 = arith.constant 0 : i32
        %dma_wait3A_103 = tpu.memref_slice %arg4[%dma_wait3A_101, %dma_wait3A_102] : memref<10000x128xf32, #tpu.memory_space<hbm>> -> memref<10000x128xf32, #tpu.memory_space<hbm>>
        tpu.wait_indirect_dma semaphore(%arg17 : memref<!tpu.dma_semaphore, #tpu.memory_space<semaphore_mem>>) src(%dma_wait3A_103 : memref<10000x128xf32, #tpu.memory_space<hbm>>) dst(%arg13 : memref<80x128xf32, #tpu.memory_space<vmem>>)
        %add3A_104 = arith.constant 3 : i32
        %add3A_105 = arith.addi %add3A_94, %add3A_104 : i32
        %lt3A_106 = arith.constant 125 : i32
        %lt3A_107 = arith.cmpi slt, %add3A_105, %lt3A_106 : i32
        %convert_element_type3A_108 = arith.extui %lt3A_107 : i1 to i32
        %cond3A_109 = arith.constant 0 : i32
        %cond3A_110 = arith.cmpi ne, %convert_element_type3A_108, %cond3A_109 : i32
        scf.if %cond3A_110 {
          %add3A_124 = arith.constant 3 : i32
          %add3A_125 = arith.addi %add3A_94, %add3A_124 : i32
          %dma_start3A_126 = arith.constant 0 : i32
          %dma_start3A_127 = tpu.memref_slice %arg2[%add3A, %add3A_125, %dma_start3A_126] : memref<32x125x80xi32, #tpu.memory_space<hbm>> -> memref<1x1x80xi32, #tpu.memory_space<hbm>>
          %dma_start3A_128 = tpu.memref_squeeze %dma_start3A_127 : memref<1x1x80xi32, #tpu.memory_space<hbm>> -> memref<80xi32, #tpu.memory_space<hbm>>
          %dma_start3A_129 = arith.constant 0 : i32
          %dma_start3A_130 = tpu.memref_slice %arg2[%add3A, %add3A_125, %dma_start3A_129] : memref<32x125x80xi32, #tpu.memory_space<hbm>> -> memref<1x1x80xi32, #tpu.memory_space<hbm>>
          %dma_start3A_131 = tpu.memref_squeeze %dma_start3A_130 : memref<1x1x80xi32, #tpu.memory_space<hbm>> -> memref<80xi32, #tpu.memory_space<hbm>>
          tpu.enqueue_dma source(%dma_start3A_131 : memref<80xi32, #tpu.memory_space<hbm>>) target(%arg9 : memref<80xi32, #tpu.memory_space<vmem>>) target_semaphore(%arg23 : memref<!tpu.dma_semaphore, #tpu.memory_space<semaphore_mem>>)
        } else {
        }
        %dma_start3A_111 = arith.constant 0 : i32
        %dma_start3A_112 = tpu.memref_slice %arg10[%add3A_94, %dma_start3A_111] : memref<125x80xi32, #tpu.memory_space<vmem>> -> memref<1x80xi32, #tpu.memory_space<vmem>>
        %dma_start3A_113 = tpu.memref_squeeze %dma_start3A_112 : memref<1x80xi32, #tpu.memory_space<vmem>> -> memref<80xi32, #tpu.memory_space<vmem>>
        %dma_start3A_114 = arith.constant 0 : i32
        %dma_start3A_115 = arith.constant 0 : i32
        %dma_start3A_116 = tpu.memref_slice %arg14[%dma_start3A_114, %dma_start3A_115] : memref<10112x128xf32, #tpu.memory_space<vmem_shared>> -> memref<10112x128xf32, #tpu.memory_space<vmem_shared>>
        tpu.enqueue_indirect_dma source(%arg13 : memref<80x128xf32, #tpu.memory_space<vmem>>) target(%dma_start3A_116 : memref<10112x128xf32, #tpu.memory_space<vmem_shared>>) offsets(%dma_start3A_113 : memref<80xi32, #tpu.memory_space<vmem>>) semaphore(%arg20 : memref<!tpu.dma_semaphore, #tpu.memory_space<semaphore_mem>>) {add = true}
        %add3A_117 = arith.constant 2 : i32
        %add3A_118 = arith.addi %add3A_94, %add3A_117 : i32
        %lt3A_119 = arith.constant 125 : i32
        %lt3A_120 = arith.cmpi slt, %add3A_118, %lt3A_119 : i32
        %convert_element_type3A_121 = arith.extui %lt3A_120 : i1 to i32
        %cond3A_122 = arith.constant 0 : i32
        %cond3A_123 = arith.cmpi ne, %convert_element_type3A_121, %cond3A_122 : i32
        scf.if %cond3A_123 {
          %ge3A = arith.constant 1 : i32
          %ge3A_124 = arith.cmpi sge, %add3A_94, %ge3A : i32
          %convert_element_type3A_125 = arith.extui %ge3A_124 : i1 to i32
          %cond3A_126 = arith.constant 0 : i32
          %cond3A_127 = arith.cmpi ne, %convert_element_type3A_125, %cond3A_126 : i32
          scf.if %cond3A_127 {
            %sub3A = arith.constant 1 : i32
            %sub3A_139 = arith.subi %add3A_94, %sub3A : i32
            %dma_wait3A_140 = arith.constant 0 : i32
            %dma_wait3A_141 = tpu.memref_slice %arg10[%sub3A_139, %dma_wait3A_140] : memref<125x80xi32, #tpu.memory_space<vmem>> -> memref<1x80xi32, #tpu.memory_space<vmem>>
            %dma_wait3A_142 = tpu.memref_squeeze %dma_wait3A_141 : memref<1x80xi32, #tpu.memory_space<vmem>> -> memref<80xi32, #tpu.memory_space<vmem>>
            %dma_wait3A_143 = arith.constant 0 : i32
            %dma_wait3A_144 = arith.constant 0 : i32
            %dma_wait3A_145 = tpu.memref_slice %arg14[%dma_wait3A_143, %dma_wait3A_144] : memref<10112x128xf32, #tpu.memory_space<vmem_shared>> -> memref<10112x128xf32, #tpu.memory_space<vmem_shared>>
            tpu.wait_indirect_dma semaphore(%arg19 : memref<!tpu.dma_semaphore, #tpu.memory_space<semaphore_mem>>) src(%arg12 : memref<80x128xf32, #tpu.memory_space<vmem>>) dst(%dma_wait3A_145 : memref<10112x128xf32, #tpu.memory_space<vmem_shared>>)
          } else {
          }
          %add3A_128 = arith.constant 2 : i32
          %add3A_129 = arith.addi %add3A_94, %add3A_128 : i32
          %dma_wait3A_130 = arith.constant 0 : i32
          %dma_wait3A_131 = tpu.memref_slice %arg2[%add3A, %add3A_129, %dma_wait3A_130] : memref<32x125x80xi32, #tpu.memory_space<hbm>> -> memref<1x1x80xi32, #tpu.memory_space<hbm>>
          %dma_wait3A_132 = tpu.memref_squeeze %dma_wait3A_131 : memref<1x1x80xi32, #tpu.memory_space<hbm>> -> memref<80xi32, #tpu.memory_space<hbm>>
          %dma_wait3A_133 = arith.constant 0 : i32
          %dma_wait3A_134 = tpu.memref_slice %arg2[%add3A, %add3A_129, %dma_wait3A_133] : memref<32x125x80xi32, #tpu.memory_space<hbm>> -> memref<1x1x80xi32, #tpu.memory_space<hbm>>
          %dma_wait3A_135 = tpu.memref_squeeze %dma_wait3A_134 : memref<1x1x80xi32, #tpu.memory_space<hbm>> -> memref<80xi32, #tpu.memory_space<hbm>>
          tpu.wait_dma2 semaphore(%arg22 : memref<!tpu.dma_semaphore, #tpu.memory_space<semaphore_mem>>) src(%dma_wait3A_135 : memref<80xi32, #tpu.memory_space<hbm>>) dst(%arg8 : memref<80xi32, #tpu.memory_space<vmem>>)
          %dma_start3A_136 = arith.constant 0 : i32
          %dma_start3A_137 = arith.constant 0 : i32
          %dma_start3A_138 = tpu.memref_slice %arg4[%dma_start3A_136, %dma_start3A_137] : memref<10000x128xf32, #tpu.memory_space<hbm>> -> memref<10000x128xf32, #tpu.memory_space<hbm>>
          tpu.enqueue_indirect_dma source(%dma_start3A_138 : memref<10000x128xf32, #tpu.memory_space<hbm>>) target(%arg12 : memref<80x128xf32, #tpu.memory_space<vmem>>) offsets(%arg8 : memref<80xi32, #tpu.memory_space<vmem>>) semaphore(%arg16 : memref<!tpu.dma_semaphore, #tpu.memory_space<semaphore_mem>>)
        } else {
        }
      } else {
      }
      %scan3A_100 = arith.constant 0 : i32
      scf.yield %scan3A_100 : i32
    }
    %scan3A_47 = arith.constant 42 : i32
    %dma_wait3A_48 = arith.constant 122 : i32
    %dma_wait3A_49 = arith.constant 0 : i32
    %dma_wait3A_50 = tpu.memref_slice %arg10[%dma_wait3A_48, %dma_wait3A_49] : memref<125x80xi32, #tpu.memory_space<vmem>> -> memref<1x80xi32, #tpu.memory_space<vmem>>
    %dma_wait3A_51 = tpu.memref_squeeze %dma_wait3A_50 : memref<1x80xi32, #tpu.memory_space<vmem>> -> memref<80xi32, #tpu.memory_space<vmem>>
    %dma_wait3A_52 = arith.constant 0 : i32
    %dma_wait3A_53 = arith.constant 0 : i32
    %dma_wait3A_54 = tpu.memref_slice %arg14[%dma_wait3A_52, %dma_wait3A_53] : memref<10112x128xf32, #tpu.memory_space<vmem_shared>> -> memref<10112x128xf32, #tpu.memory_space<vmem_shared>>
    tpu.wait_indirect_dma semaphore(%arg20 : memref<!tpu.dma_semaphore, #tpu.memory_space<semaphore_mem>>) src(%arg13 : memref<80x128xf32, #tpu.memory_space<vmem>>) dst(%dma_wait3A_54 : memref<10112x128xf32, #tpu.memory_space<vmem_shared>>)
    %dma_wait3A_55 = arith.constant 123 : i32
    %dma_wait3A_56 = arith.constant 0 : i32
    %dma_wait3A_57 = tpu.memref_slice %arg10[%dma_wait3A_55, %dma_wait3A_56] : memref<125x80xi32, #tpu.memory_space<vmem>> -> memref<1x80xi32, #tpu.memory_space<vmem>>
    %dma_wait3A_58 = tpu.memref_squeeze %dma_wait3A_57 : memref<1x80xi32, #tpu.memory_space<vmem>> -> memref<80xi32, #tpu.memory_space<vmem>>
    %dma_wait3A_59 = arith.constant 0 : i32
    %dma_wait3A_60 = arith.constant 0 : i32
    %dma_wait3A_61 = tpu.memref_slice %arg14[%dma_wait3A_59, %dma_wait3A_60] : memref<10112x128xf32, #tpu.memory_space<vmem_shared>> -> memref<10112x128xf32, #tpu.memory_space<vmem_shared>>
    tpu.wait_indirect_dma semaphore(%arg18 : memref<!tpu.dma_semaphore, #tpu.memory_space<semaphore_mem>>) src(%arg11 : memref<80x128xf32, #tpu.memory_space<vmem>>) dst(%dma_wait3A_61 : memref<10112x128xf32, #tpu.memory_space<vmem_shared>>)
    %dma_wait3A_62 = arith.constant 124 : i32
    %dma_wait3A_63 = arith.constant 0 : i32
    %dma_wait3A_64 = tpu.memref_slice %arg10[%dma_wait3A_62, %dma_wait3A_63] : memref<125x80xi32, #tpu.memory_space<vmem>> -> memref<1x80xi32, #tpu.memory_space<vmem>>
    %dma_wait3A_65 = tpu.memref_squeeze %dma_wait3A_64 : memref<1x80xi32, #tpu.memory_space<vmem>> -> memref<80xi32, #tpu.memory_space<vmem>>
    %dma_wait3A_66 = arith.constant 0 : i32
    %dma_wait3A_67 = arith.constant 0 : i32
    %dma_wait3A_68 = tpu.memref_slice %arg14[%dma_wait3A_66, %dma_wait3A_67] : memref<10112x128xf32, #tpu.memory_space<vmem_shared>> -> memref<10112x128xf32, #tpu.memory_space<vmem_shared>>
    tpu.wait_indirect_dma semaphore(%arg19 : memref<!tpu.dma_semaphore, #tpu.memory_space<semaphore_mem>>) src(%arg12 : memref<80x128xf32, #tpu.memory_space<vmem>>) dst(%dma_wait3A_68 : memref<10112x128xf32, #tpu.memory_space<vmem_shared>>)
    %barrier3A_69 = arith.constant 0 : index
    tpu.barrier barrier_id(%barrier3A_69)
    %mul3A_70 = arith.constant 632 : i32
    %mul3A_71 = arith.muli %arg1, %mul3A_70 : i32
    %mul3A_72 = arith.constant 632 : i32
    %mul3A_73 = arith.muli %arg1, %mul3A_72 : i32
    "tpu.region"() ({
      %run_scoped3A = tpu.sem_alloc : memref<!tpu.dma_semaphore, #tpu.memory_space<semaphore_mem>>
      %dma_start3A_74 = arith.constant 0 : i32
      %dma_start3A_75 = tpu.memref_slice %arg6[%arg0, %mul3A_73, %dma_start3A_74] : memref<2x10112x128xf32, #tpu.memory_space<hbm>> -> memref<1x632x128xf32, #tpu.memory_space<hbm>>
      %dma_start3A_76 = tpu.memref_squeeze %dma_start3A_75 : memref<1x632x128xf32, #tpu.memory_space<hbm>> -> memref<632x128xf32, #tpu.memory_space<hbm>>
      %dma_start3A_77 = arith.constant 0 : i32
      %dma_start3A_78 = tpu.memref_slice %arg14[%mul3A_71, %dma_start3A_77] : memref<10112x128xf32, #tpu.memory_space<vmem_shared>> -> memref<632x128xf32, #tpu.memory_space<vmem_shared>>
      tpu.enqueue_dma source(%dma_start3A_78 : memref<632x128xf32, #tpu.memory_space<vmem_shared>>) target(%dma_start3A_76 : memref<632x128xf32, #tpu.memory_space<hbm>>) target_semaphore(%run_scoped3A : memref<!tpu.dma_semaphore, #tpu.memory_space<semaphore_mem>>)
      %dma_wait3A_79 = arith.constant 0 : i32
      %dma_wait3A_80 = tpu.memref_slice %arg6[%arg0, %mul3A_73, %dma_wait3A_79] : memref<2x10112x128xf32, #tpu.memory_space<hbm>> -> memref<1x632x128xf32, #tpu.memory_space<hbm>>
      %dma_wait3A_81 = tpu.memref_squeeze %dma_wait3A_80 : memref<1x632x128xf32, #tpu.memory_space<hbm>> -> memref<632x128xf32, #tpu.memory_space<hbm>>
      %dma_wait3A_82 = arith.constant 0 : i32
      %dma_wait3A_83 = tpu.memref_slice %arg14[%mul3A_71, %dma_wait3A_82] : memref<10112x128xf32, #tpu.memory_space<vmem_shared>> -> memref<632x128xf32, #tpu.memory_space<vmem_shared>>
      tpu.wait_dma2 semaphore(%run_scoped3A : memref<!tpu.dma_semaphore, #tpu.memory_space<semaphore_mem>>) src(%dma_wait3A_83 : memref<632x128xf32, #tpu.memory_space<vmem_shared>>) dst(%dma_wait3A_81 : memref<632x128xf32, #tpu.memory_space<hbm>>)
      tpu.yield
    }) : () -> ()
    return
  }
}

#map = affine_map<(d0, d1) -> (0, 0, 0)>
#map1 = affine_map<(d0, d1) -> (0, 0)>
module attributes {stable_mosaic.version = 14 : i64} {
  func.func @_edge_body(%arg0: i32, %arg1: i32, %arg2: memref<32x125x80xi32, #tpu.memory_space<hbm>>, %arg3: memref<32x125x80xi32, #tpu.memory_space<hbm>>, %arg4: memref<10000x128xf32, #tpu.memory_space<hbm>>, %arg5: memref<632x128xf32, #tpu.memory_space<hbm>>, %arg6: memref<2x10112x128xf32, #tpu.memory_space<hbm>>, %arg7: memref<80xi32, #tpu.memory_space<vmem>>, %arg8: memref<80xi32, #tpu.memory_space<vmem>>, %arg9: memref<80xi32, #tpu.memory_space<vmem>>, %arg10: memref<125x80xi32, #tpu.memory_space<vmem>>, %arg11: memref<80x128xf32, #tpu.memory_space<vmem>>, %arg12: memref<80x128xf32, #tpu.memory_space<vmem>>, %arg13: memref<80x128xf32, #tpu.memory_space<vmem>>, %arg14: memref<10112x128xf32, #tpu.memory_space<vmem_shared>>, %arg15: memref<!tpu.dma_semaphore, #tpu.memory_space<semaphore_mem>>, %arg16: memref<!tpu.dma_semaphore, #tpu.memory_space<semaphore_mem>>, %arg17: memref<!tpu.dma_semaphore, #tpu.memory_space<semaphore_mem>>, %arg18: memref<!tpu.dma_semaphore, #tpu.memory_space<semaphore_mem>>, %arg19: memref<!tpu.dma_semaphore, #tpu.memory_space<semaphore_mem>>, %arg20: memref<!tpu.dma_semaphore, #tpu.memory_space<semaphore_mem>>, %arg21: memref<!tpu.dma_semaphore, #tpu.memory_space<semaphore_mem>>, %arg22: memref<!tpu.dma_semaphore, #tpu.memory_space<semaphore_mem>>, %arg23: memref<!tpu.dma_semaphore, #tpu.memory_space<semaphore_mem>>) attributes {dimension_semantics = [#tpu.dimension_semantics<core_parallel>, #tpu.dimension_semantics<subcore_parallel>], iteration_bounds = array<i64: 2, 16>, scalar_prefetch = 0 : i64, scratch_operands = 17 : i64, tpu.core_type = #tpu.core_type<sc_vector_subcore>, window_params = [{transform_indices = #map}, {transform_indices = #map}, {transform_indices = #map1}, {transform_indices = #map1}, {transform_indices = #map}]} {
    %mul3A = arith.constant 16 : i32
    %mul3A_0 = arith.muli %arg0, %mul3A : i32
    %add3A = arith.addi %mul3A_0, %arg1 : i32
    "tpu.region"() ({
      %run_scoped3A = tpu.sem_alloc : memref<!tpu.dma_semaphore, #tpu.memory_space<semaphore_mem>>
      %dma_start3A_74 = arith.constant 0 : i32
      %dma_start3A_75 = arith.constant 0 : i32
      %dma_start3A_76 = tpu.memref_slice %arg3[%add3A, %dma_start3A_74, %dma_start3A_75] : memref<32x125x80xi32, #tpu.memory_space<hbm>> -> memref<1x125x80xi32, #tpu.memory_space<hbm>>
      %dma_start3A_77 = tpu.memref_squeeze %dma_start3A_76 : memref<1x125x80xi32, #tpu.memory_space<hbm>> -> memref<125x80xi32, #tpu.memory_space<hbm>>
      %dma_start3A_78 = arith.constant 0 : i32
      %dma_start3A_79 = arith.constant 0 : i32
      %dma_start3A_80 = tpu.memref_slice %arg3[%add3A, %dma_start3A_78, %dma_start3A_79] : memref<32x125x80xi32, #tpu.memory_space<hbm>> -> memref<1x125x80xi32, #tpu.memory_space<hbm>>
      %dma_start3A_81 = tpu.memref_squeeze %dma_start3A_80 : memref<1x125x80xi32, #tpu.memory_space<hbm>> -> memref<125x80xi32, #tpu.memory_space<hbm>>
      tpu.enqueue_dma source(%dma_start3A_81 : memref<125x80xi32, #tpu.memory_space<hbm>>) target(%arg10 : memref<125x80xi32, #tpu.memory_space<vmem>>) target_semaphore(%run_scoped3A : memref<!tpu.dma_semaphore, #tpu.memory_space<semaphore_mem>>)
      %dma_wait3A_82 = arith.constant 0 : i32
      %dma_wait3A_83 = arith.constant 0 : i32
      %dma_wait3A_84 = tpu.memref_slice %arg3[%add3A, %dma_wait3A_82, %dma_wait3A_83] : memref<32x125x80xi32, #tpu.memory_space<hbm>> -> memref<1x125x80xi32, #tpu.memory_space<hbm>>
      %dma_wait3A_85 = tpu.memref_squeeze %dma_wait3A_84 : memref<1x125x80xi32, #tpu.memory_space<hbm>> -> memref<125x80xi32, #tpu.memory_space<hbm>>
      %dma_wait3A_86 = arith.constant 0 : i32
      %dma_wait3A_87 = arith.constant 0 : i32
      %dma_wait3A_88 = tpu.memref_slice %arg3[%add3A, %dma_wait3A_86, %dma_wait3A_87] : memref<32x125x80xi32, #tpu.memory_space<hbm>> -> memref<1x125x80xi32, #tpu.memory_space<hbm>>
      %dma_wait3A_89 = tpu.memref_squeeze %dma_wait3A_88 : memref<1x125x80xi32, #tpu.memory_space<hbm>> -> memref<125x80xi32, #tpu.memory_space<hbm>>
      tpu.wait_dma2 semaphore(%run_scoped3A : memref<!tpu.dma_semaphore, #tpu.memory_space<semaphore_mem>>) src(%dma_wait3A_89 : memref<125x80xi32, #tpu.memory_space<hbm>>) dst(%arg10 : memref<125x80xi32, #tpu.memory_space<vmem>>)
      tpu.yield
    }) : () -> ()
    %dma_start3A = arith.constant 0 : i32
    %dma_start3A_1 = arith.constant 0 : i32
    %dma_start3A_2 = tpu.memref_slice %arg2[%add3A, %dma_start3A, %dma_start3A_1] : memref<32x125x80xi32, #tpu.memory_space<hbm>> -> memref<1x1x80xi32, #tpu.memory_space<hbm>>
    %dma_start3A_3 = tpu.memref_squeeze %dma_start3A_2 : memref<1x1x80xi32, #tpu.memory_space<hbm>> -> memref<80xi32, #tpu.memory_space<hbm>>
    %dma_start3A_4 = arith.constant 0 : i32
    %dma_start3A_5 = tpu.memref_slice %arg2[%add3A, %dma_start3A, %dma_start3A_4] : memref<32x125x80xi32, #tpu.memory_space<hbm>> -> memref<1x1x80xi32, #tpu.memory_space<hbm>>
    %dma_start3A_6 = tpu.memref_squeeze %dma_start3A_5 : memref<1x1x80xi32, #tpu.memory_space<hbm>> -> memref<80xi32, #tpu.memory_space<hbm>>
    tpu.enqueue_dma source(%dma_start3A_6 : memref<80xi32, #tpu.memory_space<hbm>>) target(%arg7 : memref<80xi32, #tpu.memory_space<vmem>>) target_semaphore(%arg21 : memref<!tpu.dma_semaphore, #tpu.memory_space<semaphore_mem>>)
    %dma_start3A_7 = arith.constant 1 : i32
    %dma_start3A_8 = arith.constant 0 : i32
    %dma_start3A_9 = tpu.memref_slice %arg2[%add3A, %dma_start3A_7, %dma_start3A_8] : memref<32x125x80xi32, #tpu.memory_space<hbm>> -> memref<1x1x80xi32, #tpu.memory_space<hbm>>
    %dma_start3A_10 = tpu.memref_squeeze %dma_start3A_9 : memref<1x1x80xi32, #tpu.memory_space<hbm>> -> memref<80xi32, #tpu.memory_space<hbm>>
    %dma_start3A_11 = arith.constant 0 : i32
    %dma_start3A_12 = tpu.memref_slice %arg2[%add3A, %dma_start3A_7, %dma_start3A_11] : memref<32x125x80xi32, #tpu.memory_space<hbm>> -> memref<1x1x80xi32, #tpu.memory_space<hbm>>
    %dma_start3A_13 = tpu.memref_squeeze %dma_start3A_12 : memref<1x1x80xi32, #tpu.memory_space<hbm>> -> memref<80xi32, #tpu.memory_space<hbm>>
    tpu.enqueue_dma source(%dma_start3A_13 : memref<80xi32, #tpu.memory_space<hbm>>) target(%arg8 : memref<80xi32, #tpu.memory_space<vmem>>) target_semaphore(%arg22 : memref<!tpu.dma_semaphore, #tpu.memory_space<semaphore_mem>>)
    %dma_start3A_14 = arith.constant 2 : i32
    %dma_start3A_15 = arith.constant 0 : i32
    %dma_start3A_16 = tpu.memref_slice %arg2[%add3A, %dma_start3A_14, %dma_start3A_15] : memref<32x125x80xi32, #tpu.memory_space<hbm>> -> memref<1x1x80xi32, #tpu.memory_space<hbm>>
    %dma_start3A_17 = tpu.memref_squeeze %dma_start3A_16 : memref<1x1x80xi32, #tpu.memory_space<hbm>> -> memref<80xi32, #tpu.memory_space<hbm>>
    %dma_start3A_18 = arith.constant 0 : i32
    %dma_start3A_19 = tpu.memref_slice %arg2[%add3A, %dma_start3A_14, %dma_start3A_18] : memref<32x125x80xi32, #tpu.memory_space<hbm>> -> memref<1x1x80xi32, #tpu.memory_space<hbm>>
    %dma_start3A_20 = tpu.memref_squeeze %dma_start3A_19 : memref<1x1x80xi32, #tpu.memory_space<hbm>> -> memref<80xi32, #tpu.memory_space<hbm>>
    tpu.enqueue_dma source(%dma_start3A_20 : memref<80xi32, #tpu.memory_space<hbm>>) target(%arg9 : memref<80xi32, #tpu.memory_space<vmem>>) target_semaphore(%arg23 : memref<!tpu.dma_semaphore, #tpu.memory_space<semaphore_mem>>)
    %mul3A_21 = arith.constant 632 : i32
    %mul3A_22 = arith.muli %arg1, %mul3A_21 : i32
    "tpu.region"() ({
      %run_scoped3A = tpu.sem_alloc : memref<!tpu.dma_semaphore, #tpu.memory_space<semaphore_mem>>
      %dma_start3A_74 = arith.constant 0 : i32
      %dma_start3A_75 = tpu.memref_slice %arg14[%mul3A_22, %dma_start3A_74] : memref<10112x128xf32, #tpu.memory_space<vmem_shared>> -> memref<632x128xf32, #tpu.memory_space<vmem_shared>>
      tpu.enqueue_dma source(%arg5 : memref<632x128xf32, #tpu.memory_space<hbm>>) target(%dma_start3A_75 : memref<632x128xf32, #tpu.memory_space<vmem_shared>>) target_semaphore(%run_scoped3A : memref<!tpu.dma_semaphore, #tpu.memory_space<semaphore_mem>>)
      %dma_wait3A_76 = arith.constant 0 : i32
      %dma_wait3A_77 = tpu.memref_slice %arg14[%mul3A_22, %dma_wait3A_76] : memref<10112x128xf32, #tpu.memory_space<vmem_shared>> -> memref<632x128xf32, #tpu.memory_space<vmem_shared>>
      tpu.wait_dma2 semaphore(%run_scoped3A : memref<!tpu.dma_semaphore, #tpu.memory_space<semaphore_mem>>) src(%arg5 : memref<632x128xf32, #tpu.memory_space<hbm>>) dst(%dma_wait3A_77 : memref<632x128xf32, #tpu.memory_space<vmem_shared>>)
      tpu.yield
    }) : () -> ()
    %barrier3A = arith.constant 0 : index
    tpu.barrier barrier_id(%barrier3A)
    %dma_wait3A = arith.constant 0 : i32
    %dma_wait3A_23 = arith.constant 0 : i32
    %dma_wait3A_24 = tpu.memref_slice %arg2[%add3A, %dma_wait3A, %dma_wait3A_23] : memref<32x125x80xi32, #tpu.memory_space<hbm>> -> memref<1x1x80xi32, #tpu.memory_space<hbm>>
    %dma_wait3A_25 = tpu.memref_squeeze %dma_wait3A_24 : memref<1x1x80xi32, #tpu.memory_space<hbm>> -> memref<80xi32, #tpu.memory_space<hbm>>
    %dma_wait3A_26 = arith.constant 0 : i32
    %dma_wait3A_27 = tpu.memref_slice %arg2[%add3A, %dma_wait3A, %dma_wait3A_26] : memref<32x125x80xi32, #tpu.memory_space<hbm>> -> memref<1x1x80xi32, #tpu.memory_space<hbm>>
    %dma_wait3A_28 = tpu.memref_squeeze %dma_wait3A_27 : memref<1x1x80xi32, #tpu.memory_space<hbm>> -> memref<80xi32, #tpu.memory_space<hbm>>
    tpu.wait_dma2 semaphore(%arg21 : memref<!tpu.dma_semaphore, #tpu.memory_space<semaphore_mem>>) src(%dma_wait3A_28 : memref<80xi32, #tpu.memory_space<hbm>>) dst(%arg7 : memref<80xi32, #tpu.memory_space<vmem>>)
    %dma_start3A_29 = arith.constant 0 : i32
    %dma_start3A_30 = arith.constant 0 : i32
    %dma_start3A_31 = tpu.memref_slice %arg4[%dma_start3A_29, %dma_start3A_30] : memref<10000x128xf32, #tpu.memory_space<hbm>> -> memref<10000x128xf32, #tpu.memory_space<hbm>>
    tpu.enqueue_indirect_dma source(%dma_start3A_31 : memref<10000x128xf32, #tpu.memory_space<hbm>>) target(%arg11 : memref<80x128xf32, #tpu.memory_space<vmem>>) offsets(%arg7 : memref<80xi32, #tpu.memory_space<vmem>>) semaphore(%arg15 : memref<!tpu.dma_semaphore, #tpu.memory_space<semaphore_mem>>)
    %dma_wait3A_32 = arith.constant 1 : i32
    %dma_wait3A_33 = arith.constant 0 : i32
    %dma_wait3A_34 = tpu.memref_slice %arg2[%add3A, %dma_wait3A_32, %dma_wait3A_33] : memref<32x125x80xi32, #tpu.memory_space<hbm>> -> memref<1x1x80xi32, #tpu.memory_space<hbm>>
    %dma_wait3A_35 = tpu.memref_squeeze %dma_wait3A_34 : memref<1x1x80xi32, #tpu.memory_space<hbm>> -> memref<80xi32, #tpu.memory_space<hbm>>
    %dma_wait3A_36 = arith.constant 0 : i32
    %dma_wait3A_37 = tpu.memref_slice %arg2[%add3A, %dma_wait3A_32, %dma_wait3A_36] : memref<32x125x80xi32, #tpu.memory_space<hbm>> -> memref<1x1x80xi32, #tpu.memory_space<hbm>>
    %dma_wait3A_38 = tpu.memref_squeeze %dma_wait3A_37 : memref<1x1x80xi32, #tpu.memory_space<hbm>> -> memref<80xi32, #tpu.memory_space<hbm>>
    tpu.wait_dma2 semaphore(%arg22 : memref<!tpu.dma_semaphore, #tpu.memory_space<semaphore_mem>>) src(%dma_wait3A_38 : memref<80xi32, #tpu.memory_space<hbm>>) dst(%arg8 : memref<80xi32, #tpu.memory_space<vmem>>)
    %dma_start3A_39 = arith.constant 0 : i32
    %dma_start3A_40 = arith.constant 0 : i32
    %dma_start3A_41 = tpu.memref_slice %arg4[%dma_start3A_39, %dma_start3A_40] : memref<10000x128xf32, #tpu.memory_space<hbm>> -> memref<10000x128xf32, #tpu.memory_space<hbm>>
    tpu.enqueue_indirect_dma source(%dma_start3A_41 : memref<10000x128xf32, #tpu.memory_space<hbm>>) target(%arg12 : memref<80x128xf32, #tpu.memory_space<vmem>>) offsets(%arg8 : memref<80xi32, #tpu.memory_space<vmem>>) semaphore(%arg16 : memref<!tpu.dma_semaphore, #tpu.memory_space<semaphore_mem>>)
    %scan3A = arith.constant 0 : i32
    %scan3A_42 = arith.constant 0 : i32
    %scan3A_43 = arith.constant 42 : i32
    %scan3A_44 = arith.addi %scan3A_42, %scan3A_43 : i32
    %scan3A_45 = arith.constant 1 : i32
    %scan3A_46 = scf.for %scan3A_74 = %scan3A_42 to %scan3A_44 step %scan3A_45 iter_args(%scan3A_75 = %scan3A) -> (i32)  : i32 {
      %mul3A_76 = arith.constant 3 : i32
      %mul3A_77 = arith.muli %scan3A_74, %mul3A_76 : i32
      %add3A_78 = arith.constant 0 : i32
      %add3A_79 = arith.addi %mul3A_77, %add3A_78 : i32
      %lt3A = arith.constant 125 : i32
      %lt3A_80 = arith.cmpi slt, %add3A_79, %lt3A : i32
      %convert_element_type3A = arith.extui %lt3A_80 : i1 to i32
      %cond3A = arith.constant 0 : i32
      %cond3A_81 = arith.cmpi ne, %convert_element_type3A, %cond3A : i32
      scf.if %cond3A_81 {
        %dma_wait3A_101 = arith.constant 0 : i32
        %dma_wait3A_102 = arith.constant 0 : i32
        %dma_wait3A_103 = tpu.memref_slice %arg4[%dma_wait3A_101, %dma_wait3A_102] : memref<10000x128xf32, #tpu.memory_space<hbm>> -> memref<10000x128xf32, #tpu.memory_space<hbm>>
        tpu.wait_indirect_dma semaphore(%arg15 : memref<!tpu.dma_semaphore, #tpu.memory_space<semaphore_mem>>) src(%dma_wait3A_103 : memref<10000x128xf32, #tpu.memory_space<hbm>>) dst(%arg11 : memref<80x128xf32, #tpu.memory_space<vmem>>)
        %add3A_104 = arith.constant 3 : i32
        %add3A_105 = arith.addi %add3A_79, %add3A_104 : i32
        %lt3A_106 = arith.constant 125 : i32
        %lt3A_107 = arith.cmpi slt, %add3A_105, %lt3A_106 : i32
        %convert_element_type3A_108 = arith.extui %lt3A_107 : i1 to i32
        %cond3A_109 = arith.constant 0 : i32
        %cond3A_110 = arith.cmpi ne, %convert_element_type3A_108, %cond3A_109 : i32
        scf.if %cond3A_110 {
          %add3A_124 = arith.constant 3 : i32
          %add3A_125 = arith.addi %add3A_79, %add3A_124 : i32
          %dma_start3A_126 = arith.constant 0 : i32
          %dma_start3A_127 = tpu.memref_slice %arg2[%add3A, %add3A_125, %dma_start3A_126] : memref<32x125x80xi32, #tpu.memory_space<hbm>> -> memref<1x1x80xi32, #tpu.memory_space<hbm>>
          %dma_start3A_128 = tpu.memref_squeeze %dma_start3A_127 : memref<1x1x80xi32, #tpu.memory_space<hbm>> -> memref<80xi32, #tpu.memory_space<hbm>>
          %dma_start3A_129 = arith.constant 0 : i32
          %dma_start3A_130 = tpu.memref_slice %arg2[%add3A, %add3A_125, %dma_start3A_129] : memref<32x125x80xi32, #tpu.memory_space<hbm>> -> memref<1x1x80xi32, #tpu.memory_space<hbm>>
          %dma_start3A_131 = tpu.memref_squeeze %dma_start3A_130 : memref<1x1x80xi32, #tpu.memory_space<hbm>> -> memref<80xi32, #tpu.memory_space<hbm>>
          tpu.enqueue_dma source(%dma_start3A_131 : memref<80xi32, #tpu.memory_space<hbm>>) target(%arg7 : memref<80xi32, #tpu.memory_space<vmem>>) target_semaphore(%arg21 : memref<!tpu.dma_semaphore, #tpu.memory_space<semaphore_mem>>)
        } else {
        }
        %dma_start3A_111 = arith.constant 0 : i32
        %dma_start3A_112 = tpu.memref_slice %arg10[%add3A_79, %dma_start3A_111] : memref<125x80xi32, #tpu.memory_space<vmem>> -> memref<1x80xi32, #tpu.memory_space<vmem>>
        %dma_start3A_113 = tpu.memref_squeeze %dma_start3A_112 : memref<1x80xi32, #tpu.memory_space<vmem>> -> memref<80xi32, #tpu.memory_space<vmem>>
        %dma_start3A_114 = arith.constant 0 : i32
        %dma_start3A_115 = arith.constant 0 : i32
        %dma_start3A_116 = tpu.memref_slice %arg14[%dma_start3A_114, %dma_start3A_115] : memref<10112x128xf32, #tpu.memory_space<vmem_shared>> -> memref<10112x128xf32, #tpu.memory_space<vmem_shared>>
        tpu.enqueue_indirect_dma source(%arg11 : memref<80x128xf32, #tpu.memory_space<vmem>>) target(%dma_start3A_116 : memref<10112x128xf32, #tpu.memory_space<vmem_shared>>) offsets(%dma_start3A_113 : memref<80xi32, #tpu.memory_space<vmem>>) semaphore(%arg18 : memref<!tpu.dma_semaphore, #tpu.memory_space<semaphore_mem>>) {add = true}
        %add3A_117 = arith.constant 2 : i32
        %add3A_118 = arith.addi %add3A_79, %add3A_117 : i32
        %lt3A_119 = arith.constant 125 : i32
        %lt3A_120 = arith.cmpi slt, %add3A_118, %lt3A_119 : i32
        %convert_element_type3A_121 = arith.extui %lt3A_120 : i1 to i32
        %cond3A_122 = arith.constant 0 : i32
        %cond3A_123 = arith.cmpi ne, %convert_element_type3A_121, %cond3A_122 : i32
        scf.if %cond3A_123 {
          %ge3A = arith.constant 1 : i32
          %ge3A_124 = arith.cmpi sge, %add3A_79, %ge3A : i32
          %convert_element_type3A_125 = arith.extui %ge3A_124 : i1 to i32
          %cond3A_126 = arith.constant 0 : i32
          %cond3A_127 = arith.cmpi ne, %convert_element_type3A_125, %cond3A_126 : i32
          scf.if %cond3A_127 {
            %sub3A = arith.constant 1 : i32
            %sub3A_139 = arith.subi %add3A_79, %sub3A : i32
            %dma_wait3A_140 = arith.constant 0 : i32
            %dma_wait3A_141 = tpu.memref_slice %arg10[%sub3A_139, %dma_wait3A_140] : memref<125x80xi32, #tpu.memory_space<vmem>> -> memref<1x80xi32, #tpu.memory_space<vmem>>
            %dma_wait3A_142 = tpu.memref_squeeze %dma_wait3A_141 : memref<1x80xi32, #tpu.memory_space<vmem>> -> memref<80xi32, #tpu.memory_space<vmem>>
            %dma_wait3A_143 = arith.constant 0 : i32
            %dma_wait3A_144 = arith.constant 0 : i32
            %dma_wait3A_145 = tpu.memref_slice %arg14[%dma_wait3A_143, %dma_wait3A_144] : memref<10112x128xf32, #tpu.memory_space<vmem_shared>> -> memref<10112x128xf32, #tpu.memory_space<vmem_shared>>
            tpu.wait_indirect_dma semaphore(%arg20 : memref<!tpu.dma_semaphore, #tpu.memory_space<semaphore_mem>>) src(%arg13 : memref<80x128xf32, #tpu.memory_space<vmem>>) dst(%dma_wait3A_145 : memref<10112x128xf32, #tpu.memory_space<vmem_shared>>)
          } else {
          }
          %add3A_128 = arith.constant 2 : i32
          %add3A_129 = arith.addi %add3A_79, %add3A_128 : i32
          %dma_wait3A_130 = arith.constant 0 : i32
          %dma_wait3A_131 = tpu.memref_slice %arg2[%add3A, %add3A_129, %dma_wait3A_130] : memref<32x125x80xi32, #tpu.memory_space<hbm>> -> memref<1x1x80xi32, #tpu.memory_space<hbm>>
          %dma_wait3A_132 = tpu.memref_squeeze %dma_wait3A_131 : memref<1x1x80xi32, #tpu.memory_space<hbm>> -> memref<80xi32, #tpu.memory_space<hbm>>
          %dma_wait3A_133 = arith.constant 0 : i32
          %dma_wait3A_134 = tpu.memref_slice %arg2[%add3A, %add3A_129, %dma_wait3A_133] : memref<32x125x80xi32, #tpu.memory_space<hbm>> -> memref<1x1x80xi32, #tpu.memory_space<hbm>>
          %dma_wait3A_135 = tpu.memref_squeeze %dma_wait3A_134 : memref<1x1x80xi32, #tpu.memory_space<hbm>> -> memref<80xi32, #tpu.memory_space<hbm>>
          tpu.wait_dma2 semaphore(%arg23 : memref<!tpu.dma_semaphore, #tpu.memory_space<semaphore_mem>>) src(%dma_wait3A_135 : memref<80xi32, #tpu.memory_space<hbm>>) dst(%arg9 : memref<80xi32, #tpu.memory_space<vmem>>)
          %dma_start3A_136 = arith.constant 0 : i32
          %dma_start3A_137 = arith.constant 0 : i32
          %dma_start3A_138 = tpu.memref_slice %arg4[%dma_start3A_136, %dma_start3A_137] : memref<10000x128xf32, #tpu.memory_space<hbm>> -> memref<10000x128xf32, #tpu.memory_space<hbm>>
          tpu.enqueue_indirect_dma source(%dma_start3A_138 : memref<10000x128xf32, #tpu.memory_space<hbm>>) target(%arg13 : memref<80x128xf32, #tpu.memory_space<vmem>>) offsets(%arg9 : memref<80xi32, #tpu.memory_space<vmem>>) semaphore(%arg17 : memref<!tpu.dma_semaphore, #tpu.memory_space<semaphore_mem>>)
        } else {
        }
      } else {
      }
      %mul3A_82 = arith.constant 3 : i32
      %mul3A_83 = arith.muli %scan3A_74, %mul3A_82 : i32
      %add3A_84 = arith.constant 1 : i32
      %add3A_85 = arith.addi %mul3A_83, %add3A_84 : i32
      %lt3A_86 = arith.constant 125 : i32
      %lt3A_87 = arith.cmpi slt, %add3A_85, %lt3A_86 : i32
      %convert_element_type3A_88 = arith.extui %lt3A_87 : i1 to i32
      %cond3A_89 = arith.constant 0 : i32
      %cond3A_90 = arith.cmpi ne, %convert_element_type3A_88, %cond3A_89 : i32
      scf.if %cond3A_90 {
        %dma_wait3A_101 = arith.constant 0 : i32
        %dma_wait3A_102 = arith.constant 0 : i32
        %dma_wait3A_103 = tpu.memref_slice %arg4[%dma_wait3A_101, %dma_wait3A_102] : memref<10000x128xf32, #tpu.memory_space<hbm>> -> memref<10000x128xf32, #tpu.memory_space<hbm>>
        tpu.wait_indirect_dma semaphore(%arg16 : memref<!tpu.dma_semaphore, #tpu.memory_space<semaphore_mem>>) src(%dma_wait3A_103 : memref<10000x128xf32, #tpu.memory_space<hbm>>) dst(%arg12 : memref<80x128xf32, #tpu.memory_space<vmem>>)
        %add3A_104 = arith.constant 3 : i32
        %add3A_105 = arith.addi %add3A_85, %add3A_104 : i32
        %lt3A_106 = arith.constant 125 : i32
        %lt3A_107 = arith.cmpi slt, %add3A_105, %lt3A_106 : i32
        %convert_element_type3A_108 = arith.extui %lt3A_107 : i1 to i32
        %cond3A_109 = arith.constant 0 : i32
        %cond3A_110 = arith.cmpi ne, %convert_element_type3A_108, %cond3A_109 : i32
        scf.if %cond3A_110 {
          %add3A_124 = arith.constant 3 : i32
          %add3A_125 = arith.addi %add3A_85, %add3A_124 : i32
          %dma_start3A_126 = arith.constant 0 : i32
          %dma_start3A_127 = tpu.memref_slice %arg2[%add3A, %add3A_125, %dma_start3A_126] : memref<32x125x80xi32, #tpu.memory_space<hbm>> -> memref<1x1x80xi32, #tpu.memory_space<hbm>>
          %dma_start3A_128 = tpu.memref_squeeze %dma_start3A_127 : memref<1x1x80xi32, #tpu.memory_space<hbm>> -> memref<80xi32, #tpu.memory_space<hbm>>
          %dma_start3A_129 = arith.constant 0 : i32
          %dma_start3A_130 = tpu.memref_slice %arg2[%add3A, %add3A_125, %dma_start3A_129] : memref<32x125x80xi32, #tpu.memory_space<hbm>> -> memref<1x1x80xi32, #tpu.memory_space<hbm>>
          %dma_start3A_131 = tpu.memref_squeeze %dma_start3A_130 : memref<1x1x80xi32, #tpu.memory_space<hbm>> -> memref<80xi32, #tpu.memory_space<hbm>>
          tpu.enqueue_dma source(%dma_start3A_131 : memref<80xi32, #tpu.memory_space<hbm>>) target(%arg8 : memref<80xi32, #tpu.memory_space<vmem>>) target_semaphore(%arg22 : memref<!tpu.dma_semaphore, #tpu.memory_space<semaphore_mem>>)
        } else {
        }
        %dma_start3A_111 = arith.constant 0 : i32
        %dma_start3A_112 = tpu.memref_slice %arg10[%add3A_85, %dma_start3A_111] : memref<125x80xi32, #tpu.memory_space<vmem>> -> memref<1x80xi32, #tpu.memory_space<vmem>>
        %dma_start3A_113 = tpu.memref_squeeze %dma_start3A_112 : memref<1x80xi32, #tpu.memory_space<vmem>> -> memref<80xi32, #tpu.memory_space<vmem>>
        %dma_start3A_114 = arith.constant 0 : i32
        %dma_start3A_115 = arith.constant 0 : i32
        %dma_start3A_116 = tpu.memref_slice %arg14[%dma_start3A_114, %dma_start3A_115] : memref<10112x128xf32, #tpu.memory_space<vmem_shared>> -> memref<10112x128xf32, #tpu.memory_space<vmem_shared>>
        tpu.enqueue_indirect_dma source(%arg12 : memref<80x128xf32, #tpu.memory_space<vmem>>) target(%dma_start3A_116 : memref<10112x128xf32, #tpu.memory_space<vmem_shared>>) offsets(%dma_start3A_113 : memref<80xi32, #tpu.memory_space<vmem>>) semaphore(%arg19 : memref<!tpu.dma_semaphore, #tpu.memory_space<semaphore_mem>>) {add = true}
        %add3A_117 = arith.constant 2 : i32
        %add3A_118 = arith.addi %add3A_85, %add3A_117 : i32
        %lt3A_119 = arith.constant 125 : i32
        %lt3A_120 = arith.cmpi slt, %add3A_118, %lt3A_119 : i32
        %convert_element_type3A_121 = arith.extui %lt3A_120 : i1 to i32
        %cond3A_122 = arith.constant 0 : i32
        %cond3A_123 = arith.cmpi ne, %convert_element_type3A_121, %cond3A_122 : i32
        scf.if %cond3A_123 {
          %ge3A = arith.constant 1 : i32
          %ge3A_124 = arith.cmpi sge, %add3A_85, %ge3A : i32
          %convert_element_type3A_125 = arith.extui %ge3A_124 : i1 to i32
          %cond3A_126 = arith.constant 0 : i32
          %cond3A_127 = arith.cmpi ne, %convert_element_type3A_125, %cond3A_126 : i32
          scf.if %cond3A_127 {
            %sub3A = arith.constant 1 : i32
            %sub3A_139 = arith.subi %add3A_85, %sub3A : i32
            %dma_wait3A_140 = arith.constant 0 : i32
            %dma_wait3A_141 = tpu.memref_slice %arg10[%sub3A_139, %dma_wait3A_140] : memref<125x80xi32, #tpu.memory_space<vmem>> -> memref<1x80xi32, #tpu.memory_space<vmem>>
            %dma_wait3A_142 = tpu.memref_squeeze %dma_wait3A_141 : memref<1x80xi32, #tpu.memory_space<vmem>> -> memref<80xi32, #tpu.memory_space<vmem>>
            %dma_wait3A_143 = arith.constant 0 : i32
            %dma_wait3A_144 = arith.constant 0 : i32
            %dma_wait3A_145 = tpu.memref_slice %arg14[%dma_wait3A_143, %dma_wait3A_144] : memref<10112x128xf32, #tpu.memory_space<vmem_shared>> -> memref<10112x128xf32, #tpu.memory_space<vmem_shared>>
            tpu.wait_indirect_dma semaphore(%arg18 : memref<!tpu.dma_semaphore, #tpu.memory_space<semaphore_mem>>) src(%arg11 : memref<80x128xf32, #tpu.memory_space<vmem>>) dst(%dma_wait3A_145 : memref<10112x128xf32, #tpu.memory_space<vmem_shared>>)
          } else {
          }
          %add3A_128 = arith.constant 2 : i32
          %add3A_129 = arith.addi %add3A_85, %add3A_128 : i32
          %dma_wait3A_130 = arith.constant 0 : i32
          %dma_wait3A_131 = tpu.memref_slice %arg2[%add3A, %add3A_129, %dma_wait3A_130] : memref<32x125x80xi32, #tpu.memory_space<hbm>> -> memref<1x1x80xi32, #tpu.memory_space<hbm>>
          %dma_wait3A_132 = tpu.memref_squeeze %dma_wait3A_131 : memref<1x1x80xi32, #tpu.memory_space<hbm>> -> memref<80xi32, #tpu.memory_space<hbm>>
          %dma_wait3A_133 = arith.constant 0 : i32
          %dma_wait3A_134 = tpu.memref_slice %arg2[%add3A, %add3A_129, %dma_wait3A_133] : memref<32x125x80xi32, #tpu.memory_space<hbm>> -> memref<1x1x80xi32, #tpu.memory_space<hbm>>
          %dma_wait3A_135 = tpu.memref_squeeze %dma_wait3A_134 : memref<1x1x80xi32, #tpu.memory_space<hbm>> -> memref<80xi32, #tpu.memory_space<hbm>>
          tpu.wait_dma2 semaphore(%arg21 : memref<!tpu.dma_semaphore, #tpu.memory_space<semaphore_mem>>) src(%dma_wait3A_135 : memref<80xi32, #tpu.memory_space<hbm>>) dst(%arg7 : memref<80xi32, #tpu.memory_space<vmem>>)
          %dma_start3A_136 = arith.constant 0 : i32
          %dma_start3A_137 = arith.constant 0 : i32
          %dma_start3A_138 = tpu.memref_slice %arg4[%dma_start3A_136, %dma_start3A_137] : memref<10000x128xf32, #tpu.memory_space<hbm>> -> memref<10000x128xf32, #tpu.memory_space<hbm>>
          tpu.enqueue_indirect_dma source(%dma_start3A_138 : memref<10000x128xf32, #tpu.memory_space<hbm>>) target(%arg11 : memref<80x128xf32, #tpu.memory_space<vmem>>) offsets(%arg7 : memref<80xi32, #tpu.memory_space<vmem>>) semaphore(%arg15 : memref<!tpu.dma_semaphore, #tpu.memory_space<semaphore_mem>>)
        } else {
        }
      } else {
      }
      %mul3A_91 = arith.constant 3 : i32
      %mul3A_92 = arith.muli %scan3A_74, %mul3A_91 : i32
      %add3A_93 = arith.constant 2 : i32
      %add3A_94 = arith.addi %mul3A_92, %add3A_93 : i32
      %lt3A_95 = arith.constant 125 : i32
      %lt3A_96 = arith.cmpi slt, %add3A_94, %lt3A_95 : i32
      %convert_element_type3A_97 = arith.extui %lt3A_96 : i1 to i32
      %cond3A_98 = arith.constant 0 : i32
      %cond3A_99 = arith.cmpi ne, %convert_element_type3A_97, %cond3A_98 : i32
      scf.if %cond3A_99 {
        %dma_wait3A_101 = arith.constant 0 : i32
        %dma_wait3A_102 = arith.constant 0 : i32
        %dma_wait3A_103 = tpu.memref_slice %arg4[%dma_wait3A_101, %dma_wait3A_102] : memref<10000x128xf32, #tpu.memory_space<hbm>> -> memref<10000x128xf32, #tpu.memory_space<hbm>>
        tpu.wait_indirect_dma semaphore(%arg17 : memref<!tpu.dma_semaphore, #tpu.memory_space<semaphore_mem>>) src(%dma_wait3A_103 : memref<10000x128xf32, #tpu.memory_space<hbm>>) dst(%arg13 : memref<80x128xf32, #tpu.memory_space<vmem>>)
        %add3A_104 = arith.constant 3 : i32
        %add3A_105 = arith.addi %add3A_94, %add3A_104 : i32
        %lt3A_106 = arith.constant 125 : i32
        %lt3A_107 = arith.cmpi slt, %add3A_105, %lt3A_106 : i32
        %convert_element_type3A_108 = arith.extui %lt3A_107 : i1 to i32
        %cond3A_109 = arith.constant 0 : i32
        %cond3A_110 = arith.cmpi ne, %convert_element_type3A_108, %cond3A_109 : i32
        scf.if %cond3A_110 {
          %add3A_124 = arith.constant 3 : i32
          %add3A_125 = arith.addi %add3A_94, %add3A_124 : i32
          %dma_start3A_126 = arith.constant 0 : i32
          %dma_start3A_127 = tpu.memref_slice %arg2[%add3A, %add3A_125, %dma_start3A_126] : memref<32x125x80xi32, #tpu.memory_space<hbm>> -> memref<1x1x80xi32, #tpu.memory_space<hbm>>
          %dma_start3A_128 = tpu.memref_squeeze %dma_start3A_127 : memref<1x1x80xi32, #tpu.memory_space<hbm>> -> memref<80xi32, #tpu.memory_space<hbm>>
          %dma_start3A_129 = arith.constant 0 : i32
          %dma_start3A_130 = tpu.memref_slice %arg2[%add3A, %add3A_125, %dma_start3A_129] : memref<32x125x80xi32, #tpu.memory_space<hbm>> -> memref<1x1x80xi32, #tpu.memory_space<hbm>>
          %dma_start3A_131 = tpu.memref_squeeze %dma_start3A_130 : memref<1x1x80xi32, #tpu.memory_space<hbm>> -> memref<80xi32, #tpu.memory_space<hbm>>
          tpu.enqueue_dma source(%dma_start3A_131 : memref<80xi32, #tpu.memory_space<hbm>>) target(%arg9 : memref<80xi32, #tpu.memory_space<vmem>>) target_semaphore(%arg23 : memref<!tpu.dma_semaphore, #tpu.memory_space<semaphore_mem>>)
        } else {
        }
        %dma_start3A_111 = arith.constant 0 : i32
        %dma_start3A_112 = tpu.memref_slice %arg10[%add3A_94, %dma_start3A_111] : memref<125x80xi32, #tpu.memory_space<vmem>> -> memref<1x80xi32, #tpu.memory_space<vmem>>
        %dma_start3A_113 = tpu.memref_squeeze %dma_start3A_112 : memref<1x80xi32, #tpu.memory_space<vmem>> -> memref<80xi32, #tpu.memory_space<vmem>>
        %dma_start3A_114 = arith.constant 0 : i32
        %dma_start3A_115 = arith.constant 0 : i32
        %dma_start3A_116 = tpu.memref_slice %arg14[%dma_start3A_114, %dma_start3A_115] : memref<10112x128xf32, #tpu.memory_space<vmem_shared>> -> memref<10112x128xf32, #tpu.memory_space<vmem_shared>>
        tpu.enqueue_indirect_dma source(%arg13 : memref<80x128xf32, #tpu.memory_space<vmem>>) target(%dma_start3A_116 : memref<10112x128xf32, #tpu.memory_space<vmem_shared>>) offsets(%dma_start3A_113 : memref<80xi32, #tpu.memory_space<vmem>>) semaphore(%arg20 : memref<!tpu.dma_semaphore, #tpu.memory_space<semaphore_mem>>) {add = true}
        %add3A_117 = arith.constant 2 : i32
        %add3A_118 = arith.addi %add3A_94, %add3A_117 : i32
        %lt3A_119 = arith.constant 125 : i32
        %lt3A_120 = arith.cmpi slt, %add3A_118, %lt3A_119 : i32
        %convert_element_type3A_121 = arith.extui %lt3A_120 : i1 to i32
        %cond3A_122 = arith.constant 0 : i32
        %cond3A_123 = arith.cmpi ne, %convert_element_type3A_121, %cond3A_122 : i32
        scf.if %cond3A_123 {
          %ge3A = arith.constant 1 : i32
          %ge3A_124 = arith.cmpi sge, %add3A_94, %ge3A : i32
          %convert_element_type3A_125 = arith.extui %ge3A_124 : i1 to i32
          %cond3A_126 = arith.constant 0 : i32
          %cond3A_127 = arith.cmpi ne, %convert_element_type3A_125, %cond3A_126 : i32
          scf.if %cond3A_127 {
            %sub3A = arith.constant 1 : i32
            %sub3A_139 = arith.subi %add3A_94, %sub3A : i32
            %dma_wait3A_140 = arith.constant 0 : i32
            %dma_wait3A_141 = tpu.memref_slice %arg10[%sub3A_139, %dma_wait3A_140] : memref<125x80xi32, #tpu.memory_space<vmem>> -> memref<1x80xi32, #tpu.memory_space<vmem>>
            %dma_wait3A_142 = tpu.memref_squeeze %dma_wait3A_141 : memref<1x80xi32, #tpu.memory_space<vmem>> -> memref<80xi32, #tpu.memory_space<vmem>>
            %dma_wait3A_143 = arith.constant 0 : i32
            %dma_wait3A_144 = arith.constant 0 : i32
            %dma_wait3A_145 = tpu.memref_slice %arg14[%dma_wait3A_143, %dma_wait3A_144] : memref<10112x128xf32, #tpu.memory_space<vmem_shared>> -> memref<10112x128xf32, #tpu.memory_space<vmem_shared>>
            tpu.wait_indirect_dma semaphore(%arg19 : memref<!tpu.dma_semaphore, #tpu.memory_space<semaphore_mem>>) src(%arg12 : memref<80x128xf32, #tpu.memory_space<vmem>>) dst(%dma_wait3A_145 : memref<10112x128xf32, #tpu.memory_space<vmem_shared>>)
          } else {
          }
          %add3A_128 = arith.constant 2 : i32
          %add3A_129 = arith.addi %add3A_94, %add3A_128 : i32
          %dma_wait3A_130 = arith.constant 0 : i32
          %dma_wait3A_131 = tpu.memref_slice %arg2[%add3A, %add3A_129, %dma_wait3A_130] : memref<32x125x80xi32, #tpu.memory_space<hbm>> -> memref<1x1x80xi32, #tpu.memory_space<hbm>>
          %dma_wait3A_132 = tpu.memref_squeeze %dma_wait3A_131 : memref<1x1x80xi32, #tpu.memory_space<hbm>> -> memref<80xi32, #tpu.memory_space<hbm>>
          %dma_wait3A_133 = arith.constant 0 : i32
          %dma_wait3A_134 = tpu.memref_slice %arg2[%add3A, %add3A_129, %dma_wait3A_133] : memref<32x125x80xi32, #tpu.memory_space<hbm>> -> memref<1x1x80xi32, #tpu.memory_space<hbm>>
          %dma_wait3A_135 = tpu.memref_squeeze %dma_wait3A_134 : memref<1x1x80xi32, #tpu.memory_space<hbm>> -> memref<80xi32, #tpu.memory_space<hbm>>
          tpu.wait_dma2 semaphore(%arg22 : memref<!tpu.dma_semaphore, #tpu.memory_space<semaphore_mem>>) src(%dma_wait3A_135 : memref<80xi32, #tpu.memory_space<hbm>>) dst(%arg8 : memref<80xi32, #tpu.memory_space<vmem>>)
          %dma_start3A_136 = arith.constant 0 : i32
          %dma_start3A_137 = arith.constant 0 : i32
          %dma_start3A_138 = tpu.memref_slice %arg4[%dma_start3A_136, %dma_start3A_137] : memref<10000x128xf32, #tpu.memory_space<hbm>> -> memref<10000x128xf32, #tpu.memory_space<hbm>>
          tpu.enqueue_indirect_dma source(%dma_start3A_138 : memref<10000x128xf32, #tpu.memory_space<hbm>>) target(%arg12 : memref<80x128xf32, #tpu.memory_space<vmem>>) offsets(%arg8 : memref<80xi32, #tpu.memory_space<vmem>>) semaphore(%arg16 : memref<!tpu.dma_semaphore, #tpu.memory_space<semaphore_mem>>)
        } else {
        }
      } else {
      }
      %scan3A_100 = arith.constant 0 : i32
      scf.yield %scan3A_100 : i32
    }
    %scan3A_47 = arith.constant 42 : i32
    %dma_wait3A_48 = arith.constant 122 : i32
    %dma_wait3A_49 = arith.constant 0 : i32
    %dma_wait3A_50 = tpu.memref_slice %arg10[%dma_wait3A_48, %dma_wait3A_49] : memref<125x80xi32, #tpu.memory_space<vmem>> -> memref<1x80xi32, #tpu.memory_space<vmem>>
    %dma_wait3A_51 = tpu.memref_squeeze %dma_wait3A_50 : memref<1x80xi32, #tpu.memory_space<vmem>> -> memref<80xi32, #tpu.memory_space<vmem>>
    %dma_wait3A_52 = arith.constant 0 : i32
    %dma_wait3A_53 = arith.constant 0 : i32
    %dma_wait3A_54 = tpu.memref_slice %arg14[%dma_wait3A_52, %dma_wait3A_53] : memref<10112x128xf32, #tpu.memory_space<vmem_shared>> -> memref<10112x128xf32, #tpu.memory_space<vmem_shared>>
    tpu.wait_indirect_dma semaphore(%arg20 : memref<!tpu.dma_semaphore, #tpu.memory_space<semaphore_mem>>) src(%arg13 : memref<80x128xf32, #tpu.memory_space<vmem>>) dst(%dma_wait3A_54 : memref<10112x128xf32, #tpu.memory_space<vmem_shared>>)
    %dma_wait3A_55 = arith.constant 123 : i32
    %dma_wait3A_56 = arith.constant 0 : i32
    %dma_wait3A_57 = tpu.memref_slice %arg10[%dma_wait3A_55, %dma_wait3A_56] : memref<125x80xi32, #tpu.memory_space<vmem>> -> memref<1x80xi32, #tpu.memory_space<vmem>>
    %dma_wait3A_58 = tpu.memref_squeeze %dma_wait3A_57 : memref<1x80xi32, #tpu.memory_space<vmem>> -> memref<80xi32, #tpu.memory_space<vmem>>
    %dma_wait3A_59 = arith.constant 0 : i32
    %dma_wait3A_60 = arith.constant 0 : i32
    %dma_wait3A_61 = tpu.memref_slice %arg14[%dma_wait3A_59, %dma_wait3A_60] : memref<10112x128xf32, #tpu.memory_space<vmem_shared>> -> memref<10112x128xf32, #tpu.memory_space<vmem_shared>>
    tpu.wait_indirect_dma semaphore(%arg18 : memref<!tpu.dma_semaphore, #tpu.memory_space<semaphore_mem>>) src(%arg11 : memref<80x128xf32, #tpu.memory_space<vmem>>) dst(%dma_wait3A_61 : memref<10112x128xf32, #tpu.memory_space<vmem_shared>>)
    %dma_wait3A_62 = arith.constant 124 : i32
    %dma_wait3A_63 = arith.constant 0 : i32
    %dma_wait3A_64 = tpu.memref_slice %arg10[%dma_wait3A_62, %dma_wait3A_63] : memref<125x80xi32, #tpu.memory_space<vmem>> -> memref<1x80xi32, #tpu.memory_space<vmem>>
    %dma_wait3A_65 = tpu.memref_squeeze %dma_wait3A_64 : memref<1x80xi32, #tpu.memory_space<vmem>> -> memref<80xi32, #tpu.memory_space<vmem>>
    %dma_wait3A_66 = arith.constant 0 : i32
    %dma_wait3A_67 = arith.constant 0 : i32
    %dma_wait3A_68 = tpu.memref_slice %arg14[%dma_wait3A_66, %dma_wait3A_67] : memref<10112x128xf32, #tpu.memory_space<vmem_shared>> -> memref<10112x128xf32, #tpu.memory_space<vmem_shared>>
    tpu.wait_indirect_dma semaphore(%arg19 : memref<!tpu.dma_semaphore, #tpu.memory_space<semaphore_mem>>) src(%arg12 : memref<80x128xf32, #tpu.memory_space<vmem>>) dst(%dma_wait3A_68 : memref<10112x128xf32, #tpu.memory_space<vmem_shared>>)
    %barrier3A_69 = arith.constant 0 : index
    tpu.barrier barrier_id(%barrier3A_69)
    %mul3A_70 = arith.constant 632 : i32
    %mul3A_71 = arith.muli %arg1, %mul3A_70 : i32
    %mul3A_72 = arith.constant 632 : i32
    %mul3A_73 = arith.muli %arg1, %mul3A_72 : i32
    "tpu.region"() ({
      %run_scoped3A = tpu.sem_alloc : memref<!tpu.dma_semaphore, #tpu.memory_space<semaphore_mem>>
      %dma_start3A_74 = arith.constant 0 : i32
      %dma_start3A_75 = tpu.memref_slice %arg6[%arg0, %mul3A_73, %dma_start3A_74] : memref<2x10112x128xf32, #tpu.memory_space<hbm>> -> memref<1x632x128xf32, #tpu.memory_space<hbm>>
      %dma_start3A_76 = tpu.memref_squeeze %dma_start3A_75 : memref<1x632x128xf32, #tpu.memory_space<hbm>> -> memref<632x128xf32, #tpu.memory_space<hbm>>
      %dma_start3A_77 = arith.constant 0 : i32
      %dma_start3A_78 = tpu.memref_slice %arg14[%mul3A_71, %dma_start3A_77] : memref<10112x128xf32, #tpu.memory_space<vmem_shared>> -> memref<632x128xf32, #tpu.memory_space<vmem_shared>>
      tpu.enqueue_dma source(%dma_start3A_78 : memref<632x128xf32, #tpu.memory_space<vmem_shared>>) target(%dma_start3A_76 : memref<632x128xf32, #tpu.memory_space<hbm>>) target_semaphore(%run_scoped3A : memref<!tpu.dma_semaphore, #tpu.memory_space<semaphore_mem>>)
      %dma_wait3A_79 = arith.constant 0 : i32
      %dma_wait3A_80 = tpu.memref_slice %arg6[%arg0, %mul3A_73, %dma_wait3A_79] : memref<2x10112x128xf32, #tpu.memory_space<hbm>> -> memref<1x632x128xf32, #tpu.memory_space<hbm>>
      %dma_wait3A_81 = tpu.memref_squeeze %dma_wait3A_80 : memref<1x632x128xf32, #tpu.memory_space<hbm>> -> memref<632x128xf32, #tpu.memory_space<hbm>>
      %dma_wait3A_82 = arith.constant 0 : i32
      %dma_wait3A_83 = tpu.memref_slice %arg14[%mul3A_71, %dma_wait3A_82] : memref<10112x128xf32, #tpu.memory_space<vmem_shared>> -> memref<632x128xf32, #tpu.memory_space<vmem_shared>>
      tpu.wait_dma2 semaphore(%run_scoped3A : memref<!tpu.dma_semaphore, #tpu.memory_space<semaphore_mem>>) src(%dma_wait3A_83 : memref<632x128xf32, #tpu.memory_space<vmem_shared>>) dst(%dma_wait3A_81 : memref<632x128xf32, #tpu.memory_space<hbm>>)
      tpu.yield
    }) : () -> ()
    return
  }
}

#map = affine_map<(d0, d1) -> (0, 0, 0)>
#map1 = affine_map<(d0, d1) -> (0, 0)>
module attributes {stable_mosaic.version = 14 : i64} {
  func.func @_edge_body(%arg0: i32, %arg1: i32, %arg2: memref<32x125x80xi32, #tpu.memory_space<hbm>>, %arg3: memref<32x125x80xi32, #tpu.memory_space<hbm>>, %arg4: memref<10000x128xf32, #tpu.memory_space<hbm>>, %arg5: memref<632x128xf32, #tpu.memory_space<hbm>>, %arg6: memref<2x10112x128xf32, #tpu.memory_space<hbm>>, %arg7: memref<80xi32, #tpu.memory_space<vmem>>, %arg8: memref<80xi32, #tpu.memory_space<vmem>>, %arg9: memref<80xi32, #tpu.memory_space<vmem>>, %arg10: memref<125x80xi32, #tpu.memory_space<vmem>>, %arg11: memref<80x128xf32, #tpu.memory_space<vmem>>, %arg12: memref<80x128xf32, #tpu.memory_space<vmem>>, %arg13: memref<80x128xf32, #tpu.memory_space<vmem>>, %arg14: memref<10112x128xf32, #tpu.memory_space<vmem_shared>>, %arg15: memref<!tpu.dma_semaphore, #tpu.memory_space<semaphore_mem>>, %arg16: memref<!tpu.dma_semaphore, #tpu.memory_space<semaphore_mem>>, %arg17: memref<!tpu.dma_semaphore, #tpu.memory_space<semaphore_mem>>, %arg18: memref<!tpu.dma_semaphore, #tpu.memory_space<semaphore_mem>>, %arg19: memref<!tpu.dma_semaphore, #tpu.memory_space<semaphore_mem>>, %arg20: memref<!tpu.dma_semaphore, #tpu.memory_space<semaphore_mem>>, %arg21: memref<!tpu.dma_semaphore, #tpu.memory_space<semaphore_mem>>, %arg22: memref<!tpu.dma_semaphore, #tpu.memory_space<semaphore_mem>>, %arg23: memref<!tpu.dma_semaphore, #tpu.memory_space<semaphore_mem>>) attributes {dimension_semantics = [#tpu.dimension_semantics<core_parallel>, #tpu.dimension_semantics<subcore_parallel>], iteration_bounds = array<i64: 2, 16>, scalar_prefetch = 0 : i64, scratch_operands = 17 : i64, tpu.core_type = #tpu.core_type<sc_vector_subcore>, window_params = [{transform_indices = #map}, {transform_indices = #map}, {transform_indices = #map1}, {transform_indices = #map1}, {transform_indices = #map}]} {
    %mul3A = arith.constant 16 : i32
    %mul3A_0 = arith.muli %arg0, %mul3A : i32
    %add3A = arith.addi %mul3A_0, %arg1 : i32
    "tpu.region"() ({
      %run_scoped3A = tpu.sem_alloc : memref<!tpu.dma_semaphore, #tpu.memory_space<semaphore_mem>>
      %dma_start3A_74 = arith.constant 0 : i32
      %dma_start3A_75 = arith.constant 0 : i32
      %dma_start3A_76 = tpu.memref_slice %arg3[%add3A, %dma_start3A_74, %dma_start3A_75] : memref<32x125x80xi32, #tpu.memory_space<hbm>> -> memref<1x125x80xi32, #tpu.memory_space<hbm>>
      %dma_start3A_77 = tpu.memref_squeeze %dma_start3A_76 : memref<1x125x80xi32, #tpu.memory_space<hbm>> -> memref<125x80xi32, #tpu.memory_space<hbm>>
      %dma_start3A_78 = arith.constant 0 : i32
      %dma_start3A_79 = arith.constant 0 : i32
      %dma_start3A_80 = tpu.memref_slice %arg3[%add3A, %dma_start3A_78, %dma_start3A_79] : memref<32x125x80xi32, #tpu.memory_space<hbm>> -> memref<1x125x80xi32, #tpu.memory_space<hbm>>
      %dma_start3A_81 = tpu.memref_squeeze %dma_start3A_80 : memref<1x125x80xi32, #tpu.memory_space<hbm>> -> memref<125x80xi32, #tpu.memory_space<hbm>>
      tpu.enqueue_dma source(%dma_start3A_81 : memref<125x80xi32, #tpu.memory_space<hbm>>) target(%arg10 : memref<125x80xi32, #tpu.memory_space<vmem>>) target_semaphore(%run_scoped3A : memref<!tpu.dma_semaphore, #tpu.memory_space<semaphore_mem>>)
      %dma_wait3A_82 = arith.constant 0 : i32
      %dma_wait3A_83 = arith.constant 0 : i32
      %dma_wait3A_84 = tpu.memref_slice %arg3[%add3A, %dma_wait3A_82, %dma_wait3A_83] : memref<32x125x80xi32, #tpu.memory_space<hbm>> -> memref<1x125x80xi32, #tpu.memory_space<hbm>>
      %dma_wait3A_85 = tpu.memref_squeeze %dma_wait3A_84 : memref<1x125x80xi32, #tpu.memory_space<hbm>> -> memref<125x80xi32, #tpu.memory_space<hbm>>
      %dma_wait3A_86 = arith.constant 0 : i32
      %dma_wait3A_87 = arith.constant 0 : i32
      %dma_wait3A_88 = tpu.memref_slice %arg3[%add3A, %dma_wait3A_86, %dma_wait3A_87] : memref<32x125x80xi32, #tpu.memory_space<hbm>> -> memref<1x125x80xi32, #tpu.memory_space<hbm>>
      %dma_wait3A_89 = tpu.memref_squeeze %dma_wait3A_88 : memref<1x125x80xi32, #tpu.memory_space<hbm>> -> memref<125x80xi32, #tpu.memory_space<hbm>>
      tpu.wait_dma2 semaphore(%run_scoped3A : memref<!tpu.dma_semaphore, #tpu.memory_space<semaphore_mem>>) src(%dma_wait3A_89 : memref<125x80xi32, #tpu.memory_space<hbm>>) dst(%arg10 : memref<125x80xi32, #tpu.memory_space<vmem>>)
      tpu.yield
    }) : () -> ()
    %dma_start3A = arith.constant 0 : i32
    %dma_start3A_1 = arith.constant 0 : i32
    %dma_start3A_2 = tpu.memref_slice %arg2[%add3A, %dma_start3A, %dma_start3A_1] : memref<32x125x80xi32, #tpu.memory_space<hbm>> -> memref<1x1x80xi32, #tpu.memory_space<hbm>>
    %dma_start3A_3 = tpu.memref_squeeze %dma_start3A_2 : memref<1x1x80xi32, #tpu.memory_space<hbm>> -> memref<80xi32, #tpu.memory_space<hbm>>
    %dma_start3A_4 = arith.constant 0 : i32
    %dma_start3A_5 = tpu.memref_slice %arg2[%add3A, %dma_start3A, %dma_start3A_4] : memref<32x125x80xi32, #tpu.memory_space<hbm>> -> memref<1x1x80xi32, #tpu.memory_space<hbm>>
    %dma_start3A_6 = tpu.memref_squeeze %dma_start3A_5 : memref<1x1x80xi32, #tpu.memory_space<hbm>> -> memref<80xi32, #tpu.memory_space<hbm>>
    tpu.enqueue_dma source(%dma_start3A_6 : memref<80xi32, #tpu.memory_space<hbm>>) target(%arg7 : memref<80xi32, #tpu.memory_space<vmem>>) target_semaphore(%arg21 : memref<!tpu.dma_semaphore, #tpu.memory_space<semaphore_mem>>)
    %dma_start3A_7 = arith.constant 1 : i32
    %dma_start3A_8 = arith.constant 0 : i32
    %dma_start3A_9 = tpu.memref_slice %arg2[%add3A, %dma_start3A_7, %dma_start3A_8] : memref<32x125x80xi32, #tpu.memory_space<hbm>> -> memref<1x1x80xi32, #tpu.memory_space<hbm>>
    %dma_start3A_10 = tpu.memref_squeeze %dma_start3A_9 : memref<1x1x80xi32, #tpu.memory_space<hbm>> -> memref<80xi32, #tpu.memory_space<hbm>>
    %dma_start3A_11 = arith.constant 0 : i32
    %dma_start3A_12 = tpu.memref_slice %arg2[%add3A, %dma_start3A_7, %dma_start3A_11] : memref<32x125x80xi32, #tpu.memory_space<hbm>> -> memref<1x1x80xi32, #tpu.memory_space<hbm>>
    %dma_start3A_13 = tpu.memref_squeeze %dma_start3A_12 : memref<1x1x80xi32, #tpu.memory_space<hbm>> -> memref<80xi32, #tpu.memory_space<hbm>>
    tpu.enqueue_dma source(%dma_start3A_13 : memref<80xi32, #tpu.memory_space<hbm>>) target(%arg8 : memref<80xi32, #tpu.memory_space<vmem>>) target_semaphore(%arg22 : memref<!tpu.dma_semaphore, #tpu.memory_space<semaphore_mem>>)
    %dma_start3A_14 = arith.constant 2 : i32
    %dma_start3A_15 = arith.constant 0 : i32
    %dma_start3A_16 = tpu.memref_slice %arg2[%add3A, %dma_start3A_14, %dma_start3A_15] : memref<32x125x80xi32, #tpu.memory_space<hbm>> -> memref<1x1x80xi32, #tpu.memory_space<hbm>>
    %dma_start3A_17 = tpu.memref_squeeze %dma_start3A_16 : memref<1x1x80xi32, #tpu.memory_space<hbm>> -> memref<80xi32, #tpu.memory_space<hbm>>
    %dma_start3A_18 = arith.constant 0 : i32
    %dma_start3A_19 = tpu.memref_slice %arg2[%add3A, %dma_start3A_14, %dma_start3A_18] : memref<32x125x80xi32, #tpu.memory_space<hbm>> -> memref<1x1x80xi32, #tpu.memory_space<hbm>>
    %dma_start3A_20 = tpu.memref_squeeze %dma_start3A_19 : memref<1x1x80xi32, #tpu.memory_space<hbm>> -> memref<80xi32, #tpu.memory_space<hbm>>
    tpu.enqueue_dma source(%dma_start3A_20 : memref<80xi32, #tpu.memory_space<hbm>>) target(%arg9 : memref<80xi32, #tpu.memory_space<vmem>>) target_semaphore(%arg23 : memref<!tpu.dma_semaphore, #tpu.memory_space<semaphore_mem>>)
    %mul3A_21 = arith.constant 632 : i32
    %mul3A_22 = arith.muli %arg1, %mul3A_21 : i32
    "tpu.region"() ({
      %run_scoped3A = tpu.sem_alloc : memref<!tpu.dma_semaphore, #tpu.memory_space<semaphore_mem>>
      %dma_start3A_74 = arith.constant 0 : i32
      %dma_start3A_75 = tpu.memref_slice %arg14[%mul3A_22, %dma_start3A_74] : memref<10112x128xf32, #tpu.memory_space<vmem_shared>> -> memref<632x128xf32, #tpu.memory_space<vmem_shared>>
      tpu.enqueue_dma source(%arg5 : memref<632x128xf32, #tpu.memory_space<hbm>>) target(%dma_start3A_75 : memref<632x128xf32, #tpu.memory_space<vmem_shared>>) target_semaphore(%run_scoped3A : memref<!tpu.dma_semaphore, #tpu.memory_space<semaphore_mem>>)
      %dma_wait3A_76 = arith.constant 0 : i32
      %dma_wait3A_77 = tpu.memref_slice %arg14[%mul3A_22, %dma_wait3A_76] : memref<10112x128xf32, #tpu.memory_space<vmem_shared>> -> memref<632x128xf32, #tpu.memory_space<vmem_shared>>
      tpu.wait_dma2 semaphore(%run_scoped3A : memref<!tpu.dma_semaphore, #tpu.memory_space<semaphore_mem>>) src(%arg5 : memref<632x128xf32, #tpu.memory_space<hbm>>) dst(%dma_wait3A_77 : memref<632x128xf32, #tpu.memory_space<vmem_shared>>)
      tpu.yield
    }) : () -> ()
    %barrier3A = arith.constant 0 : index
    tpu.barrier barrier_id(%barrier3A)
    %dma_wait3A = arith.constant 0 : i32
    %dma_wait3A_23 = arith.constant 0 : i32
    %dma_wait3A_24 = tpu.memref_slice %arg2[%add3A, %dma_wait3A, %dma_wait3A_23] : memref<32x125x80xi32, #tpu.memory_space<hbm>> -> memref<1x1x80xi32, #tpu.memory_space<hbm>>
    %dma_wait3A_25 = tpu.memref_squeeze %dma_wait3A_24 : memref<1x1x80xi32, #tpu.memory_space<hbm>> -> memref<80xi32, #tpu.memory_space<hbm>>
    %dma_wait3A_26 = arith.constant 0 : i32
    %dma_wait3A_27 = tpu.memref_slice %arg2[%add3A, %dma_wait3A, %dma_wait3A_26] : memref<32x125x80xi32, #tpu.memory_space<hbm>> -> memref<1x1x80xi32, #tpu.memory_space<hbm>>
    %dma_wait3A_28 = tpu.memref_squeeze %dma_wait3A_27 : memref<1x1x80xi32, #tpu.memory_space<hbm>> -> memref<80xi32, #tpu.memory_space<hbm>>
    tpu.wait_dma2 semaphore(%arg21 : memref<!tpu.dma_semaphore, #tpu.memory_space<semaphore_mem>>) src(%dma_wait3A_28 : memref<80xi32, #tpu.memory_space<hbm>>) dst(%arg7 : memref<80xi32, #tpu.memory_space<vmem>>)
    %dma_start3A_29 = arith.constant 0 : i32
    %dma_start3A_30 = arith.constant 0 : i32
    %dma_start3A_31 = tpu.memref_slice %arg4[%dma_start3A_29, %dma_start3A_30] : memref<10000x128xf32, #tpu.memory_space<hbm>> -> memref<10000x128xf32, #tpu.memory_space<hbm>>
    tpu.enqueue_indirect_dma source(%dma_start3A_31 : memref<10000x128xf32, #tpu.memory_space<hbm>>) target(%arg11 : memref<80x128xf32, #tpu.memory_space<vmem>>) offsets(%arg7 : memref<80xi32, #tpu.memory_space<vmem>>) semaphore(%arg15 : memref<!tpu.dma_semaphore, #tpu.memory_space<semaphore_mem>>)
    %dma_wait3A_32 = arith.constant 1 : i32
    %dma_wait3A_33 = arith.constant 0 : i32
    %dma_wait3A_34 = tpu.memref_slice %arg2[%add3A, %dma_wait3A_32, %dma_wait3A_33] : memref<32x125x80xi32, #tpu.memory_space<hbm>> -> memref<1x1x80xi32, #tpu.memory_space<hbm>>
    %dma_wait3A_35 = tpu.memref_squeeze %dma_wait3A_34 : memref<1x1x80xi32, #tpu.memory_space<hbm>> -> memref<80xi32, #tpu.memory_space<hbm>>
    %dma_wait3A_36 = arith.constant 0 : i32
    %dma_wait3A_37 = tpu.memref_slice %arg2[%add3A, %dma_wait3A_32, %dma_wait3A_36] : memref<32x125x80xi32, #tpu.memory_space<hbm>> -> memref<1x1x80xi32, #tpu.memory_space<hbm>>
    %dma_wait3A_38 = tpu.memref_squeeze %dma_wait3A_37 : memref<1x1x80xi32, #tpu.memory_space<hbm>> -> memref<80xi32, #tpu.memory_space<hbm>>
    tpu.wait_dma2 semaphore(%arg22 : memref<!tpu.dma_semaphore, #tpu.memory_space<semaphore_mem>>) src(%dma_wait3A_38 : memref<80xi32, #tpu.memory_space<hbm>>) dst(%arg8 : memref<80xi32, #tpu.memory_space<vmem>>)
    %dma_start3A_39 = arith.constant 0 : i32
    %dma_start3A_40 = arith.constant 0 : i32
    %dma_start3A_41 = tpu.memref_slice %arg4[%dma_start3A_39, %dma_start3A_40] : memref<10000x128xf32, #tpu.memory_space<hbm>> -> memref<10000x128xf32, #tpu.memory_space<hbm>>
    tpu.enqueue_indirect_dma source(%dma_start3A_41 : memref<10000x128xf32, #tpu.memory_space<hbm>>) target(%arg12 : memref<80x128xf32, #tpu.memory_space<vmem>>) offsets(%arg8 : memref<80xi32, #tpu.memory_space<vmem>>) semaphore(%arg16 : memref<!tpu.dma_semaphore, #tpu.memory_space<semaphore_mem>>)
    %scan3A = arith.constant 0 : i32
    %scan3A_42 = arith.constant 0 : i32
    %scan3A_43 = arith.constant 42 : i32
    %scan3A_44 = arith.addi %scan3A_42, %scan3A_43 : i32
    %scan3A_45 = arith.constant 1 : i32
    %scan3A_46 = scf.for %scan3A_74 = %scan3A_42 to %scan3A_44 step %scan3A_45 iter_args(%scan3A_75 = %scan3A) -> (i32)  : i32 {
      %mul3A_76 = arith.constant 3 : i32
      %mul3A_77 = arith.muli %scan3A_74, %mul3A_76 : i32
      %add3A_78 = arith.constant 0 : i32
      %add3A_79 = arith.addi %mul3A_77, %add3A_78 : i32
      %lt3A = arith.constant 125 : i32
      %lt3A_80 = arith.cmpi slt, %add3A_79, %lt3A : i32
      %convert_element_type3A = arith.extui %lt3A_80 : i1 to i32
      %cond3A = arith.constant 0 : i32
      %cond3A_81 = arith.cmpi ne, %convert_element_type3A, %cond3A : i32
      scf.if %cond3A_81 {
        %dma_wait3A_101 = arith.constant 0 : i32
        %dma_wait3A_102 = arith.constant 0 : i32
        %dma_wait3A_103 = tpu.memref_slice %arg4[%dma_wait3A_101, %dma_wait3A_102] : memref<10000x128xf32, #tpu.memory_space<hbm>> -> memref<10000x128xf32, #tpu.memory_space<hbm>>
        tpu.wait_indirect_dma semaphore(%arg15 : memref<!tpu.dma_semaphore, #tpu.memory_space<semaphore_mem>>) src(%dma_wait3A_103 : memref<10000x128xf32, #tpu.memory_space<hbm>>) dst(%arg11 : memref<80x128xf32, #tpu.memory_space<vmem>>)
        %add3A_104 = arith.constant 3 : i32
        %add3A_105 = arith.addi %add3A_79, %add3A_104 : i32
        %lt3A_106 = arith.constant 125 : i32
        %lt3A_107 = arith.cmpi slt, %add3A_105, %lt3A_106 : i32
        %convert_element_type3A_108 = arith.extui %lt3A_107 : i1 to i32
        %cond3A_109 = arith.constant 0 : i32
        %cond3A_110 = arith.cmpi ne, %convert_element_type3A_108, %cond3A_109 : i32
        scf.if %cond3A_110 {
          %add3A_124 = arith.constant 3 : i32
          %add3A_125 = arith.addi %add3A_79, %add3A_124 : i32
          %dma_start3A_126 = arith.constant 0 : i32
          %dma_start3A_127 = tpu.memref_slice %arg2[%add3A, %add3A_125, %dma_start3A_126] : memref<32x125x80xi32, #tpu.memory_space<hbm>> -> memref<1x1x80xi32, #tpu.memory_space<hbm>>
          %dma_start3A_128 = tpu.memref_squeeze %dma_start3A_127 : memref<1x1x80xi32, #tpu.memory_space<hbm>> -> memref<80xi32, #tpu.memory_space<hbm>>
          %dma_start3A_129 = arith.constant 0 : i32
          %dma_start3A_130 = tpu.memref_slice %arg2[%add3A, %add3A_125, %dma_start3A_129] : memref<32x125x80xi32, #tpu.memory_space<hbm>> -> memref<1x1x80xi32, #tpu.memory_space<hbm>>
          %dma_start3A_131 = tpu.memref_squeeze %dma_start3A_130 : memref<1x1x80xi32, #tpu.memory_space<hbm>> -> memref<80xi32, #tpu.memory_space<hbm>>
          tpu.enqueue_dma source(%dma_start3A_131 : memref<80xi32, #tpu.memory_space<hbm>>) target(%arg7 : memref<80xi32, #tpu.memory_space<vmem>>) target_semaphore(%arg21 : memref<!tpu.dma_semaphore, #tpu.memory_space<semaphore_mem>>)
        } else {
        }
        %dma_start3A_111 = arith.constant 0 : i32
        %dma_start3A_112 = tpu.memref_slice %arg10[%add3A_79, %dma_start3A_111] : memref<125x80xi32, #tpu.memory_space<vmem>> -> memref<1x80xi32, #tpu.memory_space<vmem>>
        %dma_start3A_113 = tpu.memref_squeeze %dma_start3A_112 : memref<1x80xi32, #tpu.memory_space<vmem>> -> memref<80xi32, #tpu.memory_space<vmem>>
        %dma_start3A_114 = arith.constant 0 : i32
        %dma_start3A_115 = arith.constant 0 : i32
        %dma_start3A_116 = tpu.memref_slice %arg14[%dma_start3A_114, %dma_start3A_115] : memref<10112x128xf32, #tpu.memory_space<vmem_shared>> -> memref<10112x128xf32, #tpu.memory_space<vmem_shared>>
        tpu.enqueue_indirect_dma source(%arg11 : memref<80x128xf32, #tpu.memory_space<vmem>>) target(%dma_start3A_116 : memref<10112x128xf32, #tpu.memory_space<vmem_shared>>) offsets(%dma_start3A_113 : memref<80xi32, #tpu.memory_space<vmem>>) semaphore(%arg18 : memref<!tpu.dma_semaphore, #tpu.memory_space<semaphore_mem>>) {add = true}
        %add3A_117 = arith.constant 2 : i32
        %add3A_118 = arith.addi %add3A_79, %add3A_117 : i32
        %lt3A_119 = arith.constant 125 : i32
        %lt3A_120 = arith.cmpi slt, %add3A_118, %lt3A_119 : i32
        %convert_element_type3A_121 = arith.extui %lt3A_120 : i1 to i32
        %cond3A_122 = arith.constant 0 : i32
        %cond3A_123 = arith.cmpi ne, %convert_element_type3A_121, %cond3A_122 : i32
        scf.if %cond3A_123 {
          %ge3A = arith.constant 1 : i32
          %ge3A_124 = arith.cmpi sge, %add3A_79, %ge3A : i32
          %convert_element_type3A_125 = arith.extui %ge3A_124 : i1 to i32
          %cond3A_126 = arith.constant 0 : i32
          %cond3A_127 = arith.cmpi ne, %convert_element_type3A_125, %cond3A_126 : i32
          scf.if %cond3A_127 {
            %sub3A = arith.constant 1 : i32
            %sub3A_139 = arith.subi %add3A_79, %sub3A : i32
            %dma_wait3A_140 = arith.constant 0 : i32
            %dma_wait3A_141 = tpu.memref_slice %arg10[%sub3A_139, %dma_wait3A_140] : memref<125x80xi32, #tpu.memory_space<vmem>> -> memref<1x80xi32, #tpu.memory_space<vmem>>
            %dma_wait3A_142 = tpu.memref_squeeze %dma_wait3A_141 : memref<1x80xi32, #tpu.memory_space<vmem>> -> memref<80xi32, #tpu.memory_space<vmem>>
            %dma_wait3A_143 = arith.constant 0 : i32
            %dma_wait3A_144 = arith.constant 0 : i32
            %dma_wait3A_145 = tpu.memref_slice %arg14[%dma_wait3A_143, %dma_wait3A_144] : memref<10112x128xf32, #tpu.memory_space<vmem_shared>> -> memref<10112x128xf32, #tpu.memory_space<vmem_shared>>
            tpu.wait_indirect_dma semaphore(%arg20 : memref<!tpu.dma_semaphore, #tpu.memory_space<semaphore_mem>>) src(%arg13 : memref<80x128xf32, #tpu.memory_space<vmem>>) dst(%dma_wait3A_145 : memref<10112x128xf32, #tpu.memory_space<vmem_shared>>)
          } else {
          }
          %add3A_128 = arith.constant 2 : i32
          %add3A_129 = arith.addi %add3A_79, %add3A_128 : i32
          %dma_wait3A_130 = arith.constant 0 : i32
          %dma_wait3A_131 = tpu.memref_slice %arg2[%add3A, %add3A_129, %dma_wait3A_130] : memref<32x125x80xi32, #tpu.memory_space<hbm>> -> memref<1x1x80xi32, #tpu.memory_space<hbm>>
          %dma_wait3A_132 = tpu.memref_squeeze %dma_wait3A_131 : memref<1x1x80xi32, #tpu.memory_space<hbm>> -> memref<80xi32, #tpu.memory_space<hbm>>
          %dma_wait3A_133 = arith.constant 0 : i32
          %dma_wait3A_134 = tpu.memref_slice %arg2[%add3A, %add3A_129, %dma_wait3A_133] : memref<32x125x80xi32, #tpu.memory_space<hbm>> -> memref<1x1x80xi32, #tpu.memory_space<hbm>>
          %dma_wait3A_135 = tpu.memref_squeeze %dma_wait3A_134 : memref<1x1x80xi32, #tpu.memory_space<hbm>> -> memref<80xi32, #tpu.memory_space<hbm>>
          tpu.wait_dma2 semaphore(%arg23 : memref<!tpu.dma_semaphore, #tpu.memory_space<semaphore_mem>>) src(%dma_wait3A_135 : memref<80xi32, #tpu.memory_space<hbm>>) dst(%arg9 : memref<80xi32, #tpu.memory_space<vmem>>)
          %dma_start3A_136 = arith.constant 0 : i32
          %dma_start3A_137 = arith.constant 0 : i32
          %dma_start3A_138 = tpu.memref_slice %arg4[%dma_start3A_136, %dma_start3A_137] : memref<10000x128xf32, #tpu.memory_space<hbm>> -> memref<10000x128xf32, #tpu.memory_space<hbm>>
          tpu.enqueue_indirect_dma source(%dma_start3A_138 : memref<10000x128xf32, #tpu.memory_space<hbm>>) target(%arg13 : memref<80x128xf32, #tpu.memory_space<vmem>>) offsets(%arg9 : memref<80xi32, #tpu.memory_space<vmem>>) semaphore(%arg17 : memref<!tpu.dma_semaphore, #tpu.memory_space<semaphore_mem>>)
        } else {
        }
      } else {
      }
      %mul3A_82 = arith.constant 3 : i32
      %mul3A_83 = arith.muli %scan3A_74, %mul3A_82 : i32
      %add3A_84 = arith.constant 1 : i32
      %add3A_85 = arith.addi %mul3A_83, %add3A_84 : i32
      %lt3A_86 = arith.constant 125 : i32
      %lt3A_87 = arith.cmpi slt, %add3A_85, %lt3A_86 : i32
      %convert_element_type3A_88 = arith.extui %lt3A_87 : i1 to i32
      %cond3A_89 = arith.constant 0 : i32
      %cond3A_90 = arith.cmpi ne, %convert_element_type3A_88, %cond3A_89 : i32
      scf.if %cond3A_90 {
        %dma_wait3A_101 = arith.constant 0 : i32
        %dma_wait3A_102 = arith.constant 0 : i32
        %dma_wait3A_103 = tpu.memref_slice %arg4[%dma_wait3A_101, %dma_wait3A_102] : memref<10000x128xf32, #tpu.memory_space<hbm>> -> memref<10000x128xf32, #tpu.memory_space<hbm>>
        tpu.wait_indirect_dma semaphore(%arg16 : memref<!tpu.dma_semaphore, #tpu.memory_space<semaphore_mem>>) src(%dma_wait3A_103 : memref<10000x128xf32, #tpu.memory_space<hbm>>) dst(%arg12 : memref<80x128xf32, #tpu.memory_space<vmem>>)
        %add3A_104 = arith.constant 3 : i32
        %add3A_105 = arith.addi %add3A_85, %add3A_104 : i32
        %lt3A_106 = arith.constant 125 : i32
        %lt3A_107 = arith.cmpi slt, %add3A_105, %lt3A_106 : i32
        %convert_element_type3A_108 = arith.extui %lt3A_107 : i1 to i32
        %cond3A_109 = arith.constant 0 : i32
        %cond3A_110 = arith.cmpi ne, %convert_element_type3A_108, %cond3A_109 : i32
        scf.if %cond3A_110 {
          %add3A_124 = arith.constant 3 : i32
          %add3A_125 = arith.addi %add3A_85, %add3A_124 : i32
          %dma_start3A_126 = arith.constant 0 : i32
          %dma_start3A_127 = tpu.memref_slice %arg2[%add3A, %add3A_125, %dma_start3A_126] : memref<32x125x80xi32, #tpu.memory_space<hbm>> -> memref<1x1x80xi32, #tpu.memory_space<hbm>>
          %dma_start3A_128 = tpu.memref_squeeze %dma_start3A_127 : memref<1x1x80xi32, #tpu.memory_space<hbm>> -> memref<80xi32, #tpu.memory_space<hbm>>
          %dma_start3A_129 = arith.constant 0 : i32
          %dma_start3A_130 = tpu.memref_slice %arg2[%add3A, %add3A_125, %dma_start3A_129] : memref<32x125x80xi32, #tpu.memory_space<hbm>> -> memref<1x1x80xi32, #tpu.memory_space<hbm>>
          %dma_start3A_131 = tpu.memref_squeeze %dma_start3A_130 : memref<1x1x80xi32, #tpu.memory_space<hbm>> -> memref<80xi32, #tpu.memory_space<hbm>>
          tpu.enqueue_dma source(%dma_start3A_131 : memref<80xi32, #tpu.memory_space<hbm>>) target(%arg8 : memref<80xi32, #tpu.memory_space<vmem>>) target_semaphore(%arg22 : memref<!tpu.dma_semaphore, #tpu.memory_space<semaphore_mem>>)
        } else {
        }
        %dma_start3A_111 = arith.constant 0 : i32
        %dma_start3A_112 = tpu.memref_slice %arg10[%add3A_85, %dma_start3A_111] : memref<125x80xi32, #tpu.memory_space<vmem>> -> memref<1x80xi32, #tpu.memory_space<vmem>>
        %dma_start3A_113 = tpu.memref_squeeze %dma_start3A_112 : memref<1x80xi32, #tpu.memory_space<vmem>> -> memref<80xi32, #tpu.memory_space<vmem>>
        %dma_start3A_114 = arith.constant 0 : i32
        %dma_start3A_115 = arith.constant 0 : i32
        %dma_start3A_116 = tpu.memref_slice %arg14[%dma_start3A_114, %dma_start3A_115] : memref<10112x128xf32, #tpu.memory_space<vmem_shared>> -> memref<10112x128xf32, #tpu.memory_space<vmem_shared>>
        tpu.enqueue_indirect_dma source(%arg12 : memref<80x128xf32, #tpu.memory_space<vmem>>) target(%dma_start3A_116 : memref<10112x128xf32, #tpu.memory_space<vmem_shared>>) offsets(%dma_start3A_113 : memref<80xi32, #tpu.memory_space<vmem>>) semaphore(%arg19 : memref<!tpu.dma_semaphore, #tpu.memory_space<semaphore_mem>>) {add = true}
        %add3A_117 = arith.constant 2 : i32
        %add3A_118 = arith.addi %add3A_85, %add3A_117 : i32
        %lt3A_119 = arith.constant 125 : i32
        %lt3A_120 = arith.cmpi slt, %add3A_118, %lt3A_119 : i32
        %convert_element_type3A_121 = arith.extui %lt3A_120 : i1 to i32
        %cond3A_122 = arith.constant 0 : i32
        %cond3A_123 = arith.cmpi ne, %convert_element_type3A_121, %cond3A_122 : i32
        scf.if %cond3A_123 {
          %ge3A = arith.constant 1 : i32
          %ge3A_124 = arith.cmpi sge, %add3A_85, %ge3A : i32
          %convert_element_type3A_125 = arith.extui %ge3A_124 : i1 to i32
          %cond3A_126 = arith.constant 0 : i32
          %cond3A_127 = arith.cmpi ne, %convert_element_type3A_125, %cond3A_126 : i32
          scf.if %cond3A_127 {
            %sub3A = arith.constant 1 : i32
            %sub3A_139 = arith.subi %add3A_85, %sub3A : i32
            %dma_wait3A_140 = arith.constant 0 : i32
            %dma_wait3A_141 = tpu.memref_slice %arg10[%sub3A_139, %dma_wait3A_140] : memref<125x80xi32, #tpu.memory_space<vmem>> -> memref<1x80xi32, #tpu.memory_space<vmem>>
            %dma_wait3A_142 = tpu.memref_squeeze %dma_wait3A_141 : memref<1x80xi32, #tpu.memory_space<vmem>> -> memref<80xi32, #tpu.memory_space<vmem>>
            %dma_wait3A_143 = arith.constant 0 : i32
            %dma_wait3A_144 = arith.constant 0 : i32
            %dma_wait3A_145 = tpu.memref_slice %arg14[%dma_wait3A_143, %dma_wait3A_144] : memref<10112x128xf32, #tpu.memory_space<vmem_shared>> -> memref<10112x128xf32, #tpu.memory_space<vmem_shared>>
            tpu.wait_indirect_dma semaphore(%arg18 : memref<!tpu.dma_semaphore, #tpu.memory_space<semaphore_mem>>) src(%arg11 : memref<80x128xf32, #tpu.memory_space<vmem>>) dst(%dma_wait3A_145 : memref<10112x128xf32, #tpu.memory_space<vmem_shared>>)
          } else {
          }
          %add3A_128 = arith.constant 2 : i32
          %add3A_129 = arith.addi %add3A_85, %add3A_128 : i32
          %dma_wait3A_130 = arith.constant 0 : i32
          %dma_wait3A_131 = tpu.memref_slice %arg2[%add3A, %add3A_129, %dma_wait3A_130] : memref<32x125x80xi32, #tpu.memory_space<hbm>> -> memref<1x1x80xi32, #tpu.memory_space<hbm>>
          %dma_wait3A_132 = tpu.memref_squeeze %dma_wait3A_131 : memref<1x1x80xi32, #tpu.memory_space<hbm>> -> memref<80xi32, #tpu.memory_space<hbm>>
          %dma_wait3A_133 = arith.constant 0 : i32
          %dma_wait3A_134 = tpu.memref_slice %arg2[%add3A, %add3A_129, %dma_wait3A_133] : memref<32x125x80xi32, #tpu.memory_space<hbm>> -> memref<1x1x80xi32, #tpu.memory_space<hbm>>
          %dma_wait3A_135 = tpu.memref_squeeze %dma_wait3A_134 : memref<1x1x80xi32, #tpu.memory_space<hbm>> -> memref<80xi32, #tpu.memory_space<hbm>>
          tpu.wait_dma2 semaphore(%arg21 : memref<!tpu.dma_semaphore, #tpu.memory_space<semaphore_mem>>) src(%dma_wait3A_135 : memref<80xi32, #tpu.memory_space<hbm>>) dst(%arg7 : memref<80xi32, #tpu.memory_space<vmem>>)
          %dma_start3A_136 = arith.constant 0 : i32
          %dma_start3A_137 = arith.constant 0 : i32
          %dma_start3A_138 = tpu.memref_slice %arg4[%dma_start3A_136, %dma_start3A_137] : memref<10000x128xf32, #tpu.memory_space<hbm>> -> memref<10000x128xf32, #tpu.memory_space<hbm>>
          tpu.enqueue_indirect_dma source(%dma_start3A_138 : memref<10000x128xf32, #tpu.memory_space<hbm>>) target(%arg11 : memref<80x128xf32, #tpu.memory_space<vmem>>) offsets(%arg7 : memref<80xi32, #tpu.memory_space<vmem>>) semaphore(%arg15 : memref<!tpu.dma_semaphore, #tpu.memory_space<semaphore_mem>>)
        } else {
        }
      } else {
      }
      %mul3A_91 = arith.constant 3 : i32
      %mul3A_92 = arith.muli %scan3A_74, %mul3A_91 : i32
      %add3A_93 = arith.constant 2 : i32
      %add3A_94 = arith.addi %mul3A_92, %add3A_93 : i32
      %lt3A_95 = arith.constant 125 : i32
      %lt3A_96 = arith.cmpi slt, %add3A_94, %lt3A_95 : i32
      %convert_element_type3A_97 = arith.extui %lt3A_96 : i1 to i32
      %cond3A_98 = arith.constant 0 : i32
      %cond3A_99 = arith.cmpi ne, %convert_element_type3A_97, %cond3A_98 : i32
      scf.if %cond3A_99 {
        %dma_wait3A_101 = arith.constant 0 : i32
        %dma_wait3A_102 = arith.constant 0 : i32
        %dma_wait3A_103 = tpu.memref_slice %arg4[%dma_wait3A_101, %dma_wait3A_102] : memref<10000x128xf32, #tpu.memory_space<hbm>> -> memref<10000x128xf32, #tpu.memory_space<hbm>>
        tpu.wait_indirect_dma semaphore(%arg17 : memref<!tpu.dma_semaphore, #tpu.memory_space<semaphore_mem>>) src(%dma_wait3A_103 : memref<10000x128xf32, #tpu.memory_space<hbm>>) dst(%arg13 : memref<80x128xf32, #tpu.memory_space<vmem>>)
        %add3A_104 = arith.constant 3 : i32
        %add3A_105 = arith.addi %add3A_94, %add3A_104 : i32
        %lt3A_106 = arith.constant 125 : i32
        %lt3A_107 = arith.cmpi slt, %add3A_105, %lt3A_106 : i32
        %convert_element_type3A_108 = arith.extui %lt3A_107 : i1 to i32
        %cond3A_109 = arith.constant 0 : i32
        %cond3A_110 = arith.cmpi ne, %convert_element_type3A_108, %cond3A_109 : i32
        scf.if %cond3A_110 {
          %add3A_124 = arith.constant 3 : i32
          %add3A_125 = arith.addi %add3A_94, %add3A_124 : i32
          %dma_start3A_126 = arith.constant 0 : i32
          %dma_start3A_127 = tpu.memref_slice %arg2[%add3A, %add3A_125, %dma_start3A_126] : memref<32x125x80xi32, #tpu.memory_space<hbm>> -> memref<1x1x80xi32, #tpu.memory_space<hbm>>
          %dma_start3A_128 = tpu.memref_squeeze %dma_start3A_127 : memref<1x1x80xi32, #tpu.memory_space<hbm>> -> memref<80xi32, #tpu.memory_space<hbm>>
          %dma_start3A_129 = arith.constant 0 : i32
          %dma_start3A_130 = tpu.memref_slice %arg2[%add3A, %add3A_125, %dma_start3A_129] : memref<32x125x80xi32, #tpu.memory_space<hbm>> -> memref<1x1x80xi32, #tpu.memory_space<hbm>>
          %dma_start3A_131 = tpu.memref_squeeze %dma_start3A_130 : memref<1x1x80xi32, #tpu.memory_space<hbm>> -> memref<80xi32, #tpu.memory_space<hbm>>
          tpu.enqueue_dma source(%dma_start3A_131 : memref<80xi32, #tpu.memory_space<hbm>>) target(%arg9 : memref<80xi32, #tpu.memory_space<vmem>>) target_semaphore(%arg23 : memref<!tpu.dma_semaphore, #tpu.memory_space<semaphore_mem>>)
        } else {
        }
        %dma_start3A_111 = arith.constant 0 : i32
        %dma_start3A_112 = tpu.memref_slice %arg10[%add3A_94, %dma_start3A_111] : memref<125x80xi32, #tpu.memory_space<vmem>> -> memref<1x80xi32, #tpu.memory_space<vmem>>
        %dma_start3A_113 = tpu.memref_squeeze %dma_start3A_112 : memref<1x80xi32, #tpu.memory_space<vmem>> -> memref<80xi32, #tpu.memory_space<vmem>>
        %dma_start3A_114 = arith.constant 0 : i32
        %dma_start3A_115 = arith.constant 0 : i32
        %dma_start3A_116 = tpu.memref_slice %arg14[%dma_start3A_114, %dma_start3A_115] : memref<10112x128xf32, #tpu.memory_space<vmem_shared>> -> memref<10112x128xf32, #tpu.memory_space<vmem_shared>>
        tpu.enqueue_indirect_dma source(%arg13 : memref<80x128xf32, #tpu.memory_space<vmem>>) target(%dma_start3A_116 : memref<10112x128xf32, #tpu.memory_space<vmem_shared>>) offsets(%dma_start3A_113 : memref<80xi32, #tpu.memory_space<vmem>>) semaphore(%arg20 : memref<!tpu.dma_semaphore, #tpu.memory_space<semaphore_mem>>) {add = true}
        %add3A_117 = arith.constant 2 : i32
        %add3A_118 = arith.addi %add3A_94, %add3A_117 : i32
        %lt3A_119 = arith.constant 125 : i32
        %lt3A_120 = arith.cmpi slt, %add3A_118, %lt3A_119 : i32
        %convert_element_type3A_121 = arith.extui %lt3A_120 : i1 to i32
        %cond3A_122 = arith.constant 0 : i32
        %cond3A_123 = arith.cmpi ne, %convert_element_type3A_121, %cond3A_122 : i32
        scf.if %cond3A_123 {
          %ge3A = arith.constant 1 : i32
          %ge3A_124 = arith.cmpi sge, %add3A_94, %ge3A : i32
          %convert_element_type3A_125 = arith.extui %ge3A_124 : i1 to i32
          %cond3A_126 = arith.constant 0 : i32
          %cond3A_127 = arith.cmpi ne, %convert_element_type3A_125, %cond3A_126 : i32
          scf.if %cond3A_127 {
            %sub3A = arith.constant 1 : i32
            %sub3A_139 = arith.subi %add3A_94, %sub3A : i32
            %dma_wait3A_140 = arith.constant 0 : i32
            %dma_wait3A_141 = tpu.memref_slice %arg10[%sub3A_139, %dma_wait3A_140] : memref<125x80xi32, #tpu.memory_space<vmem>> -> memref<1x80xi32, #tpu.memory_space<vmem>>
            %dma_wait3A_142 = tpu.memref_squeeze %dma_wait3A_141 : memref<1x80xi32, #tpu.memory_space<vmem>> -> memref<80xi32, #tpu.memory_space<vmem>>
            %dma_wait3A_143 = arith.constant 0 : i32
            %dma_wait3A_144 = arith.constant 0 : i32
            %dma_wait3A_145 = tpu.memref_slice %arg14[%dma_wait3A_143, %dma_wait3A_144] : memref<10112x128xf32, #tpu.memory_space<vmem_shared>> -> memref<10112x128xf32, #tpu.memory_space<vmem_shared>>
            tpu.wait_indirect_dma semaphore(%arg19 : memref<!tpu.dma_semaphore, #tpu.memory_space<semaphore_mem>>) src(%arg12 : memref<80x128xf32, #tpu.memory_space<vmem>>) dst(%dma_wait3A_145 : memref<10112x128xf32, #tpu.memory_space<vmem_shared>>)
          } else {
          }
          %add3A_128 = arith.constant 2 : i32
          %add3A_129 = arith.addi %add3A_94, %add3A_128 : i32
          %dma_wait3A_130 = arith.constant 0 : i32
          %dma_wait3A_131 = tpu.memref_slice %arg2[%add3A, %add3A_129, %dma_wait3A_130] : memref<32x125x80xi32, #tpu.memory_space<hbm>> -> memref<1x1x80xi32, #tpu.memory_space<hbm>>
          %dma_wait3A_132 = tpu.memref_squeeze %dma_wait3A_131 : memref<1x1x80xi32, #tpu.memory_space<hbm>> -> memref<80xi32, #tpu.memory_space<hbm>>
          %dma_wait3A_133 = arith.constant 0 : i32
          %dma_wait3A_134 = tpu.memref_slice %arg2[%add3A, %add3A_129, %dma_wait3A_133] : memref<32x125x80xi32, #tpu.memory_space<hbm>> -> memref<1x1x80xi32, #tpu.memory_space<hbm>>
          %dma_wait3A_135 = tpu.memref_squeeze %dma_wait3A_134 : memref<1x1x80xi32, #tpu.memory_space<hbm>> -> memref<80xi32, #tpu.memory_space<hbm>>
          tpu.wait_dma2 semaphore(%arg22 : memref<!tpu.dma_semaphore, #tpu.memory_space<semaphore_mem>>) src(%dma_wait3A_135 : memref<80xi32, #tpu.memory_space<hbm>>) dst(%arg8 : memref<80xi32, #tpu.memory_space<vmem>>)
          %dma_start3A_136 = arith.constant 0 : i32
          %dma_start3A_137 = arith.constant 0 : i32
          %dma_start3A_138 = tpu.memref_slice %arg4[%dma_start3A_136, %dma_start3A_137] : memref<10000x128xf32, #tpu.memory_space<hbm>> -> memref<10000x128xf32, #tpu.memory_space<hbm>>
          tpu.enqueue_indirect_dma source(%dma_start3A_138 : memref<10000x128xf32, #tpu.memory_space<hbm>>) target(%arg12 : memref<80x128xf32, #tpu.memory_space<vmem>>) offsets(%arg8 : memref<80xi32, #tpu.memory_space<vmem>>) semaphore(%arg16 : memref<!tpu.dma_semaphore, #tpu.memory_space<semaphore_mem>>)
        } else {
        }
      } else {
      }
      %scan3A_100 = arith.constant 0 : i32
      scf.yield %scan3A_100 : i32
    }
    %scan3A_47 = arith.constant 42 : i32
    %dma_wait3A_48 = arith.constant 122 : i32
    %dma_wait3A_49 = arith.constant 0 : i32
    %dma_wait3A_50 = tpu.memref_slice %arg10[%dma_wait3A_48, %dma_wait3A_49] : memref<125x80xi32, #tpu.memory_space<vmem>> -> memref<1x80xi32, #tpu.memory_space<vmem>>
    %dma_wait3A_51 = tpu.memref_squeeze %dma_wait3A_50 : memref<1x80xi32, #tpu.memory_space<vmem>> -> memref<80xi32, #tpu.memory_space<vmem>>
    %dma_wait3A_52 = arith.constant 0 : i32
    %dma_wait3A_53 = arith.constant 0 : i32
    %dma_wait3A_54 = tpu.memref_slice %arg14[%dma_wait3A_52, %dma_wait3A_53] : memref<10112x128xf32, #tpu.memory_space<vmem_shared>> -> memref<10112x128xf32, #tpu.memory_space<vmem_shared>>
    tpu.wait_indirect_dma semaphore(%arg20 : memref<!tpu.dma_semaphore, #tpu.memory_space<semaphore_mem>>) src(%arg13 : memref<80x128xf32, #tpu.memory_space<vmem>>) dst(%dma_wait3A_54 : memref<10112x128xf32, #tpu.memory_space<vmem_shared>>)
    %dma_wait3A_55 = arith.constant 123 : i32
    %dma_wait3A_56 = arith.constant 0 : i32
    %dma_wait3A_57 = tpu.memref_slice %arg10[%dma_wait3A_55, %dma_wait3A_56] : memref<125x80xi32, #tpu.memory_space<vmem>> -> memref<1x80xi32, #tpu.memory_space<vmem>>
    %dma_wait3A_58 = tpu.memref_squeeze %dma_wait3A_57 : memref<1x80xi32, #tpu.memory_space<vmem>> -> memref<80xi32, #tpu.memory_space<vmem>>
    %dma_wait3A_59 = arith.constant 0 : i32
    %dma_wait3A_60 = arith.constant 0 : i32
    %dma_wait3A_61 = tpu.memref_slice %arg14[%dma_wait3A_59, %dma_wait3A_60] : memref<10112x128xf32, #tpu.memory_space<vmem_shared>> -> memref<10112x128xf32, #tpu.memory_space<vmem_shared>>
    tpu.wait_indirect_dma semaphore(%arg18 : memref<!tpu.dma_semaphore, #tpu.memory_space<semaphore_mem>>) src(%arg11 : memref<80x128xf32, #tpu.memory_space<vmem>>) dst(%dma_wait3A_61 : memref<10112x128xf32, #tpu.memory_space<vmem_shared>>)
    %dma_wait3A_62 = arith.constant 124 : i32
    %dma_wait3A_63 = arith.constant 0 : i32
    %dma_wait3A_64 = tpu.memref_slice %arg10[%dma_wait3A_62, %dma_wait3A_63] : memref<125x80xi32, #tpu.memory_space<vmem>> -> memref<1x80xi32, #tpu.memory_space<vmem>>
    %dma_wait3A_65 = tpu.memref_squeeze %dma_wait3A_64 : memref<1x80xi32, #tpu.memory_space<vmem>> -> memref<80xi32, #tpu.memory_space<vmem>>
    %dma_wait3A_66 = arith.constant 0 : i32
    %dma_wait3A_67 = arith.constant 0 : i32
    %dma_wait3A_68 = tpu.memref_slice %arg14[%dma_wait3A_66, %dma_wait3A_67] : memref<10112x128xf32, #tpu.memory_space<vmem_shared>> -> memref<10112x128xf32, #tpu.memory_space<vmem_shared>>
    tpu.wait_indirect_dma semaphore(%arg19 : memref<!tpu.dma_semaphore, #tpu.memory_space<semaphore_mem>>) src(%arg12 : memref<80x128xf32, #tpu.memory_space<vmem>>) dst(%dma_wait3A_68 : memref<10112x128xf32, #tpu.memory_space<vmem_shared>>)
    %barrier3A_69 = arith.constant 0 : index
    tpu.barrier barrier_id(%barrier3A_69)
    %mul3A_70 = arith.constant 632 : i32
    %mul3A_71 = arith.muli %arg1, %mul3A_70 : i32
    %mul3A_72 = arith.constant 632 : i32
    %mul3A_73 = arith.muli %arg1, %mul3A_72 : i32
    "tpu.region"() ({
      %run_scoped3A = tpu.sem_alloc : memref<!tpu.dma_semaphore, #tpu.memory_space<semaphore_mem>>
      %dma_start3A_74 = arith.constant 0 : i32
      %dma_start3A_75 = tpu.memref_slice %arg6[%arg0, %mul3A_73, %dma_start3A_74] : memref<2x10112x128xf32, #tpu.memory_space<hbm>> -> memref<1x632x128xf32, #tpu.memory_space<hbm>>
      %dma_start3A_76 = tpu.memref_squeeze %dma_start3A_75 : memref<1x632x128xf32, #tpu.memory_space<hbm>> -> memref<632x128xf32, #tpu.memory_space<hbm>>
      %dma_start3A_77 = arith.constant 0 : i32
      %dma_start3A_78 = tpu.memref_slice %arg14[%mul3A_71, %dma_start3A_77] : memref<10112x128xf32, #tpu.memory_space<vmem_shared>> -> memref<632x128xf32, #tpu.memory_space<vmem_shared>>
      tpu.enqueue_dma source(%dma_start3A_78 : memref<632x128xf32, #tpu.memory_space<vmem_shared>>) target(%dma_start3A_76 : memref<632x128xf32, #tpu.memory_space<hbm>>) target_semaphore(%run_scoped3A : memref<!tpu.dma_semaphore, #tpu.memory_space<semaphore_mem>>)
      %dma_wait3A_79 = arith.constant 0 : i32
      %dma_wait3A_80 = tpu.memref_slice %arg6[%arg0, %mul3A_73, %dma_wait3A_79] : memref<2x10112x128xf32, #tpu.memory_space<hbm>> -> memref<1x632x128xf32, #tpu.memory_space<hbm>>
      %dma_wait3A_81 = tpu.memref_squeeze %dma_wait3A_80 : memref<1x632x128xf32, #tpu.memory_space<hbm>> -> memref<632x128xf32, #tpu.memory_space<hbm>>
      %dma_wait3A_82 = arith.constant 0 : i32
      %dma_wait3A_83 = tpu.memref_slice %arg14[%mul3A_71, %dma_wait3A_82] : memref<10112x128xf32, #tpu.memory_space<vmem_shared>> -> memref<632x128xf32, #tpu.memory_space<vmem_shared>>
      tpu.wait_dma2 semaphore(%run_scoped3A : memref<!tpu.dma_semaphore, #tpu.memory_space<semaphore_mem>>) src(%dma_wait3A_83 : memref<632x128xf32, #tpu.memory_space<vmem_shared>>) dst(%dma_wait3A_81 : memref<632x128xf32, #tpu.memory_space<hbm>>)
      tpu.yield
    }) : () -> ()
    return
  }
}

module attributes {stable_mosaic.version = 14 : i64} {
  func.func @_dis_body(%arg0: memref<32x80x128xf32, #tpu.memory_space<vmem>>, %arg1: memref<80x128xf32, #tpu.memory_space<vmem>>) attributes {dimension_semantics = [], scalar_prefetch = 0 : i64, scratch_operands = 0 : i64, tpu.core_type = #tpu.core_type<tc>} {
    %get3A = arith.constant 0 : index
    %get3A_0 = arith.constant 0 : index
    %get3A_1 = arith.constant 0 : index
    %get3A_2 = vector.load %arg0[%get3A, %get3A_0, %get3A_1] : memref<32x80x128xf32, #tpu.memory_space<vmem>>, vector<32x80x128xf32>
    %reduce_sum3A = arith.constant dense<0.000000e+00> : vector<80x128xf32>
    %reduce_sum3A_3 = vector.multi_reduction <add>, %get3A_2, %reduce_sum3A [0] : vector<32x80x128xf32> to vector<80x128xf32>
    %add3A = arith.constant 1.000000e+00 : f32
    %add3A_4 = vector.broadcast %add3A : f32 to vector<80x128xf32>
    %add3A_5 = arith.addf %reduce_sum3A_3, %add3A_4 : vector<80x128xf32>
    %rsqrt3A = math.rsqrt %add3A_5 : vector<80x128xf32>
    %swap3A = arith.constant 0 : index
    %swap3A_6 = arith.constant 0 : index
    %swap3A_7 = vector.load %arg1[%swap3A, %swap3A_6] : memref<80x128xf32, #tpu.memory_space<vmem>>, vector<80x128xf32>
    tpu.vector_store %arg1[%swap3A, %swap3A_6], %rsqrt3A {strides = array<i32>} : memref<80x128xf32, #tpu.memory_space<vmem>>, vector<80x128xf32>,
    return
  }
}

module attributes {stable_mosaic.version = 14 : i64} {
  func.func @_mm_first_body(%arg0: i32, %arg1: memref<1000x1xf32, #tpu.memory_space<vmem>>, %arg2: memref<1000x128xf32, #tpu.memory_space<vmem>>, %arg3: memref<128x128xf32, #tpu.memory_space<vmem>>, %arg4: memref<1000x128xf32, #tpu.memory_space<vmem>>) attributes {dimension_semantics = [#tpu.dimension_semantics<arbitrary>], iteration_bounds = array<i64: 10>, scalar_prefetch = 0 : i64, scratch_operands = 0 : i64, tpu.core_type = #tpu.core_type<tc>, window_params = [{transform_indices = @transform_0, window_bounds = array<i64: 1000, 1>}, {transform_indices = @transform_1, window_bounds = array<i64: 1000, 128>}, {pipeline_mode = #tpu.pipeline_mode<synchronous>, transform_indices = @transform_2, window_bounds = array<i64: 128, 128>}, {transform_indices = @transform_3, window_bounds = array<i64: 1000, 128>}]} {
    %get3A = arith.constant 0 : index
    %get3A_0 = arith.constant 0 : index
    %get3A_1 = vector.load %arg1[%get3A, %get3A_0] : memref<1000x1xf32, #tpu.memory_space<vmem>>, vector<1000x1xf32>
    %get3A_2 = arith.constant 0 : index
    %get3A_3 = arith.constant 0 : index
    %get3A_4 = vector.load %arg2[%get3A_2, %get3A_3] : memref<1000x128xf32, #tpu.memory_space<vmem>>, vector<1000x128xf32>
    %get3A_5 = arith.constant 0 : index
    %get3A_6 = arith.constant 0 : index
    %get3A_7 = vector.load %arg3[%get3A_5, %get3A_6] : memref<128x128xf32, #tpu.memory_space<vmem>>, vector<128x128xf32>
    %dot_general3A = arith.constant dense<0.000000e+00> : vector<1000x128xf32>
    %dot_general3A_8 = tpu.matmul %get3A_4, %get3A_7, %dot_general3A {dimension_numbers = #tpu.dot_dimension_numbers<[1], [0], [0], [1], [0, 0, 1, 1], [], []>, transpose_lhs_hint = false} : vector<1000x128xf32>, vector<128x128xf32>, vector<1000x128xf32> -> vector<1000x128xf32>
    %mul3A = vector.broadcast %get3A_1 : vector<1000x1xf32> to vector<1000x128xf32>
    %mul3A_9 = arith.mulf %mul3A, %dot_general3A_8 : vector<1000x128xf32>
    %swap3A = arith.constant 0 : index
    %swap3A_10 = arith.constant 0 : index
    %swap3A_11 = vector.load %arg4[%swap3A, %swap3A_10] : memref<1000x128xf32, #tpu.memory_space<vmem>>, vector<1000x128xf32>
    tpu.vector_store %arg4[%swap3A, %swap3A_10], %mul3A_9 {strides = array<i32>} : memref<1000x128xf32, #tpu.memory_space<vmem>>, vector<1000x128xf32>,
    return
  }
  func.func @transform_0(%arg0: i32) -> (i32, i32) {
    %c0_i32 = arith.constant 0 : i32
    %c0_i32_0 = arith.constant 0 : i32
    return %arg0, %c0_i32 : i32, i32
  }
  func.func @transform_1(%arg0: i32) -> (i32, i32) {
    %c0_i32 = arith.constant 0 : i32
    %c0_i32_0 = arith.constant 0 : i32
    return %arg0, %c0_i32 : i32, i32
  }
  func.func @transform_2(%arg0: i32) -> (i32, i32) {
    %c0_i32 = arith.constant 0 : i32
    %c0_i32_0 = arith.constant 0 : i32
    %c0_i32_1 = arith.constant 0 : i32
    return %c0_i32, %c0_i32_0 : i32, i32
  }
  func.func @transform_3(%arg0: i32) -> (i32, i32) {
    %c0_i32 = arith.constant 0 : i32
    %c0_i32_0 = arith.constant 0 : i32
    return %arg0, %c0_i32 : i32, i32
  }
}

module attributes {stable_mosaic.version = 14 : i64} {
  func.func @_mm_mid_body(%arg0: i32, %arg1: memref<1000x1xf32, #tpu.memory_space<vmem>>, %arg2: memref<2x1000x128xf32, #tpu.memory_space<vmem>>, %arg3: memref<1000x128xf32, #tpu.memory_space<vmem>>, %arg4: memref<1x128xf32, #tpu.memory_space<vmem>>, %arg5: memref<128x128xf32, #tpu.memory_space<vmem>>, %arg6: memref<1000x128xf32, #tpu.memory_space<vmem>>) attributes {dimension_semantics = [#tpu.dimension_semantics<arbitrary>], iteration_bounds = array<i64: 10>, scalar_prefetch = 0 : i64, scratch_operands = 0 : i64, tpu.core_type = #tpu.core_type<tc>, window_params = [{transform_indices = @transform_0, window_bounds = array<i64: 1000, 1>}, {transform_indices = @transform_1, window_bounds = array<i64: 2, 1000, 128>}, {transform_indices = @transform_2, window_bounds = array<i64: 1000, 128>}, {pipeline_mode = #tpu.pipeline_mode<synchronous>, transform_indices = @transform_3, window_bounds = array<i64: 1, 128>}, {pipeline_mode = #tpu.pipeline_mode<synchronous>, transform_indices = @transform_4, window_bounds = array<i64: 128, 128>}, {transform_indices = @transform_5, window_bounds = array<i64: 1000, 128>}]} {
    %get3A = arith.constant 0 : index
    %get3A_0 = arith.constant 0 : index
    %get3A_1 = vector.load %arg1[%get3A, %get3A_0] : memref<1000x1xf32, #tpu.memory_space<vmem>>, vector<1000x1xf32>
    %get3A_2 = arith.constant 0 : index
    %get3A_3 = arith.constant 0 : index
    %get3A_4 = arith.constant 0 : index
    %get3A_5 = vector.load %arg2[%get3A_2, %get3A_3, %get3A_4] : memref<2x1000x128xf32, #tpu.memory_space<vmem>>, vector<1x1000x128xf32>
    %get3A_6 = vector.shape_cast %get3A_5 : vector<1x1000x128xf32> to vector<1000x128xf32>
    %get3A_7 = arith.constant 1 : index
    %get3A_8 = arith.constant 0 : index
    %get3A_9 = arith.constant 0 : index
    %get3A_10 = vector.load %arg2[%get3A_7, %get3A_8, %get3A_9] : memref<2x1000x128xf32, #tpu.memory_space<vmem>>, vector<1x1000x128xf32>
    %get3A_11 = vector.shape_cast %get3A_10 : vector<1x1000x128xf32> to vector<1000x128xf32>
    %add3A = arith.addf %get3A_6, %get3A_11 : vector<1000x128xf32>
    %get3A_12 = arith.constant 0 : index
    %get3A_13 = arith.constant 0 : index
    %get3A_14 = vector.load %arg3[%get3A_12, %get3A_13] : memref<1000x128xf32, #tpu.memory_space<vmem>>, vector<1000x128xf32>
    %add3A_15 = arith.addf %add3A, %get3A_14 : vector<1000x128xf32>
    %mul3A = vector.broadcast %get3A_1 : vector<1000x1xf32> to vector<1000x128xf32>
    %mul3A_16 = arith.mulf %mul3A, %add3A_15 : vector<1000x128xf32>
    %get3A_17 = arith.constant 0 : index
    %get3A_18 = arith.constant 0 : index
    %get3A_19 = vector.load %arg4[%get3A_17, %get3A_18] : memref<1x128xf32, #tpu.memory_space<vmem>>, vector<1x128xf32>
    %add3A_20 = vector.broadcast %get3A_19 : vector<1x128xf32> to vector<1000x128xf32>
    %add3A_21 = arith.addf %mul3A_16, %add3A_20 : vector<1000x128xf32>
    %max3A = arith.constant 0.000000e+00 : f32
    %max3A_22 = vector.broadcast %max3A : f32 to vector<1000x128xf32>
    %max3A_23 = arith.maximumf %add3A_21, %max3A_22 : vector<1000x128xf32>
    %get3A_24 = arith.constant 0 : index
    %get3A_25 = arith.constant 0 : index
    %get3A_26 = vector.load %arg5[%get3A_24, %get3A_25] : memref<128x128xf32, #tpu.memory_space<vmem>>, vector<128x128xf32>
    %dot_general3A = arith.constant dense<0.000000e+00> : vector<1000x128xf32>
    %dot_general3A_27 = tpu.matmul %max3A_23, %get3A_26, %dot_general3A {dimension_numbers = #tpu.dot_dimension_numbers<[1], [0], [0], [1], [0, 0, 1, 1], [], []>, transpose_lhs_hint = false} : vector<1000x128xf32>, vector<128x128xf32>, vector<1000x128xf32> -> vector<1000x128xf32>
    %mul3A_28 = vector.broadcast %get3A_1 : vector<1000x1xf32> to vector<1000x128xf32>
    %mul3A_29 = arith.mulf %mul3A_28, %dot_general3A_27 : vector<1000x128xf32>
    %swap3A = arith.constant 0 : index
    %swap3A_30 = arith.constant 0 : index
    %swap3A_31 = vector.load %arg6[%swap3A, %swap3A_30] : memref<1000x128xf32, #tpu.memory_space<vmem>>, vector<1000x128xf32>
    tpu.vector_store %arg6[%swap3A, %swap3A_30], %mul3A_29 {strides = array<i32>} : memref<1000x128xf32, #tpu.memory_space<vmem>>, vector<1000x128xf32>,
    return
  }
  func.func @transform_0(%arg0: i32) -> (i32, i32) {
    %c0_i32 = arith.constant 0 : i32
    %c0_i32_0 = arith.constant 0 : i32
    return %arg0, %c0_i32 : i32, i32
  }
  func.func @transform_1(%arg0: i32) -> (i32, i32, i32) {
    %c0_i32 = arith.constant 0 : i32
    %c0_i32_0 = arith.constant 0 : i32
    %c0_i32_1 = arith.constant 0 : i32
    return %c0_i32, %arg0, %c0_i32_0 : i32, i32, i32
  }
  func.func @transform_2(%arg0: i32) -> (i32, i32) {
    %c0_i32 = arith.constant 0 : i32
    %c0_i32_0 = arith.constant 0 : i32
    return %arg0, %c0_i32 : i32, i32
  }
  func.func @transform_3(%arg0: i32) -> (i32, i32) {
    %c0_i32 = arith.constant 0 : i32
    %c0_i32_0 = arith.constant 0 : i32
    %c0_i32_1 = arith.constant 0 : i32
    return %c0_i32, %c0_i32_0 : i32, i32
  }
  func.func @transform_4(%arg0: i32) -> (i32, i32) {
    %c0_i32 = arith.constant 0 : i32
    %c0_i32_0 = arith.constant 0 : i32
    %c0_i32_1 = arith.constant 0 : i32
    return %c0_i32, %c0_i32_0 : i32, i32
  }
  func.func @transform_5(%arg0: i32) -> (i32, i32) {
    %c0_i32 = arith.constant 0 : i32
    %c0_i32_0 = arith.constant 0 : i32
    return %arg0, %c0_i32 : i32, i32
  }
}

module attributes {stable_mosaic.version = 14 : i64} {
  func.func @_mm_final_body(%arg0: i32, %arg1: memref<1000x1xf32, #tpu.memory_space<vmem>>, %arg2: memref<2x1000x128xf32, #tpu.memory_space<vmem>>, %arg3: memref<1000x128xf32, #tpu.memory_space<vmem>>, %arg4: memref<1x40xf32, #tpu.memory_space<vmem>>, %arg5: memref<1000x40xf32, #tpu.memory_space<vmem>>) attributes {dimension_semantics = [#tpu.dimension_semantics<arbitrary>], iteration_bounds = array<i64: 10>, scalar_prefetch = 0 : i64, scratch_operands = 0 : i64, tpu.core_type = #tpu.core_type<tc>, window_params = [{transform_indices = @transform_0, window_bounds = array<i64: 1000, 1>}, {transform_indices = @transform_1, window_bounds = array<i64: 2, 1000, 128>}, {transform_indices = @transform_2, window_bounds = array<i64: 1000, 128>}, {pipeline_mode = #tpu.pipeline_mode<synchronous>, transform_indices = @transform_3, window_bounds = array<i64: 1, 40>}, {transform_indices = @transform_4, window_bounds = array<i64: 1000, 40>}]} {
    %get3A = arith.constant 0 : index
    %get3A_0 = arith.constant 0 : index
    %get3A_1 = vector.load %arg1[%get3A, %get3A_0] : memref<1000x1xf32, #tpu.memory_space<vmem>>, vector<1000x1xf32>
    %get3A_2 = arith.constant 0 : index
    %get3A_3 = arith.constant 0 : index
    %get3A_4 = arith.constant 0 : index
    %get3A_5 = vector.load %arg2[%get3A_2, %get3A_3, %get3A_4] : memref<2x1000x128xf32, #tpu.memory_space<vmem>>, vector<1x1000x128xf32>
    %get3A_6 = vector.shape_cast %get3A_5 : vector<1x1000x128xf32> to vector<1000x128xf32>
    %get3A_7 = arith.constant 1 : index
    %get3A_8 = arith.constant 0 : index
    %get3A_9 = arith.constant 0 : index
    %get3A_10 = vector.load %arg2[%get3A_7, %get3A_8, %get3A_9] : memref<2x1000x128xf32, #tpu.memory_space<vmem>>, vector<1x1000x128xf32>
    %get3A_11 = vector.shape_cast %get3A_10 : vector<1x1000x128xf32> to vector<1000x128xf32>
    %add3A = arith.addf %get3A_6, %get3A_11 : vector<1000x128xf32>
    %get3A_12 = arith.constant 0 : index
    %get3A_13 = arith.constant 0 : index
    %get3A_14 = vector.load %arg3[%get3A_12, %get3A_13] : memref<1000x128xf32, #tpu.memory_space<vmem>>, vector<1000x128xf32>
    %add3A_15 = arith.addf %add3A, %get3A_14 : vector<1000x128xf32>
    %mul3A = vector.broadcast %get3A_1 : vector<1000x1xf32> to vector<1000x128xf32>
    %mul3A_16 = arith.mulf %mul3A, %add3A_15 : vector<1000x128xf32>
    %slice3A = vector.extract_strided_slice %mul3A_16 {offsets = [0, 0], sizes = [1000, 40], strides = [1, 1]} : vector<1000x128xf32> to vector<1000x40xf32>
    %get3A_17 = arith.constant 0 : index
    %get3A_18 = arith.constant 0 : index
    %get3A_19 = vector.load %arg4[%get3A_17, %get3A_18] : memref<1x40xf32, #tpu.memory_space<vmem>>, vector<1x40xf32>
    %add3A_20 = vector.broadcast %get3A_19 : vector<1x40xf32> to vector<1000x40xf32>
    %add3A_21 = arith.addf %slice3A, %add3A_20 : vector<1000x40xf32>
    %swap3A = arith.constant 0 : index
    %swap3A_22 = arith.constant 0 : index
    %swap3A_23 = vector.load %arg5[%swap3A, %swap3A_22] : memref<1000x40xf32, #tpu.memory_space<vmem>>, vector<1000x40xf32>
    tpu.vector_store %arg5[%swap3A, %swap3A_22], %add3A_21 {strides = array<i32>} : memref<1000x40xf32, #tpu.memory_space<vmem>>, vector<1000x40xf32>,
    return
  }
  func.func @transform_0(%arg0: i32) -> (i32, i32) {
    %c0_i32 = arith.constant 0 : i32
    %c0_i32_0 = arith.constant 0 : i32
    return %arg0, %c0_i32 : i32, i32
  }
  func.func @transform_1(%arg0: i32) -> (i32, i32, i32) {
    %c0_i32 = arith.constant 0 : i32
    %c0_i32_0 = arith.constant 0 : i32
    %c0_i32_1 = arith.constant 0 : i32
    return %c0_i32, %arg0, %c0_i32_0 : i32, i32, i32
  }
  func.func @transform_2(%arg0: i32) -> (i32, i32) {
    %c0_i32 = arith.constant 0 : i32
    %c0_i32_0 = arith.constant 0 : i32
    return %arg0, %c0_i32 : i32, i32
  }
  func.func @transform_3(%arg0: i32) -> (i32, i32) {
    %c0_i32 = arith.constant 0 : i32
    %c0_i32_0 = arith.constant 0 : i32
    %c0_i32_1 = arith.constant 0 : i32
    return %c0_i32, %c0_i32_0 : i32, i32
  }
  func.func @transform_4(%arg0: i32) -> (i32, i32) {
    %c0_i32 = arith.constant 0 : i32
    %c0_i32_0 = arith.constant 0 : i32
    return %arg0, %c0_i32 : i32, i32
  }
}

</mosaic_0001>

<sc_bundles>
// kernel: kernel.11.cloned.1.call-start
scs
__scs_entry_jumppad:
0x0: {  	(pc) =	sbr.rel $0x88, $3  }
0x1: {  	(tag) =	ssettag $0x0;
	lr =	simm.s32 $0x1  }
0x2: {  	[smem:$0x3F99] =	sst lr;
	_ =	strace $0xD0000000  }
0x3: {  	_ = 	snop  }
0x4: {  	_ = 	snop  }
0x5: {  	_ = 	snop  }
0x6: {  	_ = 	snop  }
0x7: {  	_ = 	snop  }
__scs_overlays_trampoline_lowered:
0x8: {  	[smem:$0x3FA8] =	sst s0  }
0x9: {  	[smem:$0x3FA9] =	sst s1  }
0xa: {  	[smem:$0x3FAA] =	sst s2  }
0xb: {  	[smem:$0x3FAB] =	sst s3  }
0xc: {  	[smem:$0x3FAC] =	sst s4  }
0xd: {  	[smem:$0x3FAD] =	sst s5  }
0xe: {  	[smem:$0x3FAE] =	sst s6  }
0xf: {  	[smem:$0x3FAF] =	sst s7  }
0x10: {  	[smem:$0x3FB0] =	sst s8  }
0x11: {  	[smem:$0x3FB1] =	sst s9;
	s0 =	simm.s32 @!p0 $0x0  }
0x12: {  	s1 =	sld [smem:$0x3F97];
	s0 =	simm.s32 @p0 $0x1  }
0x13: {  	[smem:$0x3FB2] =	sst s0;
	s0 =	simm.s32 @!p1 $0x0  }
0x14: {  	s2 =	sld [smem:$0x3F96];
	s0 =	simm.s32 @p1 $0x1  }
0x15: {  	[smem:$0x3FB3] =	sst s0;
	s0 =	simm.s32 @!p2 $0x0  }
0x16: {  	s3 =	sld [smem:$0x3FDB];
	s0 =	simm.s32 @p2 $0x1  }
0x17: {  	s4 =	simm.s32 $0x1BF5;
	[smem:$0x3FB5] =	sst s0  }
0x18: {  	s0 =	sld [smem:$0x3F98];
	_ =	swait.ge [sflag:s4], $0x0  }
0x19: {  	s7 =	sld [smem:$0x3F99]  }
0x1a: {  	s8 =	sadd.s32 $0xFFFFE003, lr  }
0x1b: {  	s9 =	sadd.s32 $0xFFFFFEF7, lr;
	s5 =	simm.s32 $0xFFFFFFFF;
	p2 =	slt.u32 s8, $0xFFFFF086  }
0x1c: {  	p1 =	slt.u32 s9, $0xF7A;
	s5 =	simm.s32 @!p2 $0x0  }
0x1d: {  	s5 =	simm.s32 @p1 $0x1;
	p0 =	seq.s32 s7, s2  }
0x1e: {  	s7 =	smul.u32 @!p0 $0xF7A, s2;
	p2 =	seq.s32 @!p0 s5, $0x0  }
0x1f: {  	s9 =	smul.u32 $0xF7A, s1;
	s8 =	simm.s32 @!p0 $0x1BF5;
	p2 =	por !p2, p0  }
0x20: {  	[sflag:s8] =	ssyncset.s32 @!p0 $0xFFFFF086;
	s6 =	sadd.s32 @!p0 s3, s7;
	s7 =	simm.s32 @!p0 $0x108  }
0x21: {  	s3 =	sadd.s32 s3, s9;
	s6 =	sadd.s32 @!p0 $0x88, s6;
	s7 =	simm.s32 @p2 $0x1082  }
0x22: {  	[simem:s7], [sflag:s8] =	dma.local @!p0 [hbm:s6], $0xF7A  }
0x23: {  	s9 =	sor.u32 $0xD0000000, s2;
	s6 =	simm.s32 $0x108;
	_ =	swait.ge @!p0 [sflag:s8], $0x0  }
0x24: {  	s3 =	sadd.s32 $0x88, s3;
	s6 =	simm.s32 @!p1 $0x1082;
	[sflag:s4] =	ssyncset.s32 $0xFFFFF086  }
0x25: {  	[simem:s6], [sflag:s4] =	dma.local [hbm:s3], $0xF7A  }
0x26: {  	[smem:$0x3F99] =	sst s1;
	(tag) =	ssettag s2;
	_ =	strace s9  }
0x27: {  	s1 =	sld [smem:$0x3FA9]  }
0x28: {  	s2 =	sld [smem:$0x3FAA]  }
0x29: {  	s4 =	sld [smem:$0x3FAC]  }
0x2a: {  	p0 =	seq.s32 s5, $0x0;
	s5 =	sld [smem:$0x3FAD]  }
0x2b: {  	s6 =	sld [smem:$0x3FAE]  }
0x2c: {  	s7 =	sld [smem:$0x3FAF]  }
0x2d: {  	s3 =	simm.s32 $0x108;
	s8 =	sld [smem:$0x3FB0]  }
0x2e: {  	s3 =	simm.s32 @!p0 $0x1082;
	s9 =	sld [smem:$0x3FB1]  }
0x2f: {  	lr =	sadd.s32 s0, s3;
	s0 =	sld [smem:$0x3FA8]  }
0x30: {  	s3 =	sld [smem:$0x3FAB]  }
0x31: {  	[smem:$0x3FB4] =	sst s10  }
0x32: {  	s10 =	sld [smem:$0x3FB2];
	_ =	sdelay $0x3  }
0x33: {  	p0 =	seq.s32 s10, $0x1;
	s10 =	sld [smem:$0x3FB4];
	_ =	sdelay $0x3  }
0x34: {  	[smem:$0x3FB4] =	sst s10  }
0x35: {  	s10 =	sld [smem:$0x3FB3];
	_ =	sdelay $0x3  }
0x36: {  	p1 =	seq.s32 s10, $0x1;
	s10 =	sld [smem:$0x3FB4];
	_ =	sdelay $0x3  }
0x37: {  	[smem:$0x3FB4] =	sst s10  }
0x38: {  	s10 =	sld [smem:$0x3FB5]  }
0x39: {  	_ = 	snop;
	(pc) =	sbr.ind lr, $3  }
0x3a: {  	_ = 	snop  }
0x3b: {  	_ = 	snop  }
0x3c: {  	p2 =	seq.s32 s10, $0x1;
	s10 =	sld [smem:$0x3FB4]  }
0x3d: {  	_ =	shalt  }
0x3e: {  	_ =	shalt  }
0x3f: {  	_ =	shalt  }
0x40: {  	_ =	shalt  }
0x41: {  	_ =	shalt  }
0x42: {  	_ =	shalt  }
0x43: {  	_ =	shalt  }
0x44: {  	_ =	shalt  }
0x45: {  	_ =	shalt  }
0x46: {  	_ =	shalt  }
0x47: {  	_ =	shalt  }
0x48: {  	_ =	shalt  }
0x49: {  	_ =	shalt  }
0x4a: {  	_ =	shalt  }
0x4b: {  	_ =	shalt  }
0x4c: {  	_ =	shalt  }
0x4d: {  	_ =	shalt  }
0x4e: {  	_ =	shalt  }
0x4f: {  	_ =	shalt  }
0x50: {  	_ =	shalt  }
0x51: {  	_ =	shalt  }
0x52: {  	_ =	shalt  }
0x53: {  	_ =	shalt  }
0x54: {  	_ =	shalt  }
0x55: {  	_ =	shalt  }
0x56: {  	_ =	shalt  }
0x57: {  	_ =	shalt  }
0x58: {  	_ =	shalt  }
0x59: {  	_ =	shalt  }
0x5a: {  	_ =	shalt  }
0x5b: {  	_ =	shalt  }
0x5c: {  	_ =	shalt  }
0x5d: {  	_ =	shalt  }
0x5e: {  	_ =	shalt  }
0x5f: {  	_ =	shalt  }
0x60: {  	_ =	shalt  }
0x61: {  	_ =	shalt  }
0x62: {  	_ =	shalt  }
0x63: {  	_ =	shalt  }
0x64: {  	_ =	shalt  }
0x65: {  	_ =	shalt  }
0x66: {  	_ =	shalt  }
0x67: {  	_ =	shalt  }
0x68: {  	_ =	shalt  }
0x69: {  	_ =	shalt  }
0x6a: {  	_ =	shalt  }
0x6b: {  	_ =	shalt  }
0x6c: {  	_ =	shalt  }
0x6d: {  	_ =	shalt  }
0x6e: {  	_ =	shalt  }
0x6f: {  	_ =	shalt  }
0x70: {  	_ =	shalt  }
0x71: {  	_ =	shalt  }
0x72: {  	_ =	shalt  }
0x73: {  	_ =	shalt  }
0x74: {  	_ =	shalt  }
0x75: {  	_ =	shalt  }
0x76: {  	_ =	shalt  }
0x77: {  	_ =	shalt  }
0x78: {  	_ =	shalt  }
0x79: {  	_ =	shalt  }
0x7a: {  	_ =	shalt  }
0x7b: {  	_ =	shalt  }
0x7c: {  	_ =	shalt  }
0x7d: {  	_ =	shalt  }
0x7e: {  	_ =	shalt  }
0x7f: {  	_ =	shalt  }
0x80: {  	_ =	shalt  }
0x81: {  	_ =	shalt  }
0x82: {  	_ =	shalt  }
0x83: {  	_ =	shalt  }
0x84: {  	_ =	shalt  }
0x85: {  	_ =	shalt  }
0x86: {  	_ =	shalt  }
0x87: {  	_ =	shalt  }
.Lfunc_end0:
.L_simem_size_0:
called_computation_lowered:
.L_overlay_start_0:
0x88: {  	s2 =	sld [smem:$0x3FD9]  }
0x89: {  	s3 =	sld [smem:$0x3FFE];
	_ =	sdelay $0x1  }
0x8a: {  	s1 =	srdreg.scid  }
0x8b: {  	s0 =	sand.u32 $0x1, s1  }
0x8c: {  	s17 =	sshll.u32 s0, $0xA;
	s2 =	sadd.s32 s3, s2  }
0x8d: {  	s2 =	sadd.s32 s2, s17  }
0x8e: {  	[smem:$0x3FC0] =	sst s2  }
0x8f: {  	_ = 	snop  }
0x90: {  	s2 =	sld [smem:$0x3FD0];
	(tm) =	ssettm $0x1  }
0x91: {  	s18 =	sld [smem:$0x3FFB];
	_ =	sdelay $0x3  }
0x92: {  	_ =	strace s18  }
0x93: {  	s3 =	sld [smem:$0x3FFC];
	_ =	sdelay $0x3  }
0x94: {  	_ =	strace s3  }
0x95: {  	s3 =	sld [smem:$0x3FFD];
	_ =	sdelay $0x3  }
0x96: {  	_ =	strace s3  }
0x97: {  	_ =	strace $0x8FFFFFFF  }
0x98: {  	s19 =	sld [smem:$0x3FDB];
	_ =	sdelay $0x1  }
0x99: {  	s4 =	simm.s32 $_scs_section_size  }
0x9a: {  	s5 =	simm.s32 $_size__tile_overlayer_lowered;
	s6 =	simm.s32 $_tile_overlayer_lowered  }
0x9b: {  	s22 =	simm.s32 $0x1BFF;
	s21 =	sshll.u32 s6, $0x1;
	s3 =	sadd.s32 s4, s19  }
0x9c: {  	s7 =	simm.s32 $0x0;
	s20 =	sshll.u32 s5, $0x1;
	s5 =	sadd.s32 s21, s3  }
0x9d: {  	[timem:s7], [sflag:s22] =	dma.local [hbm:s5], s20  }
0x9e: {  	_ =	swait.ge [sflag:s22], s20  }
0x9f: {  	s4 =	ssub.s32 $0x0, s20;
	[sflag:s22] =	ssyncset.done $0x0  }
0xa0: {  	[sflag:s22] =	ssyncadd.s32 s4;
	_ =	sdelay $0x1  }
0xa1: {  	s23 =	simm.s32 $0x1B8B  }
0xa2: {  	_ =	swait.ge [sflag:s23], $0x1  }
0xa3: {  	[sflag:s23] =	ssyncset.done $0x0  }
0xa4: {  	s25 =	simm.s32 $0x1B8E;
	s24 =	sld [smem:$0x3FFE];
	[sflag:s23] =	ssyncadd.s32 $0xFFFFFFFF  }
0xa5: {  	s26 =	simm.s32 $execute0_lowered;
	[smem:$0x3FD2] =	sst s25  }
0xa6: {  	s5 =	sshll.u32 s26, $0x1;
	_ =	strace $0x80000046;
	[dreg:$0x1] =	wrdreg $0xFFFFFFFF  }
0xa7: {  	s28 =	simm.s32 $_size_execute0_lowered;
	s3 =	sadd.s32 s3, s5;
	[dreg:$0x0] =	wrdreg $0x0  }
0xa8: {  	s5 =	sshll.u32 s28, $0x1;
	[dreg:$0x2] =	wrdreg s3  }
0xa9: {  	[dreg:$0x3] =	wrdreg s5  }
0xaa: {  	[dreg:$0x4] =	wrdreg $0xC0  }
0xab: {  	_ =	task [dreg:s7], $0x5FFFF  }
0xac: {  	[dreg:$0x1] =	wrdreg $0xFFFFFFFF  }
0xad: {  	[dreg:$0x0] =	wrdreg $0x60  }
0xae: {  	[dreg:$0x2] =	wrdreg s2  }
0xaf: {  	[dreg:$0x3] =	wrdreg s24  }
0xb0: {  	[dreg:$0x4] =	wrdreg $0x9  }
0xb1: {  	_ =	task.clear_ibuf [dreg:s7], $0x5FFFF;
	_ =	strace $0x90000046  }
0xb2: {  	s29 =	simm.s32 $0x9;
	_ =	strace $0x80000048  }
0xb3: {  	_ =	swait.ge [sflag:s29], $0x1  }
0xb4: {  	[sflag:s29] =	ssyncadd.s32 $0xFFFFFFFF  }
0xb5: {  	_ =	strace $0x90000048  }
0xb6: {  	_ =	sfence  }
0xb7: {  	s30 =	sld [smem:$0x0];
	_ =	sdelay $0x2  }
0xb8: {  	s31 =	sshll.u32 s1, $0xD;
	s1 =	sshrl.u32 s1, $0x2  }
0xb9: {  	s3 =	sand.u32 $0x4000, s31;
	s1 =	sadd.s32 s1, s30  }
0xba: {  	s0 =	sor.u32 s3, s0;
	s1 =	sshll.u32 s1, $0x11  }
0xbb: {  	s0 =	sor.u32 s1, s0  }
0xbc: {  	s0 =	sadd.s32 $0x8F2B, s0  }
0xbd: {  	[sflag:s0] =	ssyncadd.remote.s32 $0x1  }
0xbe: {  	_ =	sfence.sel $0xFFFF  }
0xbf: {  	[dreg:$0x0] =	wrdreg $0xFFFFFFFF;
	(pc) =	sbr.abs _section_cstart, $3  }
0xc0: {  	[dreg:$0x1] =	wrdreg $0xFFFFFFFF  }
0xc1: {  	_ =	task.clear_ibuf [dreg:s7], $0x2FFFF;
	_ =	strace $0x9FFFFFFF  }
0xc2: {  	(tm) =	ssettm $0x7FFFFFFF  }
0xc3: {  	_ =	shalt  }
tec
execute0_lowered:
.L_overlay_start_1:
0x0: {  	(tag) =	ssettag $0x1  }
0x1: {  	s0 =	srdreg.scid;
	s5 =	rddreg [dreg:$0x0]  }
0x2: {  	s6 =	rddreg [dreg:$0x1];
	s4 =	sand.u32 $0x1, s0  }
0x3: {  	s2 =	simm.s32 $0x0;
	s0 =	stileid.u32;
	s1 =	sshll.u32 s4, $0x4  }
0x4: {  	s10 =	simm.s32 $0x400;
	s11 =	simm.s32 $0x0;
	s3 =	sor.u32 s0, s1  }
0x5: {  	[smem:$0x7FF] =	sst s2;
	s8 =	sshll.u32 s0, $0x7;
	s7 =	sshrl.u32 s3, $0x3  }
0x6: {  	s4 =	ssub.s32 $0x2, s4;
	s1 =	rddreg [dreg:$0x2];
	s7 =	smul.u32 $0x13C00, s7  }
0x7: {  	_ =	strace $0x80000047;
	s8 =	sand.u32 $0x380, s8;
	s9 =	smul.u32 $0x2800, s3  }
0x8: {  	s31 =	sshrl.u32 s4, $0x1;
	s3 =	sadd.s32 $0x2800, s6;
	s7 =	sor.u32 s8, s7  }
0x9: {  	s6 =	sadd.s32 s9, s6;
	s9 =	simm.s32 $0x80;
	s7 =	sshrl.u32 s7, $0x3  }
0xa: {  	s8 =	ssub.s32 s4, s31;
	s4 =	sadd.s32 s5, s7;
	s5 =	sadd.s32 $0x5000, s6  }
0xb: {  	v0 =	vimm.f32 $1.000000000e+00;
	s6 =	smax.u32 s8, $0x1;
	s7 =	simm.s32 $0x2780;
	s8 =	simm.s32 $0x1  }
.LBB2_1:
0xc: {  	[tilespmem:s7], [sflag:$0x1] =	stream.linear.gather [hbm4b:s3+s2], $0x14000, $0x38;
	[tilespmem:$0x16780] =	vst v63  }
0xd: {  	_ =	swait.ge [sflag:s8], $0x14000  }
0xe: {  	[sflag:s8] =	ssyncset.done $0x0  }
0xf: {  	[sflag:s8] =	ssyncadd.s32 $0xFFFEC000  }
0x10: {  	[tilespmem:s2], [sflag:$0x1] =	stream.strided.gather [hbm4b:s4+s9], $0x2780, s10, s9, $0x38;
	[tilespmem:$0x16780] =	vst v63  }
0x11: {  	_ =	swait.ge [sflag:s8], $0x2780  }
0x12: {  	[sflag:s8] =	ssyncset.done $0x0  }
0x13: {  	s13 =	simm.s32 $0x0;
	s12 =	simm.s32 $0x40;
	[sflag:s8] =	ssyncadd.s32 $0xFFFFD880  }
.LBB2_2:
0x14: {  	p0 =	sne.s32 s12, $0x9C00;
	v1 =	vld [tilespmem:s13+$0x0];
	_ =	sdelay $0x4  }
0x15: {  	v2 =	vshll.u32 v1, $0x3  }
0x16: {  	v1 =	vand.u32 $0xF, v1;
	v2 =	vand.u32 $0xFFFFFF80, v2  }
0x17: {  	v1 =	vor.u32 v1, v2  }
.Ltmp0:
0x18: {  	(pc) =	sbr.rel @p0 .LBB2_2-.Ltmp0, $2  }
0x19: {  	_ =	sdelay $0x2  }
0x1a: {  	s13 =	sshra.s32 s12, $0x2;
	s12 =	sadd.s32 $0x40, s12;
	[tilespmem:v1+s7+$0x0] =	vst.idx.add.f32.msk $0xffff, v0  }
0x1b: {  	v1 =	vld [tilespmem:s13+$0x0];
	_ =	sdelay $0x4  }
0x1c: {  	v2 =	vshll.u32 v1, $0x3  }
0x1d: {  	v1 =	vand.u32 $0xF, v1;
	v2 =	vand.u32 $0xFFFFFF80, v2  }
0x1e: {  	v1 =	vor.u32 v1, v2;
	_ =	sdelay $0x2  }
0x1f: {  	s11 =	sadd.s32 $0x1, s11  }
0x20: {  	p0 =	sne.s32 s11, s6  }
.Ltmp1:
0x21: {  	[tilespmem:v1+s7+$0x0] =	vst.idx.add.f32.msk $0xffff, v0;
	(pc) =	sbr.rel @p0 .LBB2_1-.Ltmp1, $4  }
0x22: {  	[hbm4b:s5+s2] =	stream.linear.scatter [tilespmem:s7], [sflag:$0x1], $0x14000, $0x38;
	[tilespmem:$0x16780] =	vst v63  }
0x23: {  	_ =	swait.ge [sflag:s8], $0x14000  }
0x24: {  	[sflag:s8] =	ssyncset.done $0x0  }
0x25: {  	[sflag:s8] =	ssyncadd.s32 $0xFFFEC000  }
0x26: {  	_ =	sfence.sel $0x180000  }
0x27: {  	[bflag:$0x0] =	sbarrier.arrive $0xFFFF  }
0x28: {  	p0 =	sne.s32 s0, $0x0;
	_ =	strace $0x90000047  }
0x29: {  	s0 =	sadd.s32 @!p0 $0x100000, s1;
	[bflag:$0x2] =	sbarrier.arrive $0xFFFF  }
0x2a: {  	[sflag:s0] =	ssyncadd.tile.s32 @!p0 $0x1;
	_ =	shalt  }
.Lfunc_end2:
_tile_overlayer_lowered:
.L_overlay_start_2:
0x2b: {  	(tag) =	ssettag $0x2  }
0x2c: {  	s0 =	rddreg [dreg:$0x0];
	s2 =	stileid.u32  }
0x2d: {  	s1 =	rddreg [dreg:$0x1];
	p0 =	sne.s32 s2, $0x0  }
0x2e: {  	s3 =	rddreg [dreg:$0x2];
	[bflag:$0x3] =	sbarrier.arrive $0xFFFF;
	s2 =	simm.s32 @!p0 $0x1C01  }
0x2f: {  	[timem:s3], [sflag:s2] =	dma.local @!p0 [hbm:s0], s1  }
0x30: {  	s0 =	simm.s32 @!p0 $0x1  }
0x31: {  	_ =	swait.ge @!p0 [sflag:s0], s1  }
0x32: {  	s1 =	ssub.s32 @!p0 $0x0, s1;
	[sflag:s0] =	ssyncset.done @!p0 $0x0  }
0x33: {  	[sflag:s0] =	ssyncadd.s32 @!p0 s1  }
0x34: {  	[bflag:$0x3] =	sbarrier.arrive $0xFFFF  }
0x35: {  	_ =	shalt  }

// kernel: kernel.14.cloned.1.call-start
scs
__scs_entry_jumppad:
0x0: {  	(pc) =	sbr.rel $0x88, $3  }
0x1: {  	(tag) =	ssettag $0x0;
	lr =	simm.s32 $0x1  }
0x2: {  	[smem:$0x3F99] =	sst lr;
	_ =	strace $0xD0000000  }
0x3: {  	_ = 	snop  }
0x4: {  	_ = 	snop  }
0x5: {  	_ = 	snop  }
0x6: {  	_ = 	snop  }
0x7: {  	_ = 	snop  }
__scs_overlays_trampoline_lowered:
0x8: {  	[smem:$0x3FA8] =	sst s0  }
0x9: {  	[smem:$0x3FA9] =	sst s1  }
0xa: {  	[smem:$0x3FAA] =	sst s2  }
0xb: {  	[smem:$0x3FAB] =	sst s3  }
0xc: {  	[smem:$0x3FAC] =	sst s4  }
0xd: {  	[smem:$0x3FAD] =	sst s5  }
0xe: {  	[smem:$0x3FAE] =	sst s6  }
0xf: {  	[smem:$0x3FAF] =	sst s7  }
0x10: {  	[smem:$0x3FB0] =	sst s8  }
0x11: {  	[smem:$0x3FB1] =	sst s9;
	s0 =	simm.s32 @!p0 $0x0  }
0x12: {  	s1 =	sld [smem:$0x3F97];
	s0 =	simm.s32 @p0 $0x1  }
0x13: {  	[smem:$0x3FB2] =	sst s0;
	s0 =	simm.s32 @!p1 $0x0  }
0x14: {  	s2 =	sld [smem:$0x3F96];
	s0 =	simm.s32 @p1 $0x1  }
0x15: {  	[smem:$0x3FB3] =	sst s0;
	s0 =	simm.s32 @!p2 $0x0  }
0x16: {  	s3 =	sld [smem:$0x3FDB];
	s0 =	simm.s32 @p2 $0x1  }
0x17: {  	s4 =	simm.s32 $0x1BF5;
	[smem:$0x3FB5] =	sst s0  }
0x18: {  	s0 =	sld [smem:$0x3F98];
	_ =	swait.ge [sflag:s4], $0x0  }
0x19: {  	s7 =	sld [smem:$0x3F99]  }
0x1a: {  	s8 =	sadd.s32 $0xFFFFE003, lr  }
0x1b: {  	s9 =	sadd.s32 $0xFFFFFEF7, lr;
	s5 =	simm.s32 $0xFFFFFFFF;
	p2 =	slt.u32 s8, $0xFFFFF086  }
0x1c: {  	p1 =	slt.u32 s9, $0xF7A;
	s5 =	simm.s32 @!p2 $0x0  }
0x1d: {  	s5 =	simm.s32 @p1 $0x1;
	p0 =	seq.s32 s7, s2  }
0x1e: {  	s7 =	smul.u32 @!p0 $0xF7A, s2;
	p2 =	seq.s32 @!p0 s5, $0x0  }
0x1f: {  	s9 =	smul.u32 $0xF7A, s1;
	s8 =	simm.s32 @!p0 $0x1BF5;
	p2 =	por !p2, p0  }
0x20: {  	[sflag:s8] =	ssyncset.s32 @!p0 $0xFFFFF086;
	s6 =	sadd.s32 @!p0 s3, s7;
	s7 =	simm.s32 @!p0 $0x108  }
0x21: {  	s3 =	sadd.s32 s3, s9;
	s6 =	sadd.s32 @!p0 $0x88, s6;
	s7 =	simm.s32 @p2 $0x1082  }
0x22: {  	[simem:s7], [sflag:s8] =	dma.local @!p0 [hbm:s6], $0xF7A  }
0x23: {  	s9 =	sor.u32 $0xD0000000, s2;
	s6 =	simm.s32 $0x108;
	_ =	swait.ge @!p0 [sflag:s8], $0x0  }
0x24: {  	s3 =	sadd.s32 $0x88, s3;
	s6 =	simm.s32 @!p1 $0x1082;
	[sflag:s4] =	ssyncset.s32 $0xFFFFF086  }
0x25: {  	[simem:s6], [sflag:s4] =	dma.local [hbm:s3], $0xF7A  }
0x26: {  	[smem:$0x3F99] =	sst s1;
	(tag) =	ssettag s2;
	_ =	strace s9  }
0x27: {  	s1 =	sld [smem:$0x3FA9]  }
0x28: {  	s2 =	sld [smem:$0x3FAA]  }
0x29: {  	s4 =	sld [smem:$0x3FAC]  }
0x2a: {  	p0 =	seq.s32 s5, $0x0;
	s5 =	sld [smem:$0x3FAD]  }
0x2b: {  	s6 =	sld [smem:$0x3FAE]  }
0x2c: {  	s7 =	sld [smem:$0x3FAF]  }
0x2d: {  	s3 =	simm.s32 $0x108;
	s8 =	sld [smem:$0x3FB0]  }
0x2e: {  	s3 =	simm.s32 @!p0 $0x1082;
	s9 =	sld [smem:$0x3FB1]  }
0x2f: {  	lr =	sadd.s32 s0, s3;
	s0 =	sld [smem:$0x3FA8]  }
0x30: {  	s3 =	sld [smem:$0x3FAB]  }
0x31: {  	[smem:$0x3FB4] =	sst s10  }
0x32: {  	s10 =	sld [smem:$0x3FB2];
	_ =	sdelay $0x3  }
0x33: {  	p0 =	seq.s32 s10, $0x1;
	s10 =	sld [smem:$0x3FB4];
	_ =	sdelay $0x3  }
0x34: {  	[smem:$0x3FB4] =	sst s10  }
0x35: {  	s10 =	sld [smem:$0x3FB3];
	_ =	sdelay $0x3  }
0x36: {  	p1 =	seq.s32 s10, $0x1;
	s10 =	sld [smem:$0x3FB4];
	_ =	sdelay $0x3  }
0x37: {  	[smem:$0x3FB4] =	sst s10  }
0x38: {  	s10 =	sld [smem:$0x3FB5]  }
0x39: {  	_ = 	snop;
	(pc) =	sbr.ind lr, $3  }
0x3a: {  	_ = 	snop  }
0x3b: {  	_ = 	snop  }
0x3c: {  	p2 =	seq.s32 s10, $0x1;
	s10 =	sld [smem:$0x3FB4]  }
0x3d: {  	_ =	shalt  }
0x3e: {  	_ =	shalt  }
0x3f: {  	_ =	shalt  }
0x40: {  	_ =	shalt  }
0x41: {  	_ =	shalt  }
0x42: {  	_ =	shalt  }
0x43: {  	_ =	shalt  }
0x44: {  	_ =	shalt  }
0x45: {  	_ =	shalt  }
0x46: {  	_ =	shalt  }
0x47: {  	_ =	shalt  }
0x48: {  	_ =	shalt  }
0x49: {  	_ =	shalt  }
0x4a: {  	_ =	shalt  }
0x4b: {  	_ =	shalt  }
0x4c: {  	_ =	shalt  }
0x4d: {  	_ =	shalt  }
0x4e: {  	_ =	shalt  }
0x4f: {  	_ =	shalt  }
0x50: {  	_ =	shalt  }
0x51: {  	_ =	shalt  }
0x52: {  	_ =	shalt  }
0x53: {  	_ =	shalt  }
0x54: {  	_ =	shalt  }
0x55: {  	_ =	shalt  }
0x56: {  	_ =	shalt  }
0x57: {  	_ =	shalt  }
0x58: {  	_ =	shalt  }
0x59: {  	_ =	shalt  }
0x5a: {  	_ =	shalt  }
0x5b: {  	_ =	shalt  }
0x5c: {  	_ =	shalt  }
0x5d: {  	_ =	shalt  }
0x5e: {  	_ =	shalt  }
0x5f: {  	_ =	shalt  }
0x60: {  	_ =	shalt  }
0x61: {  	_ =	shalt  }
0x62: {  	_ =	shalt  }
0x63: {  	_ =	shalt  }
0x64: {  	_ =	shalt  }
0x65: {  	_ =	shalt  }
0x66: {  	_ =	shalt  }
0x67: {  	_ =	shalt  }
0x68: {  	_ =	shalt  }
0x69: {  	_ =	shalt  }
0x6a: {  	_ =	shalt  }
0x6b: {  	_ =	shalt  }
0x6c: {  	_ =	shalt  }
0x6d: {  	_ =	shalt  }
0x6e: {  	_ =	shalt  }
0x6f: {  	_ =	shalt  }
0x70: {  	_ =	shalt  }
0x71: {  	_ =	shalt  }
0x72: {  	_ =	shalt  }
0x73: {  	_ =	shalt  }
0x74: {  	_ =	shalt  }
0x75: {  	_ =	shalt  }
0x76: {  	_ =	shalt  }
0x77: {  	_ =	shalt  }
0x78: {  	_ =	shalt  }
0x79: {  	_ =	shalt  }
0x7a: {  	_ =	shalt  }
0x7b: {  	_ =	shalt  }
0x7c: {  	_ =	shalt  }
0x7d: {  	_ =	shalt  }
0x7e: {  	_ =	shalt  }
0x7f: {  	_ =	shalt  }
0x80: {  	_ =	shalt  }
0x81: {  	_ =	shalt  }
0x82: {  	_ =	shalt  }
0x83: {  	_ =	shalt  }
0x84: {  	_ =	shalt  }
0x85: {  	_ =	shalt  }
0x86: {  	_ =	shalt  }
0x87: {  	_ =	shalt  }
.Lfunc_end0:
.L_simem_size_0:
called_computation.1_lowered:
.L_overlay_start_0:
0x88: {  	s2 =	sld [smem:$0x3FD9]  }
0x89: {  	s3 =	sld [smem:$0x3FFE];
	_ =	sdelay $0x1  }
0x8a: {  	s1 =	srdreg.scid  }
0x8b: {  	s0 =	sand.u32 $0x1, s1  }
0x8c: {  	s17 =	sshll.u32 s0, $0xA;
	s2 =	sadd.s32 s3, s2  }
0x8d: {  	s2 =	sadd.s32 s2, s17  }
0x8e: {  	[smem:$0x3FC0] =	sst s2  }
0x8f: {  	_ = 	snop  }
0x90: {  	s2 =	sld [smem:$0x3FD0];
	(tm) =	ssettm $0x1  }
0x91: {  	s18 =	sld [smem:$0x3FFB];
	_ =	sdelay $0x3  }
0x92: {  	_ =	strace s18  }
0x93: {  	s3 =	sld [smem:$0x3FFC];
	_ =	sdelay $0x3  }
0x94: {  	_ =	strace s3  }
0x95: {  	s3 =	sld [smem:$0x3FFD];
	_ =	sdelay $0x3  }
0x96: {  	_ =	strace s3  }
0x97: {  	_ =	strace $0x8FFFFFFF  }
0x98: {  	s19 =	sld [smem:$0x3FDB];
	_ =	sdelay $0x1  }
0x99: {  	s4 =	simm.s32 $_scs_section_size  }
0x9a: {  	s5 =	simm.s32 $_size__tile_overlayer_lowered;
	s6 =	simm.s32 $_tile_overlayer_lowered  }
0x9b: {  	s22 =	simm.s32 $0x1BFF;
	s21 =	sshll.u32 s6, $0x1;
	s3 =	sadd.s32 s4, s19  }
0x9c: {  	s7 =	simm.s32 $0x0;
	s20 =	sshll.u32 s5, $0x1;
	s5 =	sadd.s32 s21, s3  }
0x9d: {  	[timem:s7], [sflag:s22] =	dma.local [hbm:s5], s20  }
0x9e: {  	_ =	swait.ge [sflag:s22], s20  }
0x9f: {  	s4 =	ssub.s32 $0x0, s20;
	[sflag:s22] =	ssyncset.done $0x0  }
0xa0: {  	[sflag:s22] =	ssyncadd.s32 s4;
	_ =	sdelay $0x1  }
0xa1: {  	s23 =	simm.s32 $0x1B8B  }
0xa2: {  	_ =	swait.ge [sflag:s23], $0x1  }
0xa3: {  	[sflag:s23] =	ssyncset.done $0x0  }
0xa4: {  	s25 =	simm.s32 $0x1B8E;
	s24 =	sld [smem:$0x3FFE];
	[sflag:s23] =	ssyncadd.s32 $0xFFFFFFFF  }
0xa5: {  	s26 =	simm.s32 $execute0_lowered;
	[smem:$0x3FD2] =	sst s25  }
0xa6: {  	s5 =	sshll.u32 s26, $0x1;
	_ =	strace $0x80000049;
	[dreg:$0x1] =	wrdreg $0xFFFFFFFF  }
0xa7: {  	s28 =	simm.s32 $_size_execute0_lowered;
	s3 =	sadd.s32 s3, s5;
	[dreg:$0x0] =	wrdreg $0x0  }
0xa8: {  	s5 =	sshll.u32 s28, $0x1;
	[dreg:$0x2] =	wrdreg s3  }
0xa9: {  	[dreg:$0x3] =	wrdreg s5  }
0xaa: {  	[dreg:$0x4] =	wrdreg $0xC0  }
0xab: {  	_ =	task [dreg:s7], $0x5FFFF  }
0xac: {  	[dreg:$0x1] =	wrdreg $0xFFFFFFFF  }
0xad: {  	[dreg:$0x0] =	wrdreg $0x60  }
0xae: {  	[dreg:$0x2] =	wrdreg s24  }
0xaf: {  	[dreg:$0x3] =	wrdreg s2  }
0xb0: {  	[dreg:$0x4] =	wrdreg $0xB9800  }
0xb1: {  	[dreg:$0x5] =	wrdreg $0x9  }
0xb2: {  	_ =	task.clear_ibuf [dreg:s7], $0x6FFFF;
	_ =	strace $0x90000049  }
0xb3: {  	s29 =	simm.s32 $0x9;
	_ =	strace $0x8000004B  }
0xb4: {  	_ =	swait.ge [sflag:s29], $0x1  }
0xb5: {  	[sflag:s29] =	ssyncadd.s32 $0xFFFFFFFF  }
0xb6: {  	_ =	strace $0x9000004B  }
0xb7: {  	_ =	sfence  }
0xb8: {  	s30 =	sld [smem:$0x0];
	_ =	sdelay $0x2  }
0xb9: {  	s31 =	sshll.u32 s1, $0xD;
	s1 =	sshrl.u32 s1, $0x2  }
0xba: {  	s3 =	sand.u32 $0x4000, s31;
	s1 =	sadd.s32 s1, s30  }
0xbb: {  	s0 =	sor.u32 s3, s0;
	s1 =	sshll.u32 s1, $0x11  }
0xbc: {  	s0 =	sor.u32 s1, s0  }
0xbd: {  	s0 =	sadd.s32 $0x8F2B, s0  }
0xbe: {  	[sflag:s0] =	ssyncadd.remote.s32 $0x1  }
0xbf: {  	_ =	sfence.sel $0xFFFF  }
0xc0: {  	[dreg:$0x0] =	wrdreg $0xFFFFFFFF;
	(pc) =	sbr.abs _section_cstart, $3  }
0xc1: {  	[dreg:$0x1] =	wrdreg $0xFFFFFFFF  }
0xc2: {  	_ =	task.clear_ibuf [dreg:s7], $0x2FFFF;
	_ =	strace $0x9FFFFFFF  }
0xc3: {  	(tm) =	ssettm $0x7FFFFFFF  }
tec
execute0_lowered:
.L_overlay_start_1:
0x0: {  	(tag) =	ssettag $0x1  }
0x1: {  	s0 =	rddreg [dreg:$0x0];
	s1 =	srdreg.scid  }
0x2: {  	s3 =	rddreg [dreg:$0x2];
	s12 =	stileid.u32  }
0x3: {  	s4 =	simm.s32 $0x0;
	s15 =	simm.s32 $0xA;
	s16 =	simm.s32 $0x80  }
0x4: {  	s17 =	simm.s32 $0x100;
	s28 =	simm.s32 $0x2;
	s30 =	simm.s32 $0x6  }
0x5: {  	s31 =	simm.s32 $0x4;
	s29 =	simm.s32 $0x3;
	s1 =	sand.u32 $0x1, s1  }
0x6: {  	s5 =	sshll.u32 s12, $0xE;
	[smem:$0x7FF] =	sst s4;
	s9 =	smul.u32 $0x13C00, s12  }
0x7: {  	s6 =	sadd.s32 $0x65000, s0;
	s7 =	sadd.s32 $0x2800, s0;
	s11 =	smul.u32 $0x4F000, s12  }
0x8: {  	s26 =	sshll.u32 s12, $0x6;
	s2 =	sshll.u32 s1, $0x12;
	s19 =	smul.u32 $0x13C000, s1  }
0x9: {  	_ =	strace $0x8000004A;
	s1 =	ssub.s32 $0x2, s1;
	s18 =	sor.u32 $0x1C0A, s26  }
0xa: {  	s26 =	simm.s32 $0x9180;
	s5 =	sor.u32 s5, s2;
	s20 =	sshrl.u32 s1, $0x1  }
0xb: {  	s23 =	sshrl.u32 s11, $0x2;
	s8 =	sshrl.u32 s5, $0x3;
	s2 =	sadd.s32 s9, s19  }
0xc: {  	s1 =	ssub.s32 s1, s20;
	s20 =	simm.s32 $0x7;
	s10 =	sadd.s32 s8, s0  }
0xd: {  	s2 =	sshrl.u32 s2, $0x3;
	s8 =	sadd.s32 s6, s8;
	s25 =	smax.u32 s1, $0x1  }
0xe: {  	s1 =	simm.s32 $0x9;
	s0 =	sadd.s32 s2, s0;
	s21 =	sadd.s32 $0x55000, s10  }
0xf: {  	s22 =	sadd.s32 $0x10, s8;
	s24 =	sadd.s32 $0x20, s8;
	[dreg:$0x8] =	wrdreg s25  }
.Ltmp0:
0x10: {  	s2 =	sadd.s32 s23, s3;
	[dreg:$0x4] =	wrdreg s21;
	(pc) =	sbr.rel .LBB2_1-.Ltmp0, $4  }
0x11: {  	s23 =	simm.s32 $0x8;
	s25 =	simm.s32 $0x1;
	[dreg:$0x5] =	wrdreg s22  }
0x12: {  	[dreg:$0x6] =	wrdreg s24;
	s0 =	sadd.s32 $0x75000, s0;
	s19 =	sshrl.u32 s2, $0x3  }
0x13: {  	s21 =	simm.s32 $0x50;
	s22 =	simm.s32 $0x4180;
	s24 =	simm.s32 $0x6980  }
0x14: {  	s2 =	simm.s32 $0x0;
	[dreg:$0x7] =	wrdreg s0;
	s0 =	simm.s32 $0x5  }
.LBB2_6:
0x15: {  	s9 =	simm.s32 $0x3F00  }
0x16: {  	[spmem:s3] =	stream.indirect.scatter.add.f32 [tilespmem:s22], [sflag:$0x4], $0x80, s9, s21, $0xb8;
	[tilespmem:$0x1F580] =	vst v63  }
0x17: {  	_ =	swait.ge [sflag:s28], $0x2800  }
0x18: {  	[sflag:s28] =	ssyncset.done $0x0  }
0x19: {  	s14 =	simm.s32 $0x3F80;
	[sflag:s28] =	ssyncadd.s32 $0xFFFFD800  }
0x1a: {  	[spmem:s3] =	stream.indirect.scatter.add.f32 [tilespmem:s24], [sflag:$0x5], $0x80, s14, s21, $0xb8;
	[tilespmem:$0x1F580] =	vst v63  }
.LBB2_4:
0x1b: {  	_ =	swait.ge [sflag:s30], $0x2800  }
0x1c: {  	[sflag:s30] =	ssyncset.done $0x0  }
0x1d: {  	[sflag:s30] =	ssyncadd.s32 $0xFFFFD800  }
0x1e: {  	_ =	swait.ge [sflag:s31], $0x2800  }
0x1f: {  	[sflag:s31] =	ssyncset.done $0x0  }
0x20: {  	[sflag:s31] =	ssyncadd.s32 $0xFFFFD800  }
0x21: {  	_ =	swait.ge [sflag:s0], $0x2800  }
0x22: {  	[sflag:s0] =	ssyncset.done $0x0  }
0x23: {  	[sflag:s0] =	ssyncadd.s32 $0xFFFFD800  }
0x24: {  	[bflag:$0x0] =	sbarrier.arrive $0xFFFF  }
0x25: {  	s9 =	rddreg [dreg:$0x7]  }
0x26: {  	[hbm:s9], [sflag:s18] =	dma.local [spmem:s19], $0x2780  }
0x27: {  	_ =	swait.ge [sflag:s15], $0x2780  }
0x28: {  	s2 =	sadd.s32 $0x1, s2;
	s14 =	rddreg [dreg:$0x8]  }
0x29: {  	p0 =	sne.s32 s2, s14  }
.Ltmp1:
0x2a: {  	_ = 	snop;
	(pc) =	sbr.rel @!p0 .LBB2_5-.Ltmp1, $3  }
0x2b: {  	_ =	sdelay $0x1  }
0x2c: {  	[sflag:s15] =	ssyncset.done $0x0  }
0x2d: {  	[sflag:s15] =	ssyncadd.s32 $0xFFFFD880  }
.LBB2_1:
0x2e: {  	s9 =	rddreg [dreg:$0x4];
	s10 =	simm.s32 $0x180  }
0x2f: {  	[tilespmem:s10], [sflag:$0xA] =	stream.linear.gather [hbm4b:s9+s4], $0x3E80, $0x38;
	[tilespmem:$0x1F580] =	vst v63  }
0x30: {  	_ =	swait.ge [sflag:s15], $0x3E80  }
0x31: {  	[sflag:s15] =	ssyncset.done $0x0  }
0x32: {  	s12 =	rddreg [dreg:$0x5];
	[sflag:s15] =	ssyncadd.s32 $0xFFFFC180  }
0x33: {  	[tilespmem:s4], [sflag:$0x7] =	stream.linear.gather [hbm4b:s8+s4], $0x80, $0x38;
	[tilespmem:$0x1F580] =	vst v63  }
0x34: {  	s13 =	rddreg [dreg:$0x6]  }
0x35: {  	[tilespmem:s16], [sflag:$0x8] =	stream.linear.gather [hbm4b:s12+s4], $0x80, $0x38;
	[tilespmem:$0x1F580] =	vst v63  }
0x36: {  	s14 =	rddreg [dreg:$0x1]  }
0x37: {  	[tilespmem:s17], [sflag:$0x9] =	stream.linear.gather [hbm4b:s13+s4], $0x80, $0x38;
	[tilespmem:$0x1F580] =	vst v63  }
0x38: {  	[spmem:s19], [sflag:s18] =	dma.local [hbm:s14], $0x2780  }
0x39: {  	_ =	swait.ge [sflag:s15], $0x2780  }
0x3a: {  	[sflag:s15] =	ssyncset.done $0x0  }
0x3b: {  	[sflag:s15] =	ssyncadd.s32 $0xFFFFD880  }
0x3c: {  	[bflag:$0x0] =	sbarrier.arrive $0xFFFF  }
0x3d: {  	_ =	swait.ge [sflag:s20], $0x80  }
0x3e: {  	[sflag:s20] =	ssyncset.done $0x0  }
0x3f: {  	[sflag:s20] =	ssyncadd.s32 $0xFFFFFF80  }
0x40: {  	[tilespmem:s22], [sflag:$0x1] =	stream.indirect.gather [hbm4b:s7+s21], $0x80, s4, s21, $0xb8;
	[tilespmem:$0x1F580] =	vst v63  }
0x41: {  	_ =	swait.ge [sflag:s23], $0x80  }
0x42: {  	s9 =	simm.s32 $0x200;
	[sflag:s23] =	ssyncset.done $0x0  }
0x43: {  	s10 =	simm.s32 $0x0;
	s14 =	simm.s32 $0x280;
	[sflag:s23] =	ssyncadd.s32 $0xFFFFFF80  }
0x44: {  	[tilespmem:s24], [sflag:$0x2] =	stream.indirect.gather [hbm4b:s7+s21], $0x80, s16, s21, $0xb8;
	[tilespmem:$0x1F580] =	vst v63  }
.LBB2_2:
0x45: {  	p0 =	seq.s32 s14, $0x4000  }
.Ltmp2:
0x46: {  	_ = 	snop;
	(pc) =	sbr.rel @p0 .LBB2_6-.Ltmp2, $4  }
0x47: {  	_ = 	snop  }
0x48: {  	_ =	swait.ge [sflag:s25], $0x2800  }
0x49: {  	[sflag:s25] =	ssyncset.done $0x0  }
0x4a: {  	[sflag:s25] =	ssyncadd.s32 $0xFFFFD800  }
0x4b: {  	s11 =	sadd.s32 $0xFFFFFF00, s14  }
0x4c: {  	s12 =	sand.u32 $0xFC00, s11  }
0x4d: {  	s11 =	sand.u32 $0x380, s11;
	s12 =	sadd.s32 s5, s12  }
0x4e: {  	s11 =	sor.u32 s11, s12  }
0x4f: {  	s11 =	sshrl.u32 s11, $0x3  }
0x50: {  	p0 =	seq.s32 s14, $0x280;
	s11 =	sadd.s32 s6, s11  }
0x51: {  	[tilespmem:s4], [sflag:$0x7] =	stream.linear.gather [hbm4b:s11+s4], $0x80, $0x38;
	[tilespmem:$0x1F580] =	vst v63  }
0x52: {  	s12 =	sadd.s32 $0xFFFFFF80, s9;
	s11 =	simm.s32 @!p0 $0x6  }
0x53: {  	[spmem:s3] =	stream.indirect.scatter.add.f32 [tilespmem:s22], [sflag:$0x4], $0x80, s12, s21, $0xb8;
	[tilespmem:$0x1F580] =	vst v63  }
0x54: {  	_ =	swait.ge @!p0 [sflag:s11], $0x2800  }
0x55: {  	[sflag:s11] =	ssyncset.done @!p0 $0x0  }
0x56: {  	[sflag:s11] =	ssyncadd.s32 @!p0 $0xFFFFD800  }
0x57: {  	s11 =	sadd.s32 $0xFFFFFF80, s14;
	_ =	swait.ge [sflag:s1], $0x80  }
0x58: {  	s13 =	sand.u32 $0xFC00, s11;
	[sflag:s1] =	ssyncset.done $0x0  }
0x59: {  	s11 =	sand.u32 $0x380, s11;
	s12 =	sadd.s32 s5, s13;
	[sflag:s1] =	ssyncadd.s32 $0xFFFFFF80  }
0x5a: {  	[tilespmem:s26], [sflag:$0x3] =	stream.indirect.gather [hbm4b:s7+s21], $0x80, s17, s21, $0xb8;
	[tilespmem:$0x1F580] =	vst v63  }
0x5b: {  	s11 =	sor.u32 s11, s12;
	_ =	swait.ge [sflag:s28], $0x2800  }
0x5c: {  	s11 =	sshrl.u32 s11, $0x3;
	[sflag:s28] =	ssyncset.done $0x0  }
0x5d: {  	s11 =	sadd.s32 s6, s11;
	[sflag:s28] =	ssyncadd.s32 $0xFFFFD800  }
0x5e: {  	[tilespmem:s16], [sflag:$0x8] =	stream.linear.gather [hbm4b:s11+s4], $0x80, $0x38;
	[tilespmem:$0x1F580] =	vst v63  }
0x5f: {  	_ = 	snop  }
0x60: {  	[spmem:s3] =	stream.indirect.scatter.add.f32 [tilespmem:s24], [sflag:$0x5], $0x80, s9, s21, $0xb8;
	[tilespmem:$0x1F580] =	vst v63  }
0x61: {  	_ =	swait.ge [sflag:s31], $0x2800  }
0x62: {  	[sflag:s31] =	ssyncset.done $0x0  }
0x63: {  	[sflag:s31] =	ssyncadd.s32 $0xFFFFD800  }
0x64: {  	p0 =	slt.u32 s10, $0x28;
	_ =	swait.ge [sflag:s20], $0x80  }
0x65: {  	s11 =	sand.u32 @p0 $0xFC00, s14;
	[sflag:s20] =	ssyncset.done $0x0  }
0x66: {  	s12 =	sand.u32 @p0 $0x380, s14;
	s11 =	sadd.s32 @p0 s5, s11;
	[sflag:s20] =	ssyncadd.s32 $0xFFFFFF80  }
0x67: {  	[tilespmem:s22], [sflag:$0x1] =	stream.indirect.gather [hbm4b:s7+s21], $0x80, s4, s21, $0xb8;
	[tilespmem:$0x1F580] =	vst v63  }
0x68: {  	s11 =	sor.u32 @p0 s12, s11;
	_ =	swait.ge [sflag:s29], $0x2800  }
0x69: {  	s13 =	simm.s32 @p0 $0x100;
	s11 =	sshrl.u32 @p0 s11, $0x3;
	[sflag:s29] =	ssyncset.done $0x0  }
0x6a: {  	s12 =	simm.s32 @p0 $0x0;
	s11 =	sadd.s32 @p0 s6, s11;
	[sflag:s29] =	ssyncadd.s32 $0xFFFFD800  }
0x6b: {  	[tilespmem:s13], [sflag:$0x9] =	stream.linear.gather @p0 [hbm4b:s11+s12], $0x80, $0x38;
	[tilespmem:$0x1F580] =	vst v63  }
0x6c: {  	s13 =	sadd.s32 $0x80, s9  }
0x6d: {  	[spmem:s3] =	stream.indirect.scatter.add.f32 [tilespmem:s26], [sflag:$0x6], $0x80, s13, s21, $0xb8;
	[tilespmem:$0x1F580] =	vst v63  }
0x6e: {  	s14 =	sadd.s32 $0x180, s14;
	_ =	swait.ge [sflag:s0], $0x2800  }
0x6f: {  	p0 =	sne.s32 s14, $0x4180;
	[sflag:s0] =	ssyncset.done $0x0  }
.Ltmp3:
0x70: {  	[sflag:s0] =	ssyncadd.s32 $0xFFFFD800;
	(pc) =	sbr.rel @p0 .LBB2_2-.Ltmp3, $4  }
.Ltmp4:
0x71: {  	_ =	swait.ge [sflag:s23], $0x80;
	(pc) =	sbr.rel @!p0 .LBB2_4-.Ltmp4, $4  }
0x72: {  	[sflag:s23] =	ssyncset.done $0x0  }
0x73: {  	s10 =	sadd.s32 $0x1, s10;
	s9 =	sadd.s32 $0x180, s9;
	[sflag:s23] =	ssyncadd.s32 $0xFFFFFF80  }
0x74: {  	[tilespmem:s24], [sflag:$0x2] =	stream.indirect.gather [hbm4b:s7+s21], $0x80, s16, s21, $0xb8;
	[tilespmem:$0x1F580] =	vst v63  }
0x75: {  	_ = 	snop  }
.LBB2_5:
0x76: {  	_ =	sfence.sel $0x180000  }
0x77: {  	[bflag:$0x0] =	sbarrier.arrive $0xFFFF  }
0x78: {  	_ =	strace $0x9000004A  }
0x79: {  	s0 =	stileid.u32;
	[bflag:$0x2] =	sbarrier.arrive $0xFFFF  }
0x7a: {  	p0 =	sne.s32 s0, $0x0;
	s0 =	rddreg [dreg:$0x3]  }
0x7b: {  	s0 =	sadd.s32 @!p0 $0x100000, s0  }
0x7c: {  	[sflag:s0] =	ssyncadd.tile.s32 @!p0 $0x1;
	_ =	shalt  }
.Lfunc_end2:
_tile_overlayer_lowered:
.L_overlay_start_2:
0x7d: {  	(tag) =	ssettag $0x2  }
0x7e: {  	s0 =	rddreg [dreg:$0x0];
	s2 =	stileid.u32  }
0x7f: {  	s1 =	rddreg [dreg:$0x1];
	p0 =	sne.s32 s2, $0x0  }
0x80: {  	s3 =	rddreg [dreg:$0x2];
	[bflag:$0x3] =	sbarrier.arrive $0xFFFF;
	s2 =	simm.s32 @!p0 $0x1C0A  }
0x81: {  	[timem:s3], [sflag:s2] =	dma.local @!p0 [hbm:s0], s1  }
0x82: {  	s0 =	simm.s32 @!p0 $0xA  }
0x83: {  	_ =	swait.ge @!p0 [sflag:s0], s1  }
0x84: {  	s1 =	ssub.s32 @!p0 $0x0, s1;
	[sflag:s0] =	ssyncset.done @!p0 $0x0  }
0x85: {  	[sflag:s0] =	ssyncadd.s32 @!p0 s1  }
0x86: {  	[bflag:$0x3] =	sbarrier.arrive $0xFFFF  }
0x87: {  	_ =	shalt  }

// kernel: kernel.17.cloned.1.call-start
scs
__scs_entry_jumppad:
0x0: {  	(pc) =	sbr.rel $0x88, $3  }
0x1: {  	(tag) =	ssettag $0x0;
	lr =	simm.s32 $0x1  }
0x2: {  	[smem:$0x3F99] =	sst lr;
	_ =	strace $0xD0000000  }
0x3: {  	_ = 	snop  }
0x4: {  	_ = 	snop  }
0x5: {  	_ = 	snop  }
0x6: {  	_ = 	snop  }
0x7: {  	_ = 	snop  }
__scs_overlays_trampoline_lowered:
0x8: {  	[smem:$0x3FA8] =	sst s0  }
0x9: {  	[smem:$0x3FA9] =	sst s1  }
0xa: {  	[smem:$0x3FAA] =	sst s2  }
0xb: {  	[smem:$0x3FAB] =	sst s3  }
0xc: {  	[smem:$0x3FAC] =	sst s4  }
0xd: {  	[smem:$0x3FAD] =	sst s5  }
0xe: {  	[smem:$0x3FAE] =	sst s6  }
0xf: {  	[smem:$0x3FAF] =	sst s7  }
0x10: {  	[smem:$0x3FB0] =	sst s8  }
0x11: {  	[smem:$0x3FB1] =	sst s9;
	s0 =	simm.s32 @!p0 $0x0  }
0x12: {  	s1 =	sld [smem:$0x3F97];
	s0 =	simm.s32 @p0 $0x1  }
0x13: {  	[smem:$0x3FB2] =	sst s0;
	s0 =	simm.s32 @!p1 $0x0  }
0x14: {  	s2 =	sld [smem:$0x3F96];
	s0 =	simm.s32 @p1 $0x1  }
0x15: {  	[smem:$0x3FB3] =	sst s0;
	s0 =	simm.s32 @!p2 $0x0  }
0x16: {  	s3 =	sld [smem:$0x3FDB];
	s0 =	simm.s32 @p2 $0x1  }
0x17: {  	s4 =	simm.s32 $0x1BF5;
	[smem:$0x3FB5] =	sst s0  }
0x18: {  	s0 =	sld [smem:$0x3F98];
	_ =	swait.ge [sflag:s4], $0x0  }
0x19: {  	s7 =	sld [smem:$0x3F99]  }
0x1a: {  	s8 =	sadd.s32 $0xFFFFE003, lr  }
0x1b: {  	s9 =	sadd.s32 $0xFFFFFEF7, lr;
	s5 =	simm.s32 $0xFFFFFFFF;
	p2 =	slt.u32 s8, $0xFFFFF086  }
0x1c: {  	p1 =	slt.u32 s9, $0xF7A;
	s5 =	simm.s32 @!p2 $0x0  }
0x1d: {  	s5 =	simm.s32 @p1 $0x1;
	p0 =	seq.s32 s7, s2  }
0x1e: {  	s7 =	smul.u32 @!p0 $0xF7A, s2;
	p2 =	seq.s32 @!p0 s5, $0x0  }
0x1f: {  	s9 =	smul.u32 $0xF7A, s1;
	s8 =	simm.s32 @!p0 $0x1BF5;
	p2 =	por !p2, p0  }
0x20: {  	[sflag:s8] =	ssyncset.s32 @!p0 $0xFFFFF086;
	s6 =	sadd.s32 @!p0 s3, s7;
	s7 =	simm.s32 @!p0 $0x108  }
0x21: {  	s3 =	sadd.s32 s3, s9;
	s6 =	sadd.s32 @!p0 $0x88, s6;
	s7 =	simm.s32 @p2 $0x1082  }
0x22: {  	[simem:s7], [sflag:s8] =	dma.local @!p0 [hbm:s6], $0xF7A  }
0x23: {  	s9 =	sor.u32 $0xD0000000, s2;
	s6 =	simm.s32 $0x108;
	_ =	swait.ge @!p0 [sflag:s8], $0x0  }
0x24: {  	s3 =	sadd.s32 $0x88, s3;
	s6 =	simm.s32 @!p1 $0x1082;
	[sflag:s4] =	ssyncset.s32 $0xFFFFF086  }
0x25: {  	[simem:s6], [sflag:s4] =	dma.local [hbm:s3], $0xF7A  }
0x26: {  	[smem:$0x3F99] =	sst s1;
	(tag) =	ssettag s2;
	_ =	strace s9  }
0x27: {  	s1 =	sld [smem:$0x3FA9]  }
0x28: {  	s2 =	sld [smem:$0x3FAA]  }
0x29: {  	s4 =	sld [smem:$0x3FAC]  }
0x2a: {  	p0 =	seq.s32 s5, $0x0;
	s5 =	sld [smem:$0x3FAD]  }
0x2b: {  	s6 =	sld [smem:$0x3FAE]  }
0x2c: {  	s7 =	sld [smem:$0x3FAF]  }
0x2d: {  	s3 =	simm.s32 $0x108;
	s8 =	sld [smem:$0x3FB0]  }
0x2e: {  	s3 =	simm.s32 @!p0 $0x1082;
	s9 =	sld [smem:$0x3FB1]  }
0x2f: {  	lr =	sadd.s32 s0, s3;
	s0 =	sld [smem:$0x3FA8]  }
0x30: {  	s3 =	sld [smem:$0x3FAB]  }
0x31: {  	[smem:$0x3FB4] =	sst s10  }
0x32: {  	s10 =	sld [smem:$0x3FB2];
	_ =	sdelay $0x3  }
0x33: {  	p0 =	seq.s32 s10, $0x1;
	s10 =	sld [smem:$0x3FB4];
	_ =	sdelay $0x3  }
0x34: {  	[smem:$0x3FB4] =	sst s10  }
0x35: {  	s10 =	sld [smem:$0x3FB3];
	_ =	sdelay $0x3  }
0x36: {  	p1 =	seq.s32 s10, $0x1;
	s10 =	sld [smem:$0x3FB4];
	_ =	sdelay $0x3  }
0x37: {  	[smem:$0x3FB4] =	sst s10  }
0x38: {  	s10 =	sld [smem:$0x3FB5]  }
0x39: {  	_ = 	snop;
	(pc) =	sbr.ind lr, $3  }
0x3a: {  	_ = 	snop  }
0x3b: {  	_ = 	snop  }
0x3c: {  	p2 =	seq.s32 s10, $0x1;
	s10 =	sld [smem:$0x3FB4]  }
0x3d: {  	_ =	shalt  }
0x3e: {  	_ =	shalt  }
0x3f: {  	_ =	shalt  }
0x40: {  	_ =	shalt  }
0x41: {  	_ =	shalt  }
0x42: {  	_ =	shalt  }
0x43: {  	_ =	shalt  }
0x44: {  	_ =	shalt  }
0x45: {  	_ =	shalt  }
0x46: {  	_ =	shalt  }
0x47: {  	_ =	shalt  }
0x48: {  	_ =	shalt  }
0x49: {  	_ =	shalt  }
0x4a: {  	_ =	shalt  }
0x4b: {  	_ =	shalt  }
0x4c: {  	_ =	shalt  }
0x4d: {  	_ =	shalt  }
0x4e: {  	_ =	shalt  }
0x4f: {  	_ =	shalt  }
0x50: {  	_ =	shalt  }
0x51: {  	_ =	shalt  }
0x52: {  	_ =	shalt  }
0x53: {  	_ =	shalt  }
0x54: {  	_ =	shalt  }
0x55: {  	_ =	shalt  }
0x56: {  	_ =	shalt  }
0x57: {  	_ =	shalt  }
0x58: {  	_ =	shalt  }
0x59: {  	_ =	shalt  }
0x5a: {  	_ =	shalt  }
0x5b: {  	_ =	shalt  }
0x5c: {  	_ =	shalt  }
0x5d: {  	_ =	shalt  }
0x5e: {  	_ =	shalt  }
0x5f: {  	_ =	shalt  }
0x60: {  	_ =	shalt  }
0x61: {  	_ =	shalt  }
0x62: {  	_ =	shalt  }
0x63: {  	_ =	shalt  }
0x64: {  	_ =	shalt  }
0x65: {  	_ =	shalt  }
0x66: {  	_ =	shalt  }
0x67: {  	_ =	shalt  }
0x68: {  	_ =	shalt  }
0x69: {  	_ =	shalt  }
0x6a: {  	_ =	shalt  }
0x6b: {  	_ =	shalt  }
0x6c: {  	_ =	shalt  }
0x6d: {  	_ =	shalt  }
0x6e: {  	_ =	shalt  }
0x6f: {  	_ =	shalt  }
0x70: {  	_ =	shalt  }
0x71: {  	_ =	shalt  }
0x72: {  	_ =	shalt  }
0x73: {  	_ =	shalt  }
0x74: {  	_ =	shalt  }
0x75: {  	_ =	shalt  }
0x76: {  	_ =	shalt  }
0x77: {  	_ =	shalt  }
0x78: {  	_ =	shalt  }
0x79: {  	_ =	shalt  }
0x7a: {  	_ =	shalt  }
0x7b: {  	_ =	shalt  }
0x7c: {  	_ =	shalt  }
0x7d: {  	_ =	shalt  }
0x7e: {  	_ =	shalt  }
0x7f: {  	_ =	shalt  }
0x80: {  	_ =	shalt  }
0x81: {  	_ =	shalt  }
0x82: {  	_ =	shalt  }
0x83: {  	_ =	shalt  }
0x84: {  	_ =	shalt  }
0x85: {  	_ =	shalt  }
0x86: {  	_ =	shalt  }
0x87: {  	_ =	shalt  }
.Lfunc_end0:
.L_simem_size_0:
called_computation.2_lowered:
.L_overlay_start_0:
0x88: {  	s2 =	sld [smem:$0x3FD9]  }
0x89: {  	s3 =	sld [smem:$0x3FFE];
	_ =	sdelay $0x1  }
0x8a: {  	s1 =	srdreg.scid  }
0x8b: {  	s0 =	sand.u32 $0x1, s1  }
0x8c: {  	s17 =	sshll.u32 s0, $0xA;
	s2 =	sadd.s32 s3, s2  }
0x8d: {  	s2 =	sadd.s32 s2, s17  }
0x8e: {  	[smem:$0x3FC0] =	sst s2  }
0x8f: {  	_ = 	snop  }
0x90: {  	s2 =	sld [smem:$0x3FD0];
	(tm) =	ssettm $0x1  }
0x91: {  	s18 =	sld [smem:$0x3FFB];
	_ =	sdelay $0x3  }
0x92: {  	_ =	strace s18  }
0x93: {  	s3 =	sld [smem:$0x3FFC];
	_ =	sdelay $0x3  }
0x94: {  	_ =	strace s3  }
0x95: {  	s3 =	sld [smem:$0x3FFD];
	_ =	sdelay $0x3  }
0x96: {  	_ =	strace s3  }
0x97: {  	_ =	strace $0x8FFFFFFF  }
0x98: {  	s19 =	sld [smem:$0x3FDB];
	_ =	sdelay $0x1  }
0x99: {  	s4 =	simm.s32 $_scs_section_size  }
0x9a: {  	s5 =	simm.s32 $_size__tile_overlayer_lowered;
	s6 =	simm.s32 $_tile_overlayer_lowered  }
0x9b: {  	s22 =	simm.s32 $0x1BFF;
	s21 =	sshll.u32 s6, $0x1;
	s3 =	sadd.s32 s4, s19  }
0x9c: {  	s7 =	simm.s32 $0x0;
	s20 =	sshll.u32 s5, $0x1;
	s5 =	sadd.s32 s21, s3  }
0x9d: {  	[timem:s7], [sflag:s22] =	dma.local [hbm:s5], s20  }
0x9e: {  	_ =	swait.ge [sflag:s22], s20  }
0x9f: {  	s4 =	ssub.s32 $0x0, s20;
	[sflag:s22] =	ssyncset.done $0x0  }
0xa0: {  	[sflag:s22] =	ssyncadd.s32 s4;
	_ =	sdelay $0x1  }
0xa1: {  	s23 =	simm.s32 $0x1B8B  }
0xa2: {  	_ =	swait.ge [sflag:s23], $0x1  }
0xa3: {  	[sflag:s23] =	ssyncset.done $0x0  }
0xa4: {  	s25 =	simm.s32 $0x1B8E;
	s24 =	sld [smem:$0x3FFE];
	[sflag:s23] =	ssyncadd.s32 $0xFFFFFFFF  }
0xa5: {  	s26 =	simm.s32 $execute0_lowered;
	[smem:$0x3FD2] =	sst s25  }
0xa6: {  	s5 =	sshll.u32 s26, $0x1;
	_ =	strace $0x8000004C;
	[dreg:$0x1] =	wrdreg $0xFFFFFFFF  }
0xa7: {  	s28 =	simm.s32 $_size_execute0_lowered;
	s3 =	sadd.s32 s3, s5;
	[dreg:$0x0] =	wrdreg $0x0  }
0xa8: {  	s5 =	sshll.u32 s28, $0x1;
	[dreg:$0x2] =	wrdreg s3  }
0xa9: {  	[dreg:$0x3] =	wrdreg s5  }
0xaa: {  	[dreg:$0x4] =	wrdreg $0xC0  }
0xab: {  	_ =	task [dreg:s7], $0x5FFFF  }
0xac: {  	[dreg:$0x1] =	wrdreg $0xFFFFFFFF  }
0xad: {  	[dreg:$0x0] =	wrdreg $0x60  }
0xae: {  	[dreg:$0x2] =	wrdreg s24  }
0xaf: {  	[dreg:$0x3] =	wrdreg s2  }
0xb0: {  	[dreg:$0x4] =	wrdreg $0xB9800  }
0xb1: {  	[dreg:$0x5] =	wrdreg $0x9  }
0xb2: {  	_ =	task.clear_ibuf [dreg:s7], $0x6FFFF;
	_ =	strace $0x9000004C  }
0xb3: {  	s29 =	simm.s32 $0x9;
	_ =	strace $0x8000004E  }
0xb4: {  	_ =	swait.ge [sflag:s29], $0x1  }
0xb5: {  	[sflag:s29] =	ssyncadd.s32 $0xFFFFFFFF  }
0xb6: {  	_ =	strace $0x9000004E  }
0xb7: {  	_ =	sfence  }
0xb8: {  	s30 =	sld [smem:$0x0];
	_ =	sdelay $0x2  }
0xb9: {  	s31 =	sshll.u32 s1, $0xD;
	s1 =	sshrl.u32 s1, $0x2  }
0xba: {  	s3 =	sand.u32 $0x4000, s31;
	s1 =	sadd.s32 s1, s30  }
0xbb: {  	s0 =	sor.u32 s3, s0;
	s1 =	sshll.u32 s1, $0x11  }
0xbc: {  	s0 =	sor.u32 s1, s0  }
0xbd: {  	s0 =	sadd.s32 $0x8F2B, s0  }
0xbe: {  	[sflag:s0] =	ssyncadd.remote.s32 $0x1  }
0xbf: {  	_ =	sfence.sel $0xFFFF  }
0xc0: {  	[dreg:$0x0] =	wrdreg $0xFFFFFFFF;
	(pc) =	sbr.abs _section_cstart, $3  }
0xc1: {  	[dreg:$0x1] =	wrdreg $0xFFFFFFFF  }
0xc2: {  	_ =	task.clear_ibuf [dreg:s7], $0x2FFFF;
	_ =	strace $0x9FFFFFFF  }
0xc3: {  	(tm) =	ssettm $0x7FFFFFFF  }
tec
execute0_lowered:
.L_overlay_start_1:
0x0: {  	(tag) =	ssettag $0x1  }
0x1: {  	s0 =	rddreg [dreg:$0x0];
	s1 =	srdreg.scid  }
0x2: {  	s3 =	rddreg [dreg:$0x2];
	s12 =	stileid.u32  }
0x3: {  	s4 =	simm.s32 $0x0;
	s15 =	simm.s32 $0xA;
	s16 =	simm.s32 $0x80  }
0x4: {  	s17 =	simm.s32 $0x100;
	s28 =	simm.s32 $0x2;
	s30 =	simm.s32 $0x6  }
0x5: {  	s31 =	simm.s32 $0x4;
	s29 =	simm.s32 $0x3;
	s1 =	sand.u32 $0x1, s1  }
0x6: {  	s5 =	sshll.u32 s12, $0xE;
	[smem:$0x7FF] =	sst s4;
	s9 =	smul.u32 $0x13C00, s12  }
0x7: {  	s6 =	sadd.s32 $0x65000, s0;
	s7 =	sadd.s32 $0x2800, s0;
	s11 =	smul.u32 $0x4F000, s12  }
0x8: {  	s26 =	sshll.u32 s12, $0x6;
	s2 =	sshll.u32 s1, $0x12;
	s19 =	smul.u32 $0x13C000, s1  }
0x9: {  	_ =	strace $0x8000004D;
	s1 =	ssub.s32 $0x2, s1;
	s18 =	sor.u32 $0x1C0A, s26  }
0xa: {  	s26 =	simm.s32 $0x9180;
	s5 =	sor.u32 s5, s2;
	s20 =	sshrl.u32 s1, $0x1  }
0xb: {  	s23 =	sshrl.u32 s11, $0x2;
	s8 =	sshrl.u32 s5, $0x3;
	s2 =	sadd.s32 s9, s19  }
0xc: {  	s1 =	ssub.s32 s1, s20;
	s20 =	simm.s32 $0x7;
	s10 =	sadd.s32 s8, s0  }
0xd: {  	s2 =	sshrl.u32 s2, $0x3;
	s8 =	sadd.s32 s6, s8;
	s25 =	smax.u32 s1, $0x1  }
0xe: {  	s1 =	simm.s32 $0x9;
	s0 =	sadd.s32 s2, s0;
	s21 =	sadd.s32 $0x55000, s10  }
0xf: {  	s22 =	sadd.s32 $0x10, s8;
	s24 =	sadd.s32 $0x20, s8;
	[dreg:$0x8] =	wrdreg s25  }
.Ltmp0:
0x10: {  	s2 =	sadd.s32 s23, s3;
	[dreg:$0x4] =	wrdreg s21;
	(pc) =	sbr.rel .LBB2_1-.Ltmp0, $4  }
0x11: {  	s23 =	simm.s32 $0x8;
	s25 =	simm.s32 $0x1;
	[dreg:$0x5] =	wrdreg s22  }
0x12: {  	[dreg:$0x6] =	wrdreg s24;
	s0 =	sadd.s32 $0x75000, s0;
	s19 =	sshrl.u32 s2, $0x3  }
0x13: {  	s21 =	simm.s32 $0x50;
	s22 =	simm.s32 $0x4180;
	s24 =	simm.s32 $0x6980  }
0x14: {  	s2 =	simm.s32 $0x0;
	[dreg:$0x7] =	wrdreg s0;
	s0 =	simm.s32 $0x5  }
.LBB2_6:
0x15: {  	s9 =	simm.s32 $0x3F00  }
0x16: {  	[spmem:s3] =	stream.indirect.scatter.add.f32 [tilespmem:s22], [sflag:$0x4], $0x80, s9, s21, $0xb8;
	[tilespmem:$0x1F580] =	vst v63  }
0x17: {  	_ =	swait.ge [sflag:s28], $0x2800  }
0x18: {  	[sflag:s28] =	ssyncset.done $0x0  }
0x19: {  	s14 =	simm.s32 $0x3F80;
	[sflag:s28] =	ssyncadd.s32 $0xFFFFD800  }
0x1a: {  	[spmem:s3] =	stream.indirect.scatter.add.f32 [tilespmem:s24], [sflag:$0x5], $0x80, s14, s21, $0xb8;
	[tilespmem:$0x1F580] =	vst v63  }
.LBB2_4:
0x1b: {  	_ =	swait.ge [sflag:s30], $0x2800  }
0x1c: {  	[sflag:s30] =	ssyncset.done $0x0  }
0x1d: {  	[sflag:s30] =	ssyncadd.s32 $0xFFFFD800  }
0x1e: {  	_ =	swait.ge [sflag:s31], $0x2800  }
0x1f: {  	[sflag:s31] =	ssyncset.done $0x0  }
0x20: {  	[sflag:s31] =	ssyncadd.s32 $0xFFFFD800  }
0x21: {  	_ =	swait.ge [sflag:s0], $0x2800  }
0x22: {  	[sflag:s0] =	ssyncset.done $0x0  }
0x23: {  	[sflag:s0] =	ssyncadd.s32 $0xFFFFD800  }
0x24: {  	[bflag:$0x0] =	sbarrier.arrive $0xFFFF  }
0x25: {  	s9 =	rddreg [dreg:$0x7]  }
0x26: {  	[hbm:s9], [sflag:s18] =	dma.local [spmem:s19], $0x2780  }
0x27: {  	_ =	swait.ge [sflag:s15], $0x2780  }
0x28: {  	s2 =	sadd.s32 $0x1, s2;
	s14 =	rddreg [dreg:$0x8]  }
0x29: {  	p0 =	sne.s32 s2, s14  }
.Ltmp1:
0x2a: {  	_ = 	snop;
	(pc) =	sbr.rel @!p0 .LBB2_5-.Ltmp1, $3  }
0x2b: {  	_ =	sdelay $0x1  }
0x2c: {  	[sflag:s15] =	ssyncset.done $0x0  }
0x2d: {  	[sflag:s15] =	ssyncadd.s32 $0xFFFFD880  }
.LBB2_1:
0x2e: {  	s9 =	rddreg [dreg:$0x4];
	s10 =	simm.s32 $0x180  }
0x2f: {  	[tilespmem:s10], [sflag:$0xA] =	stream.linear.gather [hbm4b:s9+s4], $0x3E80, $0x38;
	[tilespmem:$0x1F580] =	vst v63  }
0x30: {  	_ =	swait.ge [sflag:s15], $0x3E80  }
0x31: {  	[sflag:s15] =	ssyncset.done $0x0  }
0x32: {  	s12 =	rddreg [dreg:$0x5];
	[sflag:s15] =	ssyncadd.s32 $0xFFFFC180  }
0x33: {  	[tilespmem:s4], [sflag:$0x7] =	stream.linear.gather [hbm4b:s8+s4], $0x80, $0x38;
	[tilespmem:$0x1F580] =	vst v63  }
0x34: {  	s13 =	rddreg [dreg:$0x6]  }
0x35: {  	[tilespmem:s16], [sflag:$0x8] =	stream.linear.gather [hbm4b:s12+s4], $0x80, $0x38;
	[tilespmem:$0x1F580] =	vst v63  }
0x36: {  	s14 =	rddreg [dreg:$0x1]  }
0x37: {  	[tilespmem:s17], [sflag:$0x9] =	stream.linear.gather [hbm4b:s13+s4], $0x80, $0x38;
	[tilespmem:$0x1F580] =	vst v63  }
0x38: {  	[spmem:s19], [sflag:s18] =	dma.local [hbm:s14], $0x2780  }
0x39: {  	_ =	swait.ge [sflag:s15], $0x2780  }
0x3a: {  	[sflag:s15] =	ssyncset.done $0x0  }
0x3b: {  	[sflag:s15] =	ssyncadd.s32 $0xFFFFD880  }
0x3c: {  	[bflag:$0x0] =	sbarrier.arrive $0xFFFF  }
0x3d: {  	_ =	swait.ge [sflag:s20], $0x80  }
0x3e: {  	[sflag:s20] =	ssyncset.done $0x0  }
0x3f: {  	[sflag:s20] =	ssyncadd.s32 $0xFFFFFF80  }
0x40: {  	[tilespmem:s22], [sflag:$0x1] =	stream.indirect.gather [hbm4b:s7+s21], $0x80, s4, s21, $0xb8;
	[tilespmem:$0x1F580] =	vst v63  }
0x41: {  	_ =	swait.ge [sflag:s23], $0x80  }
0x42: {  	s9 =	simm.s32 $0x200;
	[sflag:s23] =	ssyncset.done $0x0  }
0x43: {  	s10 =	simm.s32 $0x0;
	s14 =	simm.s32 $0x280;
	[sflag:s23] =	ssyncadd.s32 $0xFFFFFF80  }
0x44: {  	[tilespmem:s24], [sflag:$0x2] =	stream.indirect.gather [hbm4b:s7+s21], $0x80, s16, s21, $0xb8;
	[tilespmem:$0x1F580] =	vst v63  }
.LBB2_2:
0x45: {  	p0 =	seq.s32 s14, $0x4000  }
.Ltmp2:
0x46: {  	_ = 	snop;
	(pc) =	sbr.rel @p0 .LBB2_6-.Ltmp2, $4  }
0x47: {  	_ = 	snop  }
0x48: {  	_ =	swait.ge [sflag:s25], $0x2800  }
0x49: {  	[sflag:s25] =	ssyncset.done $0x0  }
0x4a: {  	[sflag:s25] =	ssyncadd.s32 $0xFFFFD800  }
0x4b: {  	s11 =	sadd.s32 $0xFFFFFF00, s14  }
0x4c: {  	s12 =	sand.u32 $0xFC00, s11  }
0x4d: {  	s11 =	sand.u32 $0x380, s11;
	s12 =	sadd.s32 s5, s12  }
0x4e: {  	s11 =	sor.u32 s11, s12  }
0x4f: {  	s11 =	sshrl.u32 s11, $0x3  }
0x50: {  	p0 =	seq.s32 s14, $0x280;
	s11 =	sadd.s32 s6, s11  }
0x51: {  	[tilespmem:s4], [sflag:$0x7] =	stream.linear.gather [hbm4b:s11+s4], $0x80, $0x38;
	[tilespmem:$0x1F580] =	vst v63  }
0x52: {  	s12 =	sadd.s32 $0xFFFFFF80, s9;
	s11 =	simm.s32 @!p0 $0x6  }
0x53: {  	[spmem:s3] =	stream.indirect.scatter.add.f32 [tilespmem:s22], [sflag:$0x4], $0x80, s12, s21, $0xb8;
	[tilespmem:$0x1F580] =	vst v63  }
0x54: {  	_ =	swait.ge @!p0 [sflag:s11], $0x2800  }
0x55: {  	[sflag:s11] =	ssyncset.done @!p0 $0x0  }
0x56: {  	[sflag:s11] =	ssyncadd.s32 @!p0 $0xFFFFD800  }
0x57: {  	s11 =	sadd.s32 $0xFFFFFF80, s14;
	_ =	swait.ge [sflag:s1], $0x80  }
0x58: {  	s13 =	sand.u32 $0xFC00, s11;
	[sflag:s1] =	ssyncset.done $0x0  }
0x59: {  	s11 =	sand.u32 $0x380, s11;
	s12 =	sadd.s32 s5, s13;
	[sflag:s1] =	ssyncadd.s32 $0xFFFFFF80  }
0x5a: {  	[tilespmem:s26], [sflag:$0x3] =	stream.indirect.gather [hbm4b:s7+s21], $0x80, s17, s21, $0xb8;
	[tilespmem:$0x1F580] =	vst v63  }
0x5b: {  	s11 =	sor.u32 s11, s12;
	_ =	swait.ge [sflag:s28], $0x2800  }
0x5c: {  	s11 =	sshrl.u32 s11, $0x3;
	[sflag:s28] =	ssyncset.done $0x0  }
0x5d: {  	s11 =	sadd.s32 s6, s11;
	[sflag:s28] =	ssyncadd.s32 $0xFFFFD800  }
0x5e: {  	[tilespmem:s16], [sflag:$0x8] =	stream.linear.gather [hbm4b:s11+s4], $0x80, $0x38;
	[tilespmem:$0x1F580] =	vst v63  }
0x5f: {  	_ = 	snop  }
0x60: {  	[spmem:s3] =	stream.indirect.scatter.add.f32 [tilespmem:s24], [sflag:$0x5], $0x80, s9, s21, $0xb8;
	[tilespmem:$0x1F580] =	vst v63  }
0x61: {  	_ =	swait.ge [sflag:s31], $0x2800  }
0x62: {  	[sflag:s31] =	ssyncset.done $0x0  }
0x63: {  	[sflag:s31] =	ssyncadd.s32 $0xFFFFD800  }
0x64: {  	p0 =	slt.u32 s10, $0x28;
	_ =	swait.ge [sflag:s20], $0x80  }
0x65: {  	s11 =	sand.u32 @p0 $0xFC00, s14;
	[sflag:s20] =	ssyncset.done $0x0  }
0x66: {  	s12 =	sand.u32 @p0 $0x380, s14;
	s11 =	sadd.s32 @p0 s5, s11;
	[sflag:s20] =	ssyncadd.s32 $0xFFFFFF80  }
0x67: {  	[tilespmem:s22], [sflag:$0x1] =	stream.indirect.gather [hbm4b:s7+s21], $0x80, s4, s21, $0xb8;
	[tilespmem:$0x1F580] =	vst v63  }
0x68: {  	s11 =	sor.u32 @p0 s12, s11;
	_ =	swait.ge [sflag:s29], $0x2800  }
0x69: {  	s13 =	simm.s32 @p0 $0x100;
	s11 =	sshrl.u32 @p0 s11, $0x3;
	[sflag:s29] =	ssyncset.done $0x0  }
0x6a: {  	s12 =	simm.s32 @p0 $0x0;
	s11 =	sadd.s32 @p0 s6, s11;
	[sflag:s29] =	ssyncadd.s32 $0xFFFFD800  }
0x6b: {  	[tilespmem:s13], [sflag:$0x9] =	stream.linear.gather @p0 [hbm4b:s11+s12], $0x80, $0x38;
	[tilespmem:$0x1F580] =	vst v63  }
0x6c: {  	s13 =	sadd.s32 $0x80, s9  }
0x6d: {  	[spmem:s3] =	stream.indirect.scatter.add.f32 [tilespmem:s26], [sflag:$0x6], $0x80, s13, s21, $0xb8;
	[tilespmem:$0x1F580] =	vst v63  }
0x6e: {  	s14 =	sadd.s32 $0x180, s14;
	_ =	swait.ge [sflag:s0], $0x2800  }
0x6f: {  	p0 =	sne.s32 s14, $0x4180;
	[sflag:s0] =	ssyncset.done $0x0  }
.Ltmp3:
0x70: {  	[sflag:s0] =	ssyncadd.s32 $0xFFFFD800;
	(pc) =	sbr.rel @p0 .LBB2_2-.Ltmp3, $4  }
.Ltmp4:
0x71: {  	_ =	swait.ge [sflag:s23], $0x80;
	(pc) =	sbr.rel @!p0 .LBB2_4-.Ltmp4, $4  }
0x72: {  	[sflag:s23] =	ssyncset.done $0x0  }
0x73: {  	s10 =	sadd.s32 $0x1, s10;
	s9 =	sadd.s32 $0x180, s9;
	[sflag:s23] =	ssyncadd.s32 $0xFFFFFF80  }
0x74: {  	[tilespmem:s24], [sflag:$0x2] =	stream.indirect.gather [hbm4b:s7+s21], $0x80, s16, s21, $0xb8;
	[tilespmem:$0x1F580] =	vst v63  }
0x75: {  	_ = 	snop  }
.LBB2_5:
0x76: {  	_ =	sfence.sel $0x180000  }
0x77: {  	[bflag:$0x0] =	sbarrier.arrive $0xFFFF  }
0x78: {  	_ =	strace $0x9000004D  }
0x79: {  	s0 =	stileid.u32;
	[bflag:$0x2] =	sbarrier.arrive $0xFFFF  }
0x7a: {  	p0 =	sne.s32 s0, $0x0;
	s0 =	rddreg [dreg:$0x3]  }
0x7b: {  	s0 =	sadd.s32 @!p0 $0x100000, s0  }
0x7c: {  	[sflag:s0] =	ssyncadd.tile.s32 @!p0 $0x1;
	_ =	shalt  }
.Lfunc_end2:
_tile_overlayer_lowered:
.L_overlay_start_2:
0x7d: {  	(tag) =	ssettag $0x2  }
0x7e: {  	s0 =	rddreg [dreg:$0x0];
	s2 =	stileid.u32  }
0x7f: {  	s1 =	rddreg [dreg:$0x1];
	p0 =	sne.s32 s2, $0x0  }
0x80: {  	s3 =	rddreg [dreg:$0x2];
	[bflag:$0x3] =	sbarrier.arrive $0xFFFF;
	s2 =	simm.s32 @!p0 $0x1C0A  }
0x81: {  	[timem:s3], [sflag:s2] =	dma.local @!p0 [hbm:s0], s1  }
0x82: {  	s0 =	simm.s32 @!p0 $0xA  }
0x83: {  	_ =	swait.ge @!p0 [sflag:s0], s1  }
0x84: {  	s1 =	ssub.s32 @!p0 $0x0, s1;
	[sflag:s0] =	ssyncset.done @!p0 $0x0  }
0x85: {  	[sflag:s0] =	ssyncadd.s32 @!p0 s1  }
0x86: {  	[bflag:$0x3] =	sbarrier.arrive $0xFFFF  }
0x87: {  	_ =	shalt  }

// kernel: kernel.20.cloned.1.call-start
scs
__scs_entry_jumppad:
0x0: {  	(pc) =	sbr.rel $0x88, $3  }
0x1: {  	(tag) =	ssettag $0x0;
	lr =	simm.s32 $0x1  }
0x2: {  	[smem:$0x3F99] =	sst lr;
	_ =	strace $0xD0000000  }
0x3: {  	_ = 	snop  }
0x4: {  	_ = 	snop  }
0x5: {  	_ = 	snop  }
0x6: {  	_ = 	snop  }
0x7: {  	_ = 	snop  }
__scs_overlays_trampoline_lowered:
0x8: {  	[smem:$0x3FA8] =	sst s0  }
0x9: {  	[smem:$0x3FA9] =	sst s1  }
0xa: {  	[smem:$0x3FAA] =	sst s2  }
0xb: {  	[smem:$0x3FAB] =	sst s3  }
0xc: {  	[smem:$0x3FAC] =	sst s4  }
0xd: {  	[smem:$0x3FAD] =	sst s5  }
0xe: {  	[smem:$0x3FAE] =	sst s6  }
0xf: {  	[smem:$0x3FAF] =	sst s7  }
0x10: {  	[smem:$0x3FB0] =	sst s8  }
0x11: {  	[smem:$0x3FB1] =	sst s9;
	s0 =	simm.s32 @!p0 $0x0  }
0x12: {  	s1 =	sld [smem:$0x3F97];
	s0 =	simm.s32 @p0 $0x1  }
0x13: {  	[smem:$0x3FB2] =	sst s0;
	s0 =	simm.s32 @!p1 $0x0  }
0x14: {  	s2 =	sld [smem:$0x3F96];
	s0 =	simm.s32 @p1 $0x1  }
0x15: {  	[smem:$0x3FB3] =	sst s0;
	s0 =	simm.s32 @!p2 $0x0  }
0x16: {  	s3 =	sld [smem:$0x3FDB];
	s0 =	simm.s32 @p2 $0x1  }
0x17: {  	s4 =	simm.s32 $0x1BF5;
	[smem:$0x3FB5] =	sst s0  }
0x18: {  	s0 =	sld [smem:$0x3F98];
	_ =	swait.ge [sflag:s4], $0x0  }
0x19: {  	s7 =	sld [smem:$0x3F99]  }
0x1a: {  	s8 =	sadd.s32 $0xFFFFE003, lr  }
0x1b: {  	s9 =	sadd.s32 $0xFFFFFEF7, lr;
	s5 =	simm.s32 $0xFFFFFFFF;
	p2 =	slt.u32 s8, $0xFFFFF086  }
0x1c: {  	p1 =	slt.u32 s9, $0xF7A;
	s5 =	simm.s32 @!p2 $0x0  }
0x1d: {  	s5 =	simm.s32 @p1 $0x1;
	p0 =	seq.s32 s7, s2  }
0x1e: {  	s7 =	smul.u32 @!p0 $0xF7A, s2;
	p2 =	seq.s32 @!p0 s5, $0x0  }
0x1f: {  	s9 =	smul.u32 $0xF7A, s1;
	s8 =	simm.s32 @!p0 $0x1BF5;
	p2 =	por !p2, p0  }
0x20: {  	[sflag:s8] =	ssyncset.s32 @!p0 $0xFFFFF086;
	s6 =	sadd.s32 @!p0 s3, s7;
	s7 =	simm.s32 @!p0 $0x108  }
0x21: {  	s3 =	sadd.s32 s3, s9;
	s6 =	sadd.s32 @!p0 $0x88, s6;
	s7 =	simm.s32 @p2 $0x1082  }
0x22: {  	[simem:s7], [sflag:s8] =	dma.local @!p0 [hbm:s6], $0xF7A  }
0x23: {  	s9 =	sor.u32 $0xD0000000, s2;
	s6 =	simm.s32 $0x108;
	_ =	swait.ge @!p0 [sflag:s8], $0x0  }
0x24: {  	s3 =	sadd.s32 $0x88, s3;
	s6 =	simm.s32 @!p1 $0x1082;
	[sflag:s4] =	ssyncset.s32 $0xFFFFF086  }
0x25: {  	[simem:s6], [sflag:s4] =	dma.local [hbm:s3], $0xF7A  }
0x26: {  	[smem:$0x3F99] =	sst s1;
	(tag) =	ssettag s2;
	_ =	strace s9  }
0x27: {  	s1 =	sld [smem:$0x3FA9]  }
0x28: {  	s2 =	sld [smem:$0x3FAA]  }
0x29: {  	s4 =	sld [smem:$0x3FAC]  }
0x2a: {  	p0 =	seq.s32 s5, $0x0;
	s5 =	sld [smem:$0x3FAD]  }
0x2b: {  	s6 =	sld [smem:$0x3FAE]  }
0x2c: {  	s7 =	sld [smem:$0x3FAF]  }
0x2d: {  	s3 =	simm.s32 $0x108;
	s8 =	sld [smem:$0x3FB0]  }
0x2e: {  	s3 =	simm.s32 @!p0 $0x1082;
	s9 =	sld [smem:$0x3FB1]  }
0x2f: {  	lr =	sadd.s32 s0, s3;
	s0 =	sld [smem:$0x3FA8]  }
0x30: {  	s3 =	sld [smem:$0x3FAB]  }
0x31: {  	[smem:$0x3FB4] =	sst s10  }
0x32: {  	s10 =	sld [smem:$0x3FB2];
	_ =	sdelay $0x3  }
0x33: {  	p0 =	seq.s32 s10, $0x1;
	s10 =	sld [smem:$0x3FB4];
	_ =	sdelay $0x3  }
0x34: {  	[smem:$0x3FB4] =	sst s10  }
0x35: {  	s10 =	sld [smem:$0x3FB3];
	_ =	sdelay $0x3  }
0x36: {  	p1 =	seq.s32 s10, $0x1;
	s10 =	sld [smem:$0x3FB4];
	_ =	sdelay $0x3  }
0x37: {  	[smem:$0x3FB4] =	sst s10  }
0x38: {  	s10 =	sld [smem:$0x3FB5]  }
0x39: {  	_ = 	snop;
	(pc) =	sbr.ind lr, $3  }
0x3a: {  	_ = 	snop  }
0x3b: {  	_ = 	snop  }
0x3c: {  	p2 =	seq.s32 s10, $0x1;
	s10 =	sld [smem:$0x3FB4]  }
0x3d: {  	_ =	shalt  }
0x3e: {  	_ =	shalt  }
0x3f: {  	_ =	shalt  }
0x40: {  	_ =	shalt  }
0x41: {  	_ =	shalt  }
0x42: {  	_ =	shalt  }
0x43: {  	_ =	shalt  }
0x44: {  	_ =	shalt  }
0x45: {  	_ =	shalt  }
0x46: {  	_ =	shalt  }
0x47: {  	_ =	shalt  }
0x48: {  	_ =	shalt  }
0x49: {  	_ =	shalt  }
0x4a: {  	_ =	shalt  }
0x4b: {  	_ =	shalt  }
0x4c: {  	_ =	shalt  }
0x4d: {  	_ =	shalt  }
0x4e: {  	_ =	shalt  }
0x4f: {  	_ =	shalt  }
0x50: {  	_ =	shalt  }
0x51: {  	_ =	shalt  }
0x52: {  	_ =	shalt  }
0x53: {  	_ =	shalt  }
0x54: {  	_ =	shalt  }
0x55: {  	_ =	shalt  }
0x56: {  	_ =	shalt  }
0x57: {  	_ =	shalt  }
0x58: {  	_ =	shalt  }
0x59: {  	_ =	shalt  }
0x5a: {  	_ =	shalt  }
0x5b: {  	_ =	shalt  }
0x5c: {  	_ =	shalt  }
0x5d: {  	_ =	shalt  }
0x5e: {  	_ =	shalt  }
0x5f: {  	_ =	shalt  }
0x60: {  	_ =	shalt  }
0x61: {  	_ =	shalt  }
0x62: {  	_ =	shalt  }
0x63: {  	_ =	shalt  }
0x64: {  	_ =	shalt  }
0x65: {  	_ =	shalt  }
0x66: {  	_ =	shalt  }
0x67: {  	_ =	shalt  }
0x68: {  	_ =	shalt  }
0x69: {  	_ =	shalt  }
0x6a: {  	_ =	shalt  }
0x6b: {  	_ =	shalt  }
0x6c: {  	_ =	shalt  }
0x6d: {  	_ =	shalt  }
0x6e: {  	_ =	shalt  }
0x6f: {  	_ =	shalt  }
0x70: {  	_ =	shalt  }
0x71: {  	_ =	shalt  }
0x72: {  	_ =	shalt  }
0x73: {  	_ =	shalt  }
0x74: {  	_ =	shalt  }
0x75: {  	_ =	shalt  }
0x76: {  	_ =	shalt  }
0x77: {  	_ =	shalt  }
0x78: {  	_ =	shalt  }
0x79: {  	_ =	shalt  }
0x7a: {  	_ =	shalt  }
0x7b: {  	_ =	shalt  }
0x7c: {  	_ =	shalt  }
0x7d: {  	_ =	shalt  }
0x7e: {  	_ =	shalt  }
0x7f: {  	_ =	shalt  }
0x80: {  	_ =	shalt  }
0x81: {  	_ =	shalt  }
0x82: {  	_ =	shalt  }
0x83: {  	_ =	shalt  }
0x84: {  	_ =	shalt  }
0x85: {  	_ =	shalt  }
0x86: {  	_ =	shalt  }
0x87: {  	_ =	shalt  }
.Lfunc_end0:
.L_simem_size_0:
called_computation.3_lowered:
.L_overlay_start_0:
0x88: {  	s2 =	sld [smem:$0x3FD9]  }
0x89: {  	s3 =	sld [smem:$0x3FFE];
	_ =	sdelay $0x1  }
0x8a: {  	s1 =	srdreg.scid  }
0x8b: {  	s0 =	sand.u32 $0x1, s1  }
0x8c: {  	s17 =	sshll.u32 s0, $0xA;
	s2 =	sadd.s32 s3, s2  }
0x8d: {  	s2 =	sadd.s32 s2, s17  }
0x8e: {  	[smem:$0x3FC0] =	sst s2  }
0x8f: {  	_ = 	snop  }
0x90: {  	s2 =	sld [smem:$0x3FD0];
	(tm) =	ssettm $0x1  }
0x91: {  	s18 =	sld [smem:$0x3FFB];
	_ =	sdelay $0x3  }
0x92: {  	_ =	strace s18  }
0x93: {  	s3 =	sld [smem:$0x3FFC];
	_ =	sdelay $0x3  }
0x94: {  	_ =	strace s3  }
0x95: {  	s3 =	sld [smem:$0x3FFD];
	_ =	sdelay $0x3  }
0x96: {  	_ =	strace s3  }
0x97: {  	_ =	strace $0x8FFFFFFF  }
0x98: {  	s19 =	sld [smem:$0x3FDB];
	_ =	sdelay $0x1  }
0x99: {  	s4 =	simm.s32 $_scs_section_size  }
0x9a: {  	s5 =	simm.s32 $_size__tile_overlayer_lowered;
	s6 =	simm.s32 $_tile_overlayer_lowered  }
0x9b: {  	s22 =	simm.s32 $0x1BFF;
	s21 =	sshll.u32 s6, $0x1;
	s3 =	sadd.s32 s4, s19  }
0x9c: {  	s7 =	simm.s32 $0x0;
	s20 =	sshll.u32 s5, $0x1;
	s5 =	sadd.s32 s21, s3  }
0x9d: {  	[timem:s7], [sflag:s22] =	dma.local [hbm:s5], s20  }
0x9e: {  	_ =	swait.ge [sflag:s22], s20  }
0x9f: {  	s4 =	ssub.s32 $0x0, s20;
	[sflag:s22] =	ssyncset.done $0x0  }
0xa0: {  	[sflag:s22] =	ssyncadd.s32 s4;
	_ =	sdelay $0x1  }
0xa1: {  	s23 =	simm.s32 $0x1B8B  }
0xa2: {  	_ =	swait.ge [sflag:s23], $0x1  }
0xa3: {  	[sflag:s23] =	ssyncset.done $0x0  }
0xa4: {  	s25 =	simm.s32 $0x1B8E;
	s24 =	sld [smem:$0x3FFE];
	[sflag:s23] =	ssyncadd.s32 $0xFFFFFFFF  }
0xa5: {  	s26 =	simm.s32 $execute0_lowered;
	[smem:$0x3FD2] =	sst s25  }
0xa6: {  	s5 =	sshll.u32 s26, $0x1;
	_ =	strace $0x8000004F;
	[dreg:$0x1] =	wrdreg $0xFFFFFFFF  }
0xa7: {  	s28 =	simm.s32 $_size_execute0_lowered;
	s3 =	sadd.s32 s3, s5;
	[dreg:$0x0] =	wrdreg $0x0  }
0xa8: {  	s5 =	sshll.u32 s28, $0x1;
	[dreg:$0x2] =	wrdreg s3  }
0xa9: {  	[dreg:$0x3] =	wrdreg s5  }
0xaa: {  	[dreg:$0x4] =	wrdreg $0xC0  }
0xab: {  	_ =	task [dreg:s7], $0x5FFFF  }
0xac: {  	[dreg:$0x1] =	wrdreg $0xFFFFFFFF  }
0xad: {  	[dreg:$0x0] =	wrdreg $0x60  }
0xae: {  	[dreg:$0x2] =	wrdreg s24  }
0xaf: {  	[dreg:$0x3] =	wrdreg s2  }
0xb0: {  	[dreg:$0x4] =	wrdreg $0xB9800  }
0xb1: {  	[dreg:$0x5] =	wrdreg $0x9  }
0xb2: {  	_ =	task.clear_ibuf [dreg:s7], $0x6FFFF;
	_ =	strace $0x9000004F  }
0xb3: {  	s29 =	simm.s32 $0x9;
	_ =	strace $0x80000051  }
0xb4: {  	_ =	swait.ge [sflag:s29], $0x1  }
0xb5: {  	[sflag:s29] =	ssyncadd.s32 $0xFFFFFFFF  }
0xb6: {  	_ =	strace $0x90000051  }
0xb7: {  	_ =	sfence  }
0xb8: {  	s30 =	sld [smem:$0x0];
	_ =	sdelay $0x2  }
0xb9: {  	s31 =	sshll.u32 s1, $0xD;
	s1 =	sshrl.u32 s1, $0x2  }
0xba: {  	s3 =	sand.u32 $0x4000, s31;
	s1 =	sadd.s32 s1, s30  }
0xbb: {  	s0 =	sor.u32 s3, s0;
	s1 =	sshll.u32 s1, $0x11  }
0xbc: {  	s0 =	sor.u32 s1, s0  }
0xbd: {  	s0 =	sadd.s32 $0x8F2B, s0  }
0xbe: {  	[sflag:s0] =	ssyncadd.remote.s32 $0x1  }
0xbf: {  	_ =	sfence.sel $0xFFFF  }
0xc0: {  	[dreg:$0x0] =	wrdreg $0xFFFFFFFF;
	(pc) =	sbr.abs _section_cstart, $3  }
0xc1: {  	[dreg:$0x1] =	wrdreg $0xFFFFFFFF  }
0xc2: {  	_ =	task.clear_ibuf [dreg:s7], $0x2FFFF;
	_ =	strace $0x9FFFFFFF  }
0xc3: {  	(tm) =	ssettm $0x7FFFFFFF  }
tec
execute0_lowered:
.L_overlay_start_1:
0x0: {  	(tag) =	ssettag $0x1  }
0x1: {  	s0 =	rddreg [dreg:$0x0];
	s1 =	srdreg.scid  }
0x2: {  	s3 =	rddreg [dreg:$0x2];
	s12 =	stileid.u32  }
0x3: {  	s4 =	simm.s32 $0x0;
	s15 =	simm.s32 $0xA;
	s16 =	simm.s32 $0x80  }
0x4: {  	s17 =	simm.s32 $0x100;
	s28 =	simm.s32 $0x2;
	s30 =	simm.s32 $0x6  }
0x5: {  	s31 =	simm.s32 $0x4;
	s29 =	simm.s32 $0x3;
	s1 =	sand.u32 $0x1, s1  }
0x6: {  	s5 =	sshll.u32 s12, $0xE;
	[smem:$0x7FF] =	sst s4;
	s9 =	smul.u32 $0x13C00, s12  }
0x7: {  	s6 =	sadd.s32 $0x65000, s0;
	s7 =	sadd.s32 $0x2800, s0;
	s11 =	smul.u32 $0x4F000, s12  }
0x8: {  	s26 =	sshll.u32 s12, $0x6;
	s2 =	sshll.u32 s1, $0x12;
	s19 =	smul.u32 $0x13C000, s1  }
0x9: {  	_ =	strace $0x80000050;
	s1 =	ssub.s32 $0x2, s1;
	s18 =	sor.u32 $0x1C0A, s26  }
0xa: {  	s26 =	simm.s32 $0x9180;
	s5 =	sor.u32 s5, s2;
	s20 =	sshrl.u32 s1, $0x1  }
0xb: {  	s23 =	sshrl.u32 s11, $0x2;
	s8 =	sshrl.u32 s5, $0x3;
	s2 =	sadd.s32 s9, s19  }
0xc: {  	s1 =	ssub.s32 s1, s20;
	s20 =	simm.s32 $0x7;
	s10 =	sadd.s32 s8, s0  }
0xd: {  	s2 =	sshrl.u32 s2, $0x3;
	s8 =	sadd.s32 s6, s8;
	s25 =	smax.u32 s1, $0x1  }
0xe: {  	s1 =	simm.s32 $0x9;
	s0 =	sadd.s32 s2, s0;
	s21 =	sadd.s32 $0x55000, s10  }
0xf: {  	s22 =	sadd.s32 $0x10, s8;
	s24 =	sadd.s32 $0x20, s8;
	[dreg:$0x8] =	wrdreg s25  }
.Ltmp0:
0x10: {  	s2 =	sadd.s32 s23, s3;
	[dreg:$0x4] =	wrdreg s21;
	(pc) =	sbr.rel .LBB2_1-.Ltmp0, $4  }
0x11: {  	s23 =	simm.s32 $0x8;
	s25 =	simm.s32 $0x1;
	[dreg:$0x5] =	wrdreg s22  }
0x12: {  	[dreg:$0x6] =	wrdreg s24;
	s0 =	sadd.s32 $0x75000, s0;
	s19 =	sshrl.u32 s2, $0x3  }
0x13: {  	s21 =	simm.s32 $0x50;
	s22 =	simm.s32 $0x4180;
	s24 =	simm.s32 $0x6980  }
0x14: {  	s2 =	simm.s32 $0x0;
	[dreg:$0x7] =	wrdreg s0;
	s0 =	simm.s32 $0x5  }
.LBB2_6:
0x15: {  	s9 =	simm.s32 $0x3F00  }
0x16: {  	[spmem:s3] =	stream.indirect.scatter.add.f32 [tilespmem:s22], [sflag:$0x4], $0x80, s9, s21, $0xb8;
	[tilespmem:$0x1F580] =	vst v63  }
0x17: {  	_ =	swait.ge [sflag:s28], $0x2800  }
0x18: {  	[sflag:s28] =	ssyncset.done $0x0  }
0x19: {  	s14 =	simm.s32 $0x3F80;
	[sflag:s28] =	ssyncadd.s32 $0xFFFFD800  }
0x1a: {  	[spmem:s3] =	stream.indirect.scatter.add.f32 [tilespmem:s24], [sflag:$0x5], $0x80, s14, s21, $0xb8;
	[tilespmem:$0x1F580] =	vst v63  }
.LBB2_4:
0x1b: {  	_ =	swait.ge [sflag:s30], $0x2800  }
0x1c: {  	[sflag:s30] =	ssyncset.done $0x0  }
0x1d: {  	[sflag:s30] =	ssyncadd.s32 $0xFFFFD800  }
0x1e: {  	_ =	swait.ge [sflag:s31], $0x2800  }
0x1f: {  	[sflag:s31] =	ssyncset.done $0x0  }
0x20: {  	[sflag:s31] =	ssyncadd.s32 $0xFFFFD800  }
0x21: {  	_ =	swait.ge [sflag:s0], $0x2800  }
0x22: {  	[sflag:s0] =	ssyncset.done $0x0  }
0x23: {  	[sflag:s0] =	ssyncadd.s32 $0xFFFFD800  }
0x24: {  	[bflag:$0x0] =	sbarrier.arrive $0xFFFF  }
0x25: {  	s9 =	rddreg [dreg:$0x7]  }
0x26: {  	[hbm:s9], [sflag:s18] =	dma.local [spmem:s19], $0x2780  }
0x27: {  	_ =	swait.ge [sflag:s15], $0x2780  }
0x28: {  	s2 =	sadd.s32 $0x1, s2;
	s14 =	rddreg [dreg:$0x8]  }
0x29: {  	p0 =	sne.s32 s2, s14  }
.Ltmp1:
0x2a: {  	_ = 	snop;
	(pc) =	sbr.rel @!p0 .LBB2_5-.Ltmp1, $3  }
0x2b: {  	_ =	sdelay $0x1  }
0x2c: {  	[sflag:s15] =	ssyncset.done $0x0  }
0x2d: {  	[sflag:s15] =	ssyncadd.s32 $0xFFFFD880  }
.LBB2_1:
0x2e: {  	s9 =	rddreg [dreg:$0x4];
	s10 =	simm.s32 $0x180  }
0x2f: {  	[tilespmem:s10], [sflag:$0xA] =	stream.linear.gather [hbm4b:s9+s4], $0x3E80, $0x38;
	[tilespmem:$0x1F580] =	vst v63  }
0x30: {  	_ =	swait.ge [sflag:s15], $0x3E80  }
0x31: {  	[sflag:s15] =	ssyncset.done $0x0  }
0x32: {  	s12 =	rddreg [dreg:$0x5];
	[sflag:s15] =	ssyncadd.s32 $0xFFFFC180  }
0x33: {  	[tilespmem:s4], [sflag:$0x7] =	stream.linear.gather [hbm4b:s8+s4], $0x80, $0x38;
	[tilespmem:$0x1F580] =	vst v63  }
0x34: {  	s13 =	rddreg [dreg:$0x6]  }
0x35: {  	[tilespmem:s16], [sflag:$0x8] =	stream.linear.gather [hbm4b:s12+s4], $0x80, $0x38;
	[tilespmem:$0x1F580] =	vst v63  }
0x36: {  	s14 =	rddreg [dreg:$0x1]  }
0x37: {  	[tilespmem:s17], [sflag:$0x9] =	stream.linear.gather [hbm4b:s13+s4], $0x80, $0x38;
	[tilespmem:$0x1F580] =	vst v63  }
0x38: {  	[spmem:s19], [sflag:s18] =	dma.local [hbm:s14], $0x2780  }
0x39: {  	_ =	swait.ge [sflag:s15], $0x2780  }
0x3a: {  	[sflag:s15] =	ssyncset.done $0x0  }
0x3b: {  	[sflag:s15] =	ssyncadd.s32 $0xFFFFD880  }
0x3c: {  	[bflag:$0x0] =	sbarrier.arrive $0xFFFF  }
0x3d: {  	_ =	swait.ge [sflag:s20], $0x80  }
0x3e: {  	[sflag:s20] =	ssyncset.done $0x0  }
0x3f: {  	[sflag:s20] =	ssyncadd.s32 $0xFFFFFF80  }
0x40: {  	[tilespmem:s22], [sflag:$0x1] =	stream.indirect.gather [hbm4b:s7+s21], $0x80, s4, s21, $0xb8;
	[tilespmem:$0x1F580] =	vst v63  }
0x41: {  	_ =	swait.ge [sflag:s23], $0x80  }
0x42: {  	s9 =	simm.s32 $0x200;
	[sflag:s23] =	ssyncset.done $0x0  }
0x43: {  	s10 =	simm.s32 $0x0;
	s14 =	simm.s32 $0x280;
	[sflag:s23] =	ssyncadd.s32 $0xFFFFFF80  }
0x44: {  	[tilespmem:s24], [sflag:$0x2] =	stream.indirect.gather [hbm4b:s7+s21], $0x80, s16, s21, $0xb8;
	[tilespmem:$0x1F580] =	vst v63  }
.LBB2_2:
0x45: {  	p0 =	seq.s32 s14, $0x4000  }
.Ltmp2:
0x46: {  	_ = 	snop;
	(pc) =	sbr.rel @p0 .LBB2_6-.Ltmp2, $4  }
0x47: {  	_ = 	snop  }
0x48: {  	_ =	swait.ge [sflag:s25], $0x2800  }
0x49: {  	[sflag:s25] =	ssyncset.done $0x0  }
0x4a: {  	[sflag:s25] =	ssyncadd.s32 $0xFFFFD800  }
0x4b: {  	s11 =	sadd.s32 $0xFFFFFF00, s14  }
0x4c: {  	s12 =	sand.u32 $0xFC00, s11  }
0x4d: {  	s11 =	sand.u32 $0x380, s11;
	s12 =	sadd.s32 s5, s12  }
0x4e: {  	s11 =	sor.u32 s11, s12  }
0x4f: {  	s11 =	sshrl.u32 s11, $0x3  }
0x50: {  	p0 =	seq.s32 s14, $0x280;
	s11 =	sadd.s32 s6, s11  }
0x51: {  	[tilespmem:s4], [sflag:$0x7] =	stream.linear.gather [hbm4b:s11+s4], $0x80, $0x38;
	[tilespmem:$0x1F580] =	vst v63  }
0x52: {  	s12 =	sadd.s32 $0xFFFFFF80, s9;
	s11 =	simm.s32 @!p0 $0x6  }
0x53: {  	[spmem:s3] =	stream.indirect.scatter.add.f32 [tilespmem:s22], [sflag:$0x4], $0x80, s12, s21, $0xb8;
	[tilespmem:$0x1F580] =	vst v63  }
0x54: {  	_ =	swait.ge @!p0 [sflag:s11], $0x2800  }
0x55: {  	[sflag:s11] =	ssyncset.done @!p0 $0x0  }
0x56: {  	[sflag:s11] =	ssyncadd.s32 @!p0 $0xFFFFD800  }
0x57: {  	s11 =	sadd.s32 $0xFFFFFF80, s14;
	_ =	swait.ge [sflag:s1], $0x80  }
0x58: {  	s13 =	sand.u32 $0xFC00, s11;
	[sflag:s1] =	ssyncset.done $0x0  }
0x59: {  	s11 =	sand.u32 $0x380, s11;
	s12 =	sadd.s32 s5, s13;
	[sflag:s1] =	ssyncadd.s32 $0xFFFFFF80  }
0x5a: {  	[tilespmem:s26], [sflag:$0x3] =	stream.indirect.gather [hbm4b:s7+s21], $0x80, s17, s21, $0xb8;
	[tilespmem:$0x1F580] =	vst v63  }
0x5b: {  	s11 =	sor.u32 s11, s12;
	_ =	swait.ge [sflag:s28], $0x2800  }
0x5c: {  	s11 =	sshrl.u32 s11, $0x3;
	[sflag:s28] =	ssyncset.done $0x0  }
0x5d: {  	s11 =	sadd.s32 s6, s11;
	[sflag:s28] =	ssyncadd.s32 $0xFFFFD800  }
0x5e: {  	[tilespmem:s16], [sflag:$0x8] =	stream.linear.gather [hbm4b:s11+s4], $0x80, $0x38;
	[tilespmem:$0x1F580] =	vst v63  }
0x5f: {  	_ = 	snop  }
0x60: {  	[spmem:s3] =	stream.indirect.scatter.add.f32 [tilespmem:s24], [sflag:$0x5], $0x80, s9, s21, $0xb8;
	[tilespmem:$0x1F580] =	vst v63  }
0x61: {  	_ =	swait.ge [sflag:s31], $0x2800  }
0x62: {  	[sflag:s31] =	ssyncset.done $0x0  }
0x63: {  	[sflag:s31] =	ssyncadd.s32 $0xFFFFD800  }
0x64: {  	p0 =	slt.u32 s10, $0x28;
	_ =	swait.ge [sflag:s20], $0x80  }
0x65: {  	s11 =	sand.u32 @p0 $0xFC00, s14;
	[sflag:s20] =	ssyncset.done $0x0  }
0x66: {  	s12 =	sand.u32 @p0 $0x380, s14;
	s11 =	sadd.s32 @p0 s5, s11;
	[sflag:s20] =	ssyncadd.s32 $0xFFFFFF80  }
0x67: {  	[tilespmem:s22], [sflag:$0x1] =	stream.indirect.gather [hbm4b:s7+s21], $0x80, s4, s21, $0xb8;
	[tilespmem:$0x1F580] =	vst v63  }
0x68: {  	s11 =	sor.u32 @p0 s12, s11;
	_ =	swait.ge [sflag:s29], $0x2800  }
0x69: {  	s13 =	simm.s32 @p0 $0x100;
	s11 =	sshrl.u32 @p0 s11, $0x3;
	[sflag:s29] =	ssyncset.done $0x0  }
0x6a: {  	s12 =	simm.s32 @p0 $0x0;
	s11 =	sadd.s32 @p0 s6, s11;
	[sflag:s29] =	ssyncadd.s32 $0xFFFFD800  }
0x6b: {  	[tilespmem:s13], [sflag:$0x9] =	stream.linear.gather @p0 [hbm4b:s11+s12], $0x80, $0x38;
	[tilespmem:$0x1F580] =	vst v63  }
0x6c: {  	s13 =	sadd.s32 $0x80, s9  }
0x6d: {  	[spmem:s3] =	stream.indirect.scatter.add.f32 [tilespmem:s26], [sflag:$0x6], $0x80, s13, s21, $0xb8;
	[tilespmem:$0x1F580] =	vst v63  }
0x6e: {  	s14 =	sadd.s32 $0x180, s14;
	_ =	swait.ge [sflag:s0], $0x2800  }
0x6f: {  	p0 =	sne.s32 s14, $0x4180;
	[sflag:s0] =	ssyncset.done $0x0  }
.Ltmp3:
0x70: {  	[sflag:s0] =	ssyncadd.s32 $0xFFFFD800;
	(pc) =	sbr.rel @p0 .LBB2_2-.Ltmp3, $4  }
.Ltmp4:
0x71: {  	_ =	swait.ge [sflag:s23], $0x80;
	(pc) =	sbr.rel @!p0 .LBB2_4-.Ltmp4, $4  }
0x72: {  	[sflag:s23] =	ssyncset.done $0x0  }
0x73: {  	s10 =	sadd.s32 $0x1, s10;
	s9 =	sadd.s32 $0x180, s9;
	[sflag:s23] =	ssyncadd.s32 $0xFFFFFF80  }
0x74: {  	[tilespmem:s24], [sflag:$0x2] =	stream.indirect.gather [hbm4b:s7+s21], $0x80, s16, s21, $0xb8;
	[tilespmem:$0x1F580] =	vst v63  }
0x75: {  	_ = 	snop  }
.LBB2_5:
0x76: {  	_ =	sfence.sel $0x180000  }
0x77: {  	[bflag:$0x0] =	sbarrier.arrive $0xFFFF  }
0x78: {  	_ =	strace $0x90000050  }
0x79: {  	s0 =	stileid.u32;
	[bflag:$0x2] =	sbarrier.arrive $0xFFFF  }
0x7a: {  	p0 =	sne.s32 s0, $0x0;
	s0 =	rddreg [dreg:$0x3]  }
0x7b: {  	s0 =	sadd.s32 @!p0 $0x100000, s0  }
0x7c: {  	[sflag:s0] =	ssyncadd.tile.s32 @!p0 $0x1;
	_ =	shalt  }
.Lfunc_end2:
_tile_overlayer_lowered:
.L_overlay_start_2:
0x7d: {  	(tag) =	ssettag $0x2  }
0x7e: {  	s0 =	rddreg [dreg:$0x0];
	s2 =	stileid.u32  }
0x7f: {  	s1 =	rddreg [dreg:$0x1];
	p0 =	sne.s32 s2, $0x0  }
0x80: {  	s3 =	rddreg [dreg:$0x2];
	[bflag:$0x3] =	sbarrier.arrive $0xFFFF;
	s2 =	simm.s32 @!p0 $0x1C0A  }
0x81: {  	[timem:s3], [sflag:s2] =	dma.local @!p0 [hbm:s0], s1  }
0x82: {  	s0 =	simm.s32 @!p0 $0xA  }
0x83: {  	_ =	swait.ge @!p0 [sflag:s0], s1  }
0x84: {  	s1 =	ssub.s32 @!p0 $0x0, s1;
	[sflag:s0] =	ssyncset.done @!p0 $0x0  }
0x85: {  	[sflag:s0] =	ssyncadd.s32 @!p0 s1  }
0x86: {  	[bflag:$0x3] =	sbarrier.arrive $0xFFFF  }
0x87: {  	_ =	shalt  }

</sc_bundles>
